<compile_context>
chip_gen: v7x
topology: tpu7x:2x2x1
jax: 0.10.2.dev20260603
libtpu: 0.0.44.dev20260713+nightly
codegen_flags: <defaults>
</compile_context>

<pallas_src>
import functools

import jax
import jax.numpy as jnp
from jax import lax
from jax.experimental import pallas as pl
from jax.experimental.pallas import tpu as pltpu
import jax.experimental.pallas.tpu_sc as plsc

N = 10000
D_IN = 128
D_OUT = 64
R = 3
E = 320000
DH = 2 * D_OUT

NC, NS = 2, 16
NW = NC * NS
CHUNK = 80

DEG_BLK = 2000
DEG_NB = N // DEG_BLK
DEG_EDGES_PER_TILE = R * E // NW

COPIERS = 10
CROWS = N // COPIERS
EDGES_PER_TILE = E // NW
KPT = EDGES_PER_TILE // CHUNK

_MESH = plsc.VectorSubcoreMesh(
    core_axis_name="c", subcore_axis_name="s", num_cores=NC, num_subcores=NS
)


@functools.partial(
    pl.kernel,
    out_type=jax.ShapeDtypeStruct((R * N * NW,), jnp.float32),
    mesh=_MESH,
    compiler_params=pltpu.CompilerParams(needs_layout_passes=False),
    scratch_types=[
        pltpu.VMEM((DEG_EDGES_PER_TILE,), jnp.int32),
        pltpu.VMEM((R * N,), jnp.float32),
    ],
)
def _deg_kernel(dst3_hbm, zeros_hbm, out_hbm, idx_v, deg_v):
    c = lax.axis_index("c")
    s = lax.axis_index("s")
    tid = c * NS + s
    pltpu.sync_copy(zeros_hbm, deg_v)
    base = pl.multiple_of(tid * DEG_EDGES_PER_TILE, 8)
    pltpu.sync_copy(dst3_hbm.at[pl.ds(base, DEG_EDGES_PER_TILE)], idx_v)
    ones16 = jnp.full((16,), 1.0, jnp.float32)

    def body(j, carry):
        iv = idx_v[pl.ds(j * 16, 16)]
        plsc.addupdate_scatter(deg_v, [iv], ones16)
        return carry

    lax.fori_loop(0, DEG_EDGES_PER_TILE // 16, body, 0)

    for r in range(R):
        for i in range(DEG_NB):
            out0 = ((r * DEG_NB + i) * NW + tid) * DEG_BLK
            pltpu.sync_copy(
                deg_v.at[pl.ds(r * N + i * DEG_BLK, DEG_BLK)],
                out_hbm.at[pl.ds(out0, DEG_BLK)],
            )


@functools.partial(
    pl.kernel,
    out_type=jax.ShapeDtypeStruct((NC * R * N, DH), jnp.float32),
    mesh=_MESH,
    scratch_types=[
        pltpu.VMEM((CHUNK,), jnp.int32),
        pltpu.VMEM((CHUNK,), jnp.int32),
        pltpu.VMEM((CHUNK,), jnp.int32),
        pltpu.VMEM((CHUNK,), jnp.int32),
        pltpu.VMEM((CHUNK, DH), jnp.float32),
        pltpu.VMEM((CHUNK, DH), jnp.float32),
        pltpu.SemaphoreType.DMA,
        pltpu.SemaphoreType.DMA,
        pltpu.SemaphoreType.DMA,
        pltpu.SemaphoreType.DMA,
        pltpu.VMEM_SHARED((N, DH), jnp.float32),
    ],
)
def _scatter_kernel(hs2_hbm, si1_hbm, di1_hbm, zeros_hbm, out_hbm,
                    si_a, di_a, si_b, di_b, buf_a, buf_b,
                    sem_ga, sem_gb, sem_ia, sem_ib, acc_sh):
    c = lax.axis_index("c")
    s = lax.axis_index("s")
    tid = c * NS + s
    row0 = s * CROWS

    def iload(off, si_x, di_x, sem):
        off = pl.multiple_of(off, 8)
        pltpu.async_copy(si1_hbm.at[pl.ds(off, CHUNK)], si_x, sem)
        pltpu.async_copy(di1_hbm.at[pl.ds(off, CHUNK)], di_x, sem)

    def iwait(si_x, di_x, sem):
        pltpu.make_async_copy(si1_hbm.at[pl.ds(0, CHUNK)], si_x, sem).wait()
        pltpu.make_async_copy(di1_hbm.at[pl.ds(0, CHUNK)], di_x, sem).wait()

    def gather(si_x, buf, sem):
        pltpu.async_copy(hs2_hbm.at[si_x], buf, sem)

    def gwait(buf, sem):
        pltpu.make_async_copy(hs2_hbm.at[si_a], buf, sem).wait()

    def scat(di_x, buf):
        pltpu.sync_copy(buf, acc_sh.at[di_x], add=True)

    for r in range(R):
        @pl.when(s < COPIERS)
        def _():
            pltpu.sync_copy(zeros_hbm, acc_sh.at[pl.ds(row0, CROWS)])

        base = (r * NW + tid) * EDGES_PER_TILE
        iload(base, si_a, di_a, sem_ia)
        plsc.subcore_barrier()
        iwait(si_a, di_a, sem_ia)
        gather(si_a, buf_a, sem_ga)
        iload(base + CHUNK, si_b, di_b, sem_ib)
        iwait(si_b, di_b, sem_ib)

        def body(i, carry):
            gather(si_b, buf_b, sem_gb)
            gwait(buf_a, sem_ga)
            scat(di_a, buf_a)
            iload(base + (2 * i + 2) * CHUNK, si_a, di_a, sem_ia)
            iwait(si_a, di_a, sem_ia)
            gather(si_a, buf_a, sem_ga)
            gwait(buf_b, sem_gb)
            scat(di_b, buf_b)
            nxt = jnp.minimum(2 * i + 3, KPT - 1) * CHUNK
            iload(base + nxt, si_b, di_b, sem_ib)
            iwait(si_b, di_b, sem_ib)
            return carry

        lax.fori_loop(0, (KPT - 1) // 2, body, 0)

        gwait(buf_a, sem_ga)
        scat(di_a, buf_a)
        plsc.subcore_barrier()

        @pl.when(s < COPIERS)
        def _():
            out0 = (c * R + r) * N + row0
            pltpu.sync_copy(
                acc_sh.at[pl.ds(row0, CROWS)],
                out_hbm.at[pl.ds(out0, CROWS)],
            )


_BM = 2000
_NB = N // _BM


def _dinv_col(dg):
    ones = jnp.ones((NW, 1), jnp.float32)
    deg = 1.0 + lax.dot_general(
        dg, ones, (((0,), (0,)), ((), ())), preferred_element_type=jnp.float32)
    return lax.rsqrt(deg)


def _scale_body(x_ref, nx_ref, w_ref, dg_ref, o_ref):
    w = w_ref[0]
    dinv = _dinv_col(dg_ref[0])
    hp = jnp.dot(x_ref[...], w, preferred_element_type=jnp.float32)
    hn = jnp.dot(nx_ref[...], w, preferred_element_type=jnp.float32)
    o_ref[0] = jnp.concatenate([hp, hn], axis=1) * dinv


_scale_call = pl.pallas_call(
    _scale_body,
    grid=(R, _NB),
    in_specs=[
        pl.BlockSpec((_BM, D_IN), lambda r, i: (i, 0)),
        pl.BlockSpec((_BM, D_IN), lambda r, i: (i, 0)),
        pl.BlockSpec((1, D_IN, D_OUT), lambda r, i: (r, 0, 0)),
        pl.BlockSpec((1, NW, DEG_BLK), lambda r, i: (r * DEG_NB + i, 0, 0)),
    ],
    out_specs=pl.BlockSpec((1, _BM, DH), lambda r, i: (r, i, 0)),
    out_shape=jax.ShapeDtypeStruct((R, N, DH), jnp.float32),
)


def _final_body(p0_ref, p1_ref, hs2_ref, dg_ref, b2_ref,
                pos_ref, neg_ref, sum_ref):
    i = pl.program_id(1)
    dinv = _dinv_col(dg_ref[0])
    acc = (p0_ref[0] + p1_ref[0] + hs2_ref[0]) * dinv + b2_ref[0]
    acc = jnp.maximum(acc, 0.0)
    pos = acc[:, :D_OUT]
    pos_ref[0] = pos
    neg_ref[0] = acc[:, D_OUT:]
    psum = jnp.sum(pos, axis=0, keepdims=True) * (1.0 / N)

    @pl.when(i == 0)
    def _():
        sum_ref[0] = psum

    @pl.when(i != 0)
    def _():
        sum_ref[0] += psum


_final_call = pl.pallas_call(
    _final_body,
    grid=(R, _NB),
    in_specs=[
        pl.BlockSpec((1, _BM, DH), lambda r, i: (r, i, 0)),
        pl.BlockSpec((1, _BM, DH), lambda r, i: (R + r, i, 0)),
        pl.BlockSpec((1, _BM, DH), lambda r, i: (r, i, 0)),
        pl.BlockSpec((1, NW, DEG_BLK), lambda r, i: (r * DEG_NB + i, 0, 0)),
        pl.BlockSpec((1, 1, DH), lambda r, i: (r, 0, 0)),
    ],
    out_specs=[
        pl.BlockSpec((1, _BM, D_OUT), lambda r, i: (r, i, 0)),
        pl.BlockSpec((1, _BM, D_OUT), lambda r, i: (r, i, 0)),
        pl.BlockSpec((1, 1, D_OUT), lambda r, i: (r, 0, 0)),
    ],
    out_shape=[
        jax.ShapeDtypeStruct((R, N, D_OUT), jnp.float32),
        jax.ShapeDtypeStruct((R, N, D_OUT), jnp.float32),
        jax.ShapeDtypeStruct((R, 1, D_OUT), jnp.float32),
    ],
)


def kernel(x, edge_indices, W, b, perm):
    offs = (jnp.arange(R, dtype=jnp.int32) * N)[:, None]
    si2 = (edge_indices[:, 0, :] + offs).reshape(-1)
    di2 = edge_indices[:, 1, :].reshape(-1)
    dst3_all = (edge_indices[:, 1, :] + offs).reshape(-1)
    neg_x = x[perm]
    zeros_d = jnp.zeros((R * N,), jnp.float32)
    zeros_h = jnp.zeros((CROWS, DH), jnp.float32)
    b2 = jnp.concatenate([b, b], axis=1).reshape(R, 1, DH)

    degs = _deg_kernel(dst3_all, zeros_d).reshape(R * DEG_NB, NW, DEG_BLK)

    hs2 = _scale_call(x, neg_x, W, degs)

    parts = _scatter_kernel(hs2.reshape(R * N, DH), si2, di2, zeros_h)
    pp = parts.reshape(NC * R, N, DH)

    pos, neg, summ = _final_call(pp, pp, hs2, degs, b2)
    return pos, neg, summ

# --- scband reference (transcript-rebuilt; emitter-appended) ---
"""Pipeline reference for scband-dmgi-13975823582294 (READ-ONLY COPY).

The authoritative reference and input builder live on the scoring server;
editing this copy changes nothing except your own understanding.
"""

import jax, jax.numpy as jnp
import numpy as np

N = 10000
D_IN = 128
D_OUT = 64
R = 3
E = 320000


def setup_inputs(seed: int = 0) -> dict:
    key = jax.random.key(seed)
    ks = jax.random.split(key, 6)
    x = jax.random.normal(ks[0], (N, D_IN), dtype=jnp.float32)
    edge_indices = jax.random.randint(ks[1], (R, 2, E), 0, N, dtype=jnp.int32)
    # GCNConv weights/bias per relation (glorot-style init)
    W = jax.random.normal(ks[2], (R, D_IN, D_OUT), dtype=jnp.float32) * (1.0 / np.sqrt(D_IN))
    b = jnp.zeros((R, D_OUT), dtype=jnp.float32)
    # fixed permutation for the corruption (torch uses randperm each call; we
    # materialize one fixed permutation for determinism)
    perm = jax.random.permutation(ks[3], N)
    return {"x": x, "edge_indices": edge_indices, "W": W, "b": b, "perm": perm}


def gcn_conv(x, edge_index, W, b):
    # x' = D^{-1/2} (A + I) D^{-1/2} X W + b  (PyG GCNConv with self-loops)
    h = x @ W
    src = edge_index[0]
    dst = edge_index[1]
    loop = jnp.arange(N, dtype=src.dtype)
    src = jnp.concatenate([src, loop])
    dst = jnp.concatenate([dst, loop])
    deg = jax.ops.segment_sum(jnp.ones_like(dst, dtype=h.dtype), dst, num_segments=N)
    dinv = jnp.where(deg > 0, deg ** -0.5, 0.0)
    norm = dinv[src] * dinv[dst]
    msgs = h[src] * norm[:, None]
    out = jax.ops.segment_sum(msgs, dst, num_segments=N)
    return out + b


def reference(x, edge_indices, W, b, perm):
    # DMGI.forward in eval mode (dropout p=0.5 disabled; training=False).
    # Negative samples use a fixed row permutation of x.
    pos_hs, neg_hs, summaries = [], [], []
    neg_x = x[perm]
    for r in range(R):
        pos_h = jax.nn.relu(gcn_conv(x, edge_indices[r], W[r], b[r]))
        neg_h = jax.nn.relu(gcn_conv(neg_x, edge_indices[r], W[r], b[r]))
        pos_hs.append(pos_h)
        neg_hs.append(neg_h)
        summaries.append(pos_h.mean(axis=0, keepdims=True))
    return (jnp.stack(pos_hs), jnp.stack(neg_hs), jnp.stack(summaries))

if __name__ == "__main__":
    import jax
    _d = setup_inputs()
    print(jax.jit(kernel)(*tuple(_d.values())))

</pallas_src>

<mosaic_0001>
#map = affine_map<(d0, d1) -> (0)>
module attributes {stable_mosaic.version = 14 : i64} {
  func.func @_deg_kernel(%arg0: i32, %arg1: i32, %arg2: memref<960000xi32, #tpu.memory_space<hbm>>, %arg3: memref<30000xf32, #tpu.memory_space<hbm>>, %arg4: memref<960000xf32, #tpu.memory_space<hbm>>, %arg5: memref<30000xi32, #tpu.memory_space<vmem>>, %arg6: memref<30000xf32, #tpu.memory_space<vmem>>) attributes {dimension_semantics = [#tpu.dimension_semantics<core_parallel>, #tpu.dimension_semantics<subcore_parallel>], iteration_bounds = array<i64: 2, 16>, scalar_prefetch = 0 : i64, scratch_operands = 2 : i64, tpu.core_type = #tpu.core_type<sc_vector_subcore>, window_params = [{transform_indices = #map}, {transform_indices = #map}, {transform_indices = #map}]} {
    %mul3A = arith.constant 16 : i32
    %mul3A_0 = arith.muli %arg0, %mul3A : i32
    %add3A = arith.addi %mul3A_0, %arg1 : i32
    "tpu.region"() ({
      %run_scoped3A = tpu.sem_alloc : memref<!tpu.dma_semaphore, #tpu.memory_space<semaphore_mem>>
      tpu.enqueue_dma source(%arg3 : memref<30000xf32, #tpu.memory_space<hbm>>) target(%arg6 : memref<30000xf32, #tpu.memory_space<vmem>>) target_semaphore(%run_scoped3A : memref<!tpu.dma_semaphore, #tpu.memory_space<semaphore_mem>>)
      tpu.wait_dma2 semaphore(%run_scoped3A : memref<!tpu.dma_semaphore, #tpu.memory_space<semaphore_mem>>) src(%arg3 : memref<30000xf32, #tpu.memory_space<hbm>>) dst(%arg6 : memref<30000xf32, #tpu.memory_space<vmem>>)
      tpu.yield
    }) : () -> ()
    %mul3A_1 = arith.constant 30000 : i32
    %mul3A_2 = arith.muli %add3A, %mul3A_1 : i32
    %multiple_of3A = tpu.assume_multiple %mul3A_2, 8 : i32
    "tpu.region"() ({
      %run_scoped3A = tpu.sem_alloc : memref<!tpu.dma_semaphore, #tpu.memory_space<semaphore_mem>>
      %dma_start3A = tpu.memref_slice %arg2[%multiple_of3A] : memref<960000xi32, #tpu.memory_space<hbm>> -> memref<30000xi32, #tpu.memory_space<hbm>>
      %dma_start3A_69 = tpu.memref_slice %arg2[%multiple_of3A] : memref<960000xi32, #tpu.memory_space<hbm>> -> memref<30000xi32, #tpu.memory_space<hbm>>
      tpu.enqueue_dma source(%dma_start3A_69 : memref<30000xi32, #tpu.memory_space<hbm>>) target(%arg5 : memref<30000xi32, #tpu.memory_space<vmem>>) target_semaphore(%run_scoped3A : memref<!tpu.dma_semaphore, #tpu.memory_space<semaphore_mem>>)
      %dma_wait3A = tpu.memref_slice %arg2[%multiple_of3A] : memref<960000xi32, #tpu.memory_space<hbm>> -> memref<30000xi32, #tpu.memory_space<hbm>>
      %dma_wait3A_70 = tpu.memref_slice %arg2[%multiple_of3A] : memref<960000xi32, #tpu.memory_space<hbm>> -> memref<30000xi32, #tpu.memory_space<hbm>>
      tpu.wait_dma2 semaphore(%run_scoped3A : memref<!tpu.dma_semaphore, #tpu.memory_space<semaphore_mem>>) src(%dma_wait3A_70 : memref<30000xi32, #tpu.memory_space<hbm>>) dst(%arg5 : memref<30000xi32, #tpu.memory_space<vmem>>)
      tpu.yield
    }) : () -> ()
    %broadcast_in_dim3A = arith.constant 1.000000e+00 : f32
    %broadcast_in_dim3A_3 = vector.broadcast %broadcast_in_dim3A : f32 to vector<16xf32>
    %scan3A = arith.constant 0 : i32
    %scan3A_4 = arith.constant 0 : i32
    %scan3A_5 = arith.constant 1875 : i32
    %scan3A_6 = arith.addi %scan3A_4, %scan3A_5 : i32
    %scan3A_7 = arith.constant 1 : i32
    scf.for %scan3A_69 = %scan3A_4 to %scan3A_6 step %scan3A_7  : i32 {
      %mul3A_70 = arith.constant 16 : i32
      %mul3A_71 = arith.muli %scan3A_69, %mul3A_70 : i32
      %get3A = arith.index_cast %mul3A_71 : i32 to index
      %get3A_72 = tpu.vector_load %arg5[%get3A] {strides = array<i32>} : memref<30000xi32, #tpu.memory_space<vmem>>, vector<16xi32>,
      tpu.vector_store_idx %arg6[%get3A_72], %broadcast_in_dim3A_3 {add = true} : memref<30000xf32, #tpu.memory_space<vmem>>[vector<16xi32>], vector<16xf32>,
    }
    %scan3A_8 = arith.constant 1875 : i32
    %add3A_9 = arith.constant 0 : i32
    %add3A_10 = arith.addi %add3A_9, %add3A : i32
    %mul3A_11 = arith.constant 2000 : i32
    %mul3A_12 = arith.muli %add3A_10, %mul3A_11 : i32
    "tpu.region"() ({
      %run_scoped3A = tpu.sem_alloc : memref<!tpu.dma_semaphore, #tpu.memory_space<semaphore_mem>>
      %dma_start3A = arith.constant 0 : i32
      %dma_start3A_69 = tpu.memref_slice %arg6[%dma_start3A] : memref<30000xf32, #tpu.memory_space<vmem>> -> memref<2000xf32, #tpu.memory_space<vmem>>
      %dma_start3A_70 = tpu.memref_slice %arg4[%mul3A_12] : memref<960000xf32, #tpu.memory_space<hbm>> -> memref<2000xf32, #tpu.memory_space<hbm>>
      %dma_start3A_71 = tpu.memref_slice %arg4[%mul3A_12] : memref<960000xf32, #tpu.memory_space<hbm>> -> memref<2000xf32, #tpu.memory_space<hbm>>
      %dma_start3A_72 = arith.constant 0 : i32
      %dma_start3A_73 = tpu.memref_slice %arg6[%dma_start3A_72] : memref<30000xf32, #tpu.memory_space<vmem>> -> memref<2000xf32, #tpu.memory_space<vmem>>
      tpu.enqueue_dma source(%dma_start3A_73 : memref<2000xf32, #tpu.memory_space<vmem>>) target(%dma_start3A_71 : memref<2000xf32, #tpu.memory_space<hbm>>) target_semaphore(%run_scoped3A : memref<!tpu.dma_semaphore, #tpu.memory_space<semaphore_mem>>)
      %dma_wait3A = arith.constant 0 : i32
      %dma_wait3A_74 = tpu.memref_slice %arg6[%dma_wait3A] : memref<30000xf32, #tpu.memory_space<vmem>> -> memref<2000xf32, #tpu.memory_space<vmem>>
      %dma_wait3A_75 = tpu.memref_slice %arg4[%mul3A_12] : memref<960000xf32, #tpu.memory_space<hbm>> -> memref<2000xf32, #tpu.memory_space<hbm>>
      %dma_wait3A_76 = tpu.memref_slice %arg4[%mul3A_12] : memref<960000xf32, #tpu.memory_space<hbm>> -> memref<2000xf32, #tpu.memory_space<hbm>>
      %dma_wait3A_77 = arith.constant 0 : i32
      %dma_wait3A_78 = tpu.memref_slice %arg6[%dma_wait3A_77] : memref<30000xf32, #tpu.memory_space<vmem>> -> memref<2000xf32, #tpu.memory_space<vmem>>
      tpu.wait_dma2 semaphore(%run_scoped3A : memref<!tpu.dma_semaphore, #tpu.memory_space<semaphore_mem>>) src(%dma_wait3A_78 : memref<2000xf32, #tpu.memory_space<vmem>>) dst(%dma_wait3A_76 : memref<2000xf32, #tpu.memory_space<hbm>>)
      tpu.yield
    }) : () -> ()
    %add3A_13 = arith.constant 32 : i32
    %add3A_14 = arith.addi %add3A_13, %add3A : i32
    %mul3A_15 = arith.constant 2000 : i32
    %mul3A_16 = arith.muli %add3A_14, %mul3A_15 : i32
    "tpu.region"() ({
      %run_scoped3A = tpu.sem_alloc : memref<!tpu.dma_semaphore, #tpu.memory_space<semaphore_mem>>
      %dma_start3A = arith.constant 2000 : i32
      %dma_start3A_69 = tpu.memref_slice %arg6[%dma_start3A] : memref<30000xf32, #tpu.memory_space<vmem>> -> memref<2000xf32, #tpu.memory_space<vmem>>
      %dma_start3A_70 = tpu.memref_slice %arg4[%mul3A_16] : memref<960000xf32, #tpu.memory_space<hbm>> -> memref<2000xf32, #tpu.memory_space<hbm>>
      %dma_start3A_71 = tpu.memref_slice %arg4[%mul3A_16] : memref<960000xf32, #tpu.memory_space<hbm>> -> memref<2000xf32, #tpu.memory_space<hbm>>
      %dma_start3A_72 = arith.constant 2000 : i32
      %dma_start3A_73 = tpu.memref_slice %arg6[%dma_start3A_72] : memref<30000xf32, #tpu.memory_space<vmem>> -> memref<2000xf32, #tpu.memory_space<vmem>>
      tpu.enqueue_dma source(%dma_start3A_73 : memref<2000xf32, #tpu.memory_space<vmem>>) target(%dma_start3A_71 : memref<2000xf32, #tpu.memory_space<hbm>>) target_semaphore(%run_scoped3A : memref<!tpu.dma_semaphore, #tpu.memory_space<semaphore_mem>>)
      %dma_wait3A = arith.constant 2000 : i32
      %dma_wait3A_74 = tpu.memref_slice %arg6[%dma_wait3A] : memref<30000xf32, #tpu.memory_space<vmem>> -> memref<2000xf32, #tpu.memory_space<vmem>>
      %dma_wait3A_75 = tpu.memref_slice %arg4[%mul3A_16] : memref<960000xf32, #tpu.memory_space<hbm>> -> memref<2000xf32, #tpu.memory_space<hbm>>
      %dma_wait3A_76 = tpu.memref_slice %arg4[%mul3A_16] : memref<960000xf32, #tpu.memory_space<hbm>> -> memref<2000xf32, #tpu.memory_space<hbm>>
      %dma_wait3A_77 = arith.constant 2000 : i32
      %dma_wait3A_78 = tpu.memref_slice %arg6[%dma_wait3A_77] : memref<30000xf32, #tpu.memory_space<vmem>> -> memref<2000xf32, #tpu.memory_space<vmem>>
      tpu.wait_dma2 semaphore(%run_scoped3A : memref<!tpu.dma_semaphore, #tpu.memory_space<semaphore_mem>>) src(%dma_wait3A_78 : memref<2000xf32, #tpu.memory_space<vmem>>) dst(%dma_wait3A_76 : memref<2000xf32, #tpu.memory_space<hbm>>)
      tpu.yield
    }) : () -> ()
    %add3A_17 = arith.constant 64 : i32
    %add3A_18 = arith.addi %add3A_17, %add3A : i32
    %mul3A_19 = arith.constant 2000 : i32
    %mul3A_20 = arith.muli %add3A_18, %mul3A_19 : i32
    "tpu.region"() ({
      %run_scoped3A = tpu.sem_alloc : memref<!tpu.dma_semaphore, #tpu.memory_space<semaphore_mem>>
      %dma_start3A = arith.constant 4000 : i32
      %dma_start3A_69 = tpu.memref_slice %arg6[%dma_start3A] : memref<30000xf32, #tpu.memory_space<vmem>> -> memref<2000xf32, #tpu.memory_space<vmem>>
      %dma_start3A_70 = tpu.memref_slice %arg4[%mul3A_20] : memref<960000xf32, #tpu.memory_space<hbm>> -> memref<2000xf32, #tpu.memory_space<hbm>>
      %dma_start3A_71 = tpu.memref_slice %arg4[%mul3A_20] : memref<960000xf32, #tpu.memory_space<hbm>> -> memref<2000xf32, #tpu.memory_space<hbm>>
      %dma_start3A_72 = arith.constant 4000 : i32
      %dma_start3A_73 = tpu.memref_slice %arg6[%dma_start3A_72] : memref<30000xf32, #tpu.memory_space<vmem>> -> memref<2000xf32, #tpu.memory_space<vmem>>
      tpu.enqueue_dma source(%dma_start3A_73 : memref<2000xf32, #tpu.memory_space<vmem>>) target(%dma_start3A_71 : memref<2000xf32, #tpu.memory_space<hbm>>) target_semaphore(%run_scoped3A : memref<!tpu.dma_semaphore, #tpu.memory_space<semaphore_mem>>)
      %dma_wait3A = arith.constant 4000 : i32
      %dma_wait3A_74 = tpu.memref_slice %arg6[%dma_wait3A] : memref<30000xf32, #tpu.memory_space<vmem>> -> memref<2000xf32, #tpu.memory_space<vmem>>
      %dma_wait3A_75 = tpu.memref_slice %arg4[%mul3A_20] : memref<960000xf32, #tpu.memory_space<hbm>> -> memref<2000xf32, #tpu.memory_space<hbm>>
      %dma_wait3A_76 = tpu.memref_slice %arg4[%mul3A_20] : memref<960000xf32, #tpu.memory_space<hbm>> -> memref<2000xf32, #tpu.memory_space<hbm>>
      %dma_wait3A_77 = arith.constant 4000 : i32
      %dma_wait3A_78 = tpu.memref_slice %arg6[%dma_wait3A_77] : memref<30000xf32, #tpu.memory_space<vmem>> -> memref<2000xf32, #tpu.memory_space<vmem>>
      tpu.wait_dma2 semaphore(%run_scoped3A : memref<!tpu.dma_semaphore, #tpu.memory_space<semaphore_mem>>) src(%dma_wait3A_78 : memref<2000xf32, #tpu.memory_space<vmem>>) dst(%dma_wait3A_76 : memref<2000xf32, #tpu.memory_space<hbm>>)
      tpu.yield
    }) : () -> ()
    %add3A_21 = arith.constant 96 : i32
    %add3A_22 = arith.addi %add3A_21, %add3A : i32
    %mul3A_23 = arith.constant 2000 : i32
    %mul3A_24 = arith.muli %add3A_22, %mul3A_23 : i32
    "tpu.region"() ({
      %run_scoped3A = tpu.sem_alloc : memref<!tpu.dma_semaphore, #tpu.memory_space<semaphore_mem>>
      %dma_start3A = arith.constant 6000 : i32
      %dma_start3A_69 = tpu.memref_slice %arg6[%dma_start3A] : memref<30000xf32, #tpu.memory_space<vmem>> -> memref<2000xf32, #tpu.memory_space<vmem>>
      %dma_start3A_70 = tpu.memref_slice %arg4[%mul3A_24] : memref<960000xf32, #tpu.memory_space<hbm>> -> memref<2000xf32, #tpu.memory_space<hbm>>
      %dma_start3A_71 = tpu.memref_slice %arg4[%mul3A_24] : memref<960000xf32, #tpu.memory_space<hbm>> -> memref<2000xf32, #tpu.memory_space<hbm>>
      %dma_start3A_72 = arith.constant 6000 : i32
      %dma_start3A_73 = tpu.memref_slice %arg6[%dma_start3A_72] : memref<30000xf32, #tpu.memory_space<vmem>> -> memref<2000xf32, #tpu.memory_space<vmem>>
      tpu.enqueue_dma source(%dma_start3A_73 : memref<2000xf32, #tpu.memory_space<vmem>>) target(%dma_start3A_71 : memref<2000xf32, #tpu.memory_space<hbm>>) target_semaphore(%run_scoped3A : memref<!tpu.dma_semaphore, #tpu.memory_space<semaphore_mem>>)
      %dma_wait3A = arith.constant 6000 : i32
      %dma_wait3A_74 = tpu.memref_slice %arg6[%dma_wait3A] : memref<30000xf32, #tpu.memory_space<vmem>> -> memref<2000xf32, #tpu.memory_space<vmem>>
      %dma_wait3A_75 = tpu.memref_slice %arg4[%mul3A_24] : memref<960000xf32, #tpu.memory_space<hbm>> -> memref<2000xf32, #tpu.memory_space<hbm>>
      %dma_wait3A_76 = tpu.memref_slice %arg4[%mul3A_24] : memref<960000xf32, #tpu.memory_space<hbm>> -> memref<2000xf32, #tpu.memory_space<hbm>>
      %dma_wait3A_77 = arith.constant 6000 : i32
      %dma_wait3A_78 = tpu.memref_slice %arg6[%dma_wait3A_77] : memref<30000xf32, #tpu.memory_space<vmem>> -> memref<2000xf32, #tpu.memory_space<vmem>>
      tpu.wait_dma2 semaphore(%run_scoped3A : memref<!tpu.dma_semaphore, #tpu.memory_space<semaphore_mem>>) src(%dma_wait3A_78 : memref<2000xf32, #tpu.memory_space<vmem>>) dst(%dma_wait3A_76 : memref<2000xf32, #tpu.memory_space<hbm>>)
      tpu.yield
    }) : () -> ()
    %add3A_25 = arith.constant 128 : i32
    %add3A_26 = arith.addi %add3A_25, %add3A : i32
    %mul3A_27 = arith.constant 2000 : i32
    %mul3A_28 = arith.muli %add3A_26, %mul3A_27 : i32
    "tpu.region"() ({
      %run_scoped3A = tpu.sem_alloc : memref<!tpu.dma_semaphore, #tpu.memory_space<semaphore_mem>>
      %dma_start3A = arith.constant 8000 : i32
      %dma_start3A_69 = tpu.memref_slice %arg6[%dma_start3A] : memref<30000xf32, #tpu.memory_space<vmem>> -> memref<2000xf32, #tpu.memory_space<vmem>>
      %dma_start3A_70 = tpu.memref_slice %arg4[%mul3A_28] : memref<960000xf32, #tpu.memory_space<hbm>> -> memref<2000xf32, #tpu.memory_space<hbm>>
      %dma_start3A_71 = tpu.memref_slice %arg4[%mul3A_28] : memref<960000xf32, #tpu.memory_space<hbm>> -> memref<2000xf32, #tpu.memory_space<hbm>>
      %dma_start3A_72 = arith.constant 8000 : i32
      %dma_start3A_73 = tpu.memref_slice %arg6[%dma_start3A_72] : memref<30000xf32, #tpu.memory_space<vmem>> -> memref<2000xf32, #tpu.memory_space<vmem>>
      tpu.enqueue_dma source(%dma_start3A_73 : memref<2000xf32, #tpu.memory_space<vmem>>) target(%dma_start3A_71 : memref<2000xf32, #tpu.memory_space<hbm>>) target_semaphore(%run_scoped3A : memref<!tpu.dma_semaphore, #tpu.memory_space<semaphore_mem>>)
      %dma_wait3A = arith.constant 8000 : i32
      %dma_wait3A_74 = tpu.memref_slice %arg6[%dma_wait3A] : memref<30000xf32, #tpu.memory_space<vmem>> -> memref<2000xf32, #tpu.memory_space<vmem>>
      %dma_wait3A_75 = tpu.memref_slice %arg4[%mul3A_28] : memref<960000xf32, #tpu.memory_space<hbm>> -> memref<2000xf32, #tpu.memory_space<hbm>>
      %dma_wait3A_76 = tpu.memref_slice %arg4[%mul3A_28] : memref<960000xf32, #tpu.memory_space<hbm>> -> memref<2000xf32, #tpu.memory_space<hbm>>
      %dma_wait3A_77 = arith.constant 8000 : i32
      %dma_wait3A_78 = tpu.memref_slice %arg6[%dma_wait3A_77] : memref<30000xf32, #tpu.memory_space<vmem>> -> memref<2000xf32, #tpu.memory_space<vmem>>
      tpu.wait_dma2 semaphore(%run_scoped3A : memref<!tpu.dma_semaphore, #tpu.memory_space<semaphore_mem>>) src(%dma_wait3A_78 : memref<2000xf32, #tpu.memory_space<vmem>>) dst(%dma_wait3A_76 : memref<2000xf32, #tpu.memory_space<hbm>>)
      tpu.yield
    }) : () -> ()
    %add3A_29 = arith.constant 160 : i32
    %add3A_30 = arith.addi %add3A_29, %add3A : i32
    %mul3A_31 = arith.constant 2000 : i32
    %mul3A_32 = arith.muli %add3A_30, %mul3A_31 : i32
    "tpu.region"() ({
      %run_scoped3A = tpu.sem_alloc : memref<!tpu.dma_semaphore, #tpu.memory_space<semaphore_mem>>
      %dma_start3A = arith.constant 10000 : i32
      %dma_start3A_69 = tpu.memref_slice %arg6[%dma_start3A] : memref<30000xf32, #tpu.memory_space<vmem>> -> memref<2000xf32, #tpu.memory_space<vmem>>
      %dma_start3A_70 = tpu.memref_slice %arg4[%mul3A_32] : memref<960000xf32, #tpu.memory_space<hbm>> -> memref<2000xf32, #tpu.memory_space<hbm>>
      %dma_start3A_71 = tpu.memref_slice %arg4[%mul3A_32] : memref<960000xf32, #tpu.memory_space<hbm>> -> memref<2000xf32, #tpu.memory_space<hbm>>
      %dma_start3A_72 = arith.constant 10000 : i32
      %dma_start3A_73 = tpu.memref_slice %arg6[%dma_start3A_72] : memref<30000xf32, #tpu.memory_space<vmem>> -> memref<2000xf32, #tpu.memory_space<vmem>>
      tpu.enqueue_dma source(%dma_start3A_73 : memref<2000xf32, #tpu.memory_space<vmem>>) target(%dma_start3A_71 : memref<2000xf32, #tpu.memory_space<hbm>>) target_semaphore(%run_scoped3A : memref<!tpu.dma_semaphore, #tpu.memory_space<semaphore_mem>>)
      %dma_wait3A = arith.constant 10000 : i32
      %dma_wait3A_74 = tpu.memref_slice %arg6[%dma_wait3A] : memref<30000xf32, #tpu.memory_space<vmem>> -> memref<2000xf32, #tpu.memory_space<vmem>>
      %dma_wait3A_75 = tpu.memref_slice %arg4[%mul3A_32] : memref<960000xf32, #tpu.memory_space<hbm>> -> memref<2000xf32, #tpu.memory_space<hbm>>
      %dma_wait3A_76 = tpu.memref_slice %arg4[%mul3A_32] : memref<960000xf32, #tpu.memory_space<hbm>> -> memref<2000xf32, #tpu.memory_space<hbm>>
      %dma_wait3A_77 = arith.constant 10000 : i32
      %dma_wait3A_78 = tpu.memref_slice %arg6[%dma_wait3A_77] : memref<30000xf32, #tpu.memory_space<vmem>> -> memref<2000xf32, #tpu.memory_space<vmem>>
      tpu.wait_dma2 semaphore(%run_scoped3A : memref<!tpu.dma_semaphore, #tpu.memory_space<semaphore_mem>>) src(%dma_wait3A_78 : memref<2000xf32, #tpu.memory_space<vmem>>) dst(%dma_wait3A_76 : memref<2000xf32, #tpu.memory_space<hbm>>)
      tpu.yield
    }) : () -> ()
    %add3A_33 = arith.constant 192 : i32
    %add3A_34 = arith.addi %add3A_33, %add3A : i32
    %mul3A_35 = arith.constant 2000 : i32
    %mul3A_36 = arith.muli %add3A_34, %mul3A_35 : i32
    "tpu.region"() ({
      %run_scoped3A = tpu.sem_alloc : memref<!tpu.dma_semaphore, #tpu.memory_space<semaphore_mem>>
      %dma_start3A = arith.constant 12000 : i32
      %dma_start3A_69 = tpu.memref_slice %arg6[%dma_start3A] : memref<30000xf32, #tpu.memory_space<vmem>> -> memref<2000xf32, #tpu.memory_space<vmem>>
      %dma_start3A_70 = tpu.memref_slice %arg4[%mul3A_36] : memref<960000xf32, #tpu.memory_space<hbm>> -> memref<2000xf32, #tpu.memory_space<hbm>>
      %dma_start3A_71 = tpu.memref_slice %arg4[%mul3A_36] : memref<960000xf32, #tpu.memory_space<hbm>> -> memref<2000xf32, #tpu.memory_space<hbm>>
      %dma_start3A_72 = arith.constant 12000 : i32
      %dma_start3A_73 = tpu.memref_slice %arg6[%dma_start3A_72] : memref<30000xf32, #tpu.memory_space<vmem>> -> memref<2000xf32, #tpu.memory_space<vmem>>
      tpu.enqueue_dma source(%dma_start3A_73 : memref<2000xf32, #tpu.memory_space<vmem>>) target(%dma_start3A_71 : memref<2000xf32, #tpu.memory_space<hbm>>) target_semaphore(%run_scoped3A : memref<!tpu.dma_semaphore, #tpu.memory_space<semaphore_mem>>)
      %dma_wait3A = arith.constant 12000 : i32
      %dma_wait3A_74 = tpu.memref_slice %arg6[%dma_wait3A] : memref<30000xf32, #tpu.memory_space<vmem>> -> memref<2000xf32, #tpu.memory_space<vmem>>
      %dma_wait3A_75 = tpu.memref_slice %arg4[%mul3A_36] : memref<960000xf32, #tpu.memory_space<hbm>> -> memref<2000xf32, #tpu.memory_space<hbm>>
      %dma_wait3A_76 = tpu.memref_slice %arg4[%mul3A_36] : memref<960000xf32, #tpu.memory_space<hbm>> -> memref<2000xf32, #tpu.memory_space<hbm>>
      %dma_wait3A_77 = arith.constant 12000 : i32
      %dma_wait3A_78 = tpu.memref_slice %arg6[%dma_wait3A_77] : memref<30000xf32, #tpu.memory_space<vmem>> -> memref<2000xf32, #tpu.memory_space<vmem>>
      tpu.wait_dma2 semaphore(%run_scoped3A : memref<!tpu.dma_semaphore, #tpu.memory_space<semaphore_mem>>) src(%dma_wait3A_78 : memref<2000xf32, #tpu.memory_space<vmem>>) dst(%dma_wait3A_76 : memref<2000xf32, #tpu.memory_space<hbm>>)
      tpu.yield
    }) : () -> ()
    %add3A_37 = arith.constant 224 : i32
    %add3A_38 = arith.addi %add3A_37, %add3A : i32
    %mul3A_39 = arith.constant 2000 : i32
    %mul3A_40 = arith.muli %add3A_38, %mul3A_39 : i32
    "tpu.region"() ({
      %run_scoped3A = tpu.sem_alloc : memref<!tpu.dma_semaphore, #tpu.memory_space<semaphore_mem>>
      %dma_start3A = arith.constant 14000 : i32
      %dma_start3A_69 = tpu.memref_slice %arg6[%dma_start3A] : memref<30000xf32, #tpu.memory_space<vmem>> -> memref<2000xf32, #tpu.memory_space<vmem>>
      %dma_start3A_70 = tpu.memref_slice %arg4[%mul3A_40] : memref<960000xf32, #tpu.memory_space<hbm>> -> memref<2000xf32, #tpu.memory_space<hbm>>
      %dma_start3A_71 = tpu.memref_slice %arg4[%mul3A_40] : memref<960000xf32, #tpu.memory_space<hbm>> -> memref<2000xf32, #tpu.memory_space<hbm>>
      %dma_start3A_72 = arith.constant 14000 : i32
      %dma_start3A_73 = tpu.memref_slice %arg6[%dma_start3A_72] : memref<30000xf32, #tpu.memory_space<vmem>> -> memref<2000xf32, #tpu.memory_space<vmem>>
      tpu.enqueue_dma source(%dma_start3A_73 : memref<2000xf32, #tpu.memory_space<vmem>>) target(%dma_start3A_71 : memref<2000xf32, #tpu.memory_space<hbm>>) target_semaphore(%run_scoped3A : memref<!tpu.dma_semaphore, #tpu.memory_space<semaphore_mem>>)
      %dma_wait3A = arith.constant 14000 : i32
      %dma_wait3A_74 = tpu.memref_slice %arg6[%dma_wait3A] : memref<30000xf32, #tpu.memory_space<vmem>> -> memref<2000xf32, #tpu.memory_space<vmem>>
      %dma_wait3A_75 = tpu.memref_slice %arg4[%mul3A_40] : memref<960000xf32, #tpu.memory_space<hbm>> -> memref<2000xf32, #tpu.memory_space<hbm>>
      %dma_wait3A_76 = tpu.memref_slice %arg4[%mul3A_40] : memref<960000xf32, #tpu.memory_space<hbm>> -> memref<2000xf32, #tpu.memory_space<hbm>>
      %dma_wait3A_77 = arith.constant 14000 : i32
      %dma_wait3A_78 = tpu.memref_slice %arg6[%dma_wait3A_77] : memref<30000xf32, #tpu.memory_space<vmem>> -> memref<2000xf32, #tpu.memory_space<vmem>>
      tpu.wait_dma2 semaphore(%run_scoped3A : memref<!tpu.dma_semaphore, #tpu.memory_space<semaphore_mem>>) src(%dma_wait3A_78 : memref<2000xf32, #tpu.memory_space<vmem>>) dst(%dma_wait3A_76 : memref<2000xf32, #tpu.memory_space<hbm>>)
      tpu.yield
    }) : () -> ()
    %add3A_41 = arith.constant 256 : i32
    %add3A_42 = arith.addi %add3A_41, %add3A : i32
    %mul3A_43 = arith.constant 2000 : i32
    %mul3A_44 = arith.muli %add3A_42, %mul3A_43 : i32
    "tpu.region"() ({
      %run_scoped3A = tpu.sem_alloc : memref<!tpu.dma_semaphore, #tpu.memory_space<semaphore_mem>>
      %dma_start3A = arith.constant 16000 : i32
      %dma_start3A_69 = tpu.memref_slice %arg6[%dma_start3A] : memref<30000xf32, #tpu.memory_space<vmem>> -> memref<2000xf32, #tpu.memory_space<vmem>>
      %dma_start3A_70 = tpu.memref_slice %arg4[%mul3A_44] : memref<960000xf32, #tpu.memory_space<hbm>> -> memref<2000xf32, #tpu.memory_space<hbm>>
      %dma_start3A_71 = tpu.memref_slice %arg4[%mul3A_44] : memref<960000xf32, #tpu.memory_space<hbm>> -> memref<2000xf32, #tpu.memory_space<hbm>>
      %dma_start3A_72 = arith.constant 16000 : i32
      %dma_start3A_73 = tpu.memref_slice %arg6[%dma_start3A_72] : memref<30000xf32, #tpu.memory_space<vmem>> -> memref<2000xf32, #tpu.memory_space<vmem>>
      tpu.enqueue_dma source(%dma_start3A_73 : memref<2000xf32, #tpu.memory_space<vmem>>) target(%dma_start3A_71 : memref<2000xf32, #tpu.memory_space<hbm>>) target_semaphore(%run_scoped3A : memref<!tpu.dma_semaphore, #tpu.memory_space<semaphore_mem>>)
      %dma_wait3A = arith.constant 16000 : i32
      %dma_wait3A_74 = tpu.memref_slice %arg6[%dma_wait3A] : memref<30000xf32, #tpu.memory_space<vmem>> -> memref<2000xf32, #tpu.memory_space<vmem>>
      %dma_wait3A_75 = tpu.memref_slice %arg4[%mul3A_44] : memref<960000xf32, #tpu.memory_space<hbm>> -> memref<2000xf32, #tpu.memory_space<hbm>>
      %dma_wait3A_76 = tpu.memref_slice %arg4[%mul3A_44] : memref<960000xf32, #tpu.memory_space<hbm>> -> memref<2000xf32, #tpu.memory_space<hbm>>
      %dma_wait3A_77 = arith.constant 16000 : i32
      %dma_wait3A_78 = tpu.memref_slice %arg6[%dma_wait3A_77] : memref<30000xf32, #tpu.memory_space<vmem>> -> memref<2000xf32, #tpu.memory_space<vmem>>
      tpu.wait_dma2 semaphore(%run_scoped3A : memref<!tpu.dma_semaphore, #tpu.memory_space<semaphore_mem>>) src(%dma_wait3A_78 : memref<2000xf32, #tpu.memory_space<vmem>>) dst(%dma_wait3A_76 : memref<2000xf32, #tpu.memory_space<hbm>>)
      tpu.yield
    }) : () -> ()
    %add3A_45 = arith.constant 288 : i32
    %add3A_46 = arith.addi %add3A_45, %add3A : i32
    %mul3A_47 = arith.constant 2000 : i32
    %mul3A_48 = arith.muli %add3A_46, %mul3A_47 : i32
    "tpu.region"() ({
      %run_scoped3A = tpu.sem_alloc : memref<!tpu.dma_semaphore, #tpu.memory_space<semaphore_mem>>
      %dma_start3A = arith.constant 18000 : i32
      %dma_start3A_69 = tpu.memref_slice %arg6[%dma_start3A] : memref<30000xf32, #tpu.memory_space<vmem>> -> memref<2000xf32, #tpu.memory_space<vmem>>
      %dma_start3A_70 = tpu.memref_slice %arg4[%mul3A_48] : memref<960000xf32, #tpu.memory_space<hbm>> -> memref<2000xf32, #tpu.memory_space<hbm>>
      %dma_start3A_71 = tpu.memref_slice %arg4[%mul3A_48] : memref<960000xf32, #tpu.memory_space<hbm>> -> memref<2000xf32, #tpu.memory_space<hbm>>
      %dma_start3A_72 = arith.constant 18000 : i32
      %dma_start3A_73 = tpu.memref_slice %arg6[%dma_start3A_72] : memref<30000xf32, #tpu.memory_space<vmem>> -> memref<2000xf32, #tpu.memory_space<vmem>>
      tpu.enqueue_dma source(%dma_start3A_73 : memref<2000xf32, #tpu.memory_space<vmem>>) target(%dma_start3A_71 : memref<2000xf32, #tpu.memory_space<hbm>>) target_semaphore(%run_scoped3A : memref<!tpu.dma_semaphore, #tpu.memory_space<semaphore_mem>>)
      %dma_wait3A = arith.constant 18000 : i32
      %dma_wait3A_74 = tpu.memref_slice %arg6[%dma_wait3A] : memref<30000xf32, #tpu.memory_space<vmem>> -> memref<2000xf32, #tpu.memory_space<vmem>>
      %dma_wait3A_75 = tpu.memref_slice %arg4[%mul3A_48] : memref<960000xf32, #tpu.memory_space<hbm>> -> memref<2000xf32, #tpu.memory_space<hbm>>
      %dma_wait3A_76 = tpu.memref_slice %arg4[%mul3A_48] : memref<960000xf32, #tpu.memory_space<hbm>> -> memref<2000xf32, #tpu.memory_space<hbm>>
      %dma_wait3A_77 = arith.constant 18000 : i32
      %dma_wait3A_78 = tpu.memref_slice %arg6[%dma_wait3A_77] : memref<30000xf32, #tpu.memory_space<vmem>> -> memref<2000xf32, #tpu.memory_space<vmem>>
      tpu.wait_dma2 semaphore(%run_scoped3A : memref<!tpu.dma_semaphore, #tpu.memory_space<semaphore_mem>>) src(%dma_wait3A_78 : memref<2000xf32, #tpu.memory_space<vmem>>) dst(%dma_wait3A_76 : memref<2000xf32, #tpu.memory_space<hbm>>)
      tpu.yield
    }) : () -> ()
    %add3A_49 = arith.constant 320 : i32
    %add3A_50 = arith.addi %add3A_49, %add3A : i32
    %mul3A_51 = arith.constant 2000 : i32
    %mul3A_52 = arith.muli %add3A_50, %mul3A_51 : i32
    "tpu.region"() ({
      %run_scoped3A = tpu.sem_alloc : memref<!tpu.dma_semaphore, #tpu.memory_space<semaphore_mem>>
      %dma_start3A = arith.constant 20000 : i32
      %dma_start3A_69 = tpu.memref_slice %arg6[%dma_start3A] : memref<30000xf32, #tpu.memory_space<vmem>> -> memref<2000xf32, #tpu.memory_space<vmem>>
      %dma_start3A_70 = tpu.memref_slice %arg4[%mul3A_52] : memref<960000xf32, #tpu.memory_space<hbm>> -> memref<2000xf32, #tpu.memory_space<hbm>>
      %dma_start3A_71 = tpu.memref_slice %arg4[%mul3A_52] : memref<960000xf32, #tpu.memory_space<hbm>> -> memref<2000xf32, #tpu.memory_space<hbm>>
      %dma_start3A_72 = arith.constant 20000 : i32
      %dma_start3A_73 = tpu.memref_slice %arg6[%dma_start3A_72] : memref<30000xf32, #tpu.memory_space<vmem>> -> memref<2000xf32, #tpu.memory_space<vmem>>
      tpu.enqueue_dma source(%dma_start3A_73 : memref<2000xf32, #tpu.memory_space<vmem>>) target(%dma_start3A_71 : memref<2000xf32, #tpu.memory_space<hbm>>) target_semaphore(%run_scoped3A : memref<!tpu.dma_semaphore, #tpu.memory_space<semaphore_mem>>)
      %dma_wait3A = arith.constant 20000 : i32
      %dma_wait3A_74 = tpu.memref_slice %arg6[%dma_wait3A] : memref<30000xf32, #tpu.memory_space<vmem>> -> memref<2000xf32, #tpu.memory_space<vmem>>
      %dma_wait3A_75 = tpu.memref_slice %arg4[%mul3A_52] : memref<960000xf32, #tpu.memory_space<hbm>> -> memref<2000xf32, #tpu.memory_space<hbm>>
      %dma_wait3A_76 = tpu.memref_slice %arg4[%mul3A_52] : memref<960000xf32, #tpu.memory_space<hbm>> -> memref<2000xf32, #tpu.memory_space<hbm>>
      %dma_wait3A_77 = arith.constant 20000 : i32
      %dma_wait3A_78 = tpu.memref_slice %arg6[%dma_wait3A_77] : memref<30000xf32, #tpu.memory_space<vmem>> -> memref<2000xf32, #tpu.memory_space<vmem>>
      tpu.wait_dma2 semaphore(%run_scoped3A : memref<!tpu.dma_semaphore, #tpu.memory_space<semaphore_mem>>) src(%dma_wait3A_78 : memref<2000xf32, #tpu.memory_space<vmem>>) dst(%dma_wait3A_76 : memref<2000xf32, #tpu.memory_space<hbm>>)
      tpu.yield
    }) : () -> ()
    %add3A_53 = arith.constant 352 : i32
    %add3A_54 = arith.addi %add3A_53, %add3A : i32
    %mul3A_55 = arith.constant 2000 : i32
    %mul3A_56 = arith.muli %add3A_54, %mul3A_55 : i32
    "tpu.region"() ({
      %run_scoped3A = tpu.sem_alloc : memref<!tpu.dma_semaphore, #tpu.memory_space<semaphore_mem>>
      %dma_start3A = arith.constant 22000 : i32
      %dma_start3A_69 = tpu.memref_slice %arg6[%dma_start3A] : memref<30000xf32, #tpu.memory_space<vmem>> -> memref<2000xf32, #tpu.memory_space<vmem>>
      %dma_start3A_70 = tpu.memref_slice %arg4[%mul3A_56] : memref<960000xf32, #tpu.memory_space<hbm>> -> memref<2000xf32, #tpu.memory_space<hbm>>
      %dma_start3A_71 = tpu.memref_slice %arg4[%mul3A_56] : memref<960000xf32, #tpu.memory_space<hbm>> -> memref<2000xf32, #tpu.memory_space<hbm>>
      %dma_start3A_72 = arith.constant 22000 : i32
      %dma_start3A_73 = tpu.memref_slice %arg6[%dma_start3A_72] : memref<30000xf32, #tpu.memory_space<vmem>> -> memref<2000xf32, #tpu.memory_space<vmem>>
      tpu.enqueue_dma source(%dma_start3A_73 : memref<2000xf32, #tpu.memory_space<vmem>>) target(%dma_start3A_71 : memref<2000xf32, #tpu.memory_space<hbm>>) target_semaphore(%run_scoped3A : memref<!tpu.dma_semaphore, #tpu.memory_space<semaphore_mem>>)
      %dma_wait3A = arith.constant 22000 : i32
      %dma_wait3A_74 = tpu.memref_slice %arg6[%dma_wait3A] : memref<30000xf32, #tpu.memory_space<vmem>> -> memref<2000xf32, #tpu.memory_space<vmem>>
      %dma_wait3A_75 = tpu.memref_slice %arg4[%mul3A_56] : memref<960000xf32, #tpu.memory_space<hbm>> -> memref<2000xf32, #tpu.memory_space<hbm>>
      %dma_wait3A_76 = tpu.memref_slice %arg4[%mul3A_56] : memref<960000xf32, #tpu.memory_space<hbm>> -> memref<2000xf32, #tpu.memory_space<hbm>>
      %dma_wait3A_77 = arith.constant 22000 : i32
      %dma_wait3A_78 = tpu.memref_slice %arg6[%dma_wait3A_77] : memref<30000xf32, #tpu.memory_space<vmem>> -> memref<2000xf32, #tpu.memory_space<vmem>>
      tpu.wait_dma2 semaphore(%run_scoped3A : memref<!tpu.dma_semaphore, #tpu.memory_space<semaphore_mem>>) src(%dma_wait3A_78 : memref<2000xf32, #tpu.memory_space<vmem>>) dst(%dma_wait3A_76 : memref<2000xf32, #tpu.memory_space<hbm>>)
      tpu.yield
    }) : () -> ()
    %add3A_57 = arith.constant 384 : i32
    %add3A_58 = arith.addi %add3A_57, %add3A : i32
    %mul3A_59 = arith.constant 2000 : i32
    %mul3A_60 = arith.muli %add3A_58, %mul3A_59 : i32
    "tpu.region"() ({
      %run_scoped3A = tpu.sem_alloc : memref<!tpu.dma_semaphore, #tpu.memory_space<semaphore_mem>>
      %dma_start3A = arith.constant 24000 : i32
      %dma_start3A_69 = tpu.memref_slice %arg6[%dma_start3A] : memref<30000xf32, #tpu.memory_space<vmem>> -> memref<2000xf32, #tpu.memory_space<vmem>>
      %dma_start3A_70 = tpu.memref_slice %arg4[%mul3A_60] : memref<960000xf32, #tpu.memory_space<hbm>> -> memref<2000xf32, #tpu.memory_space<hbm>>
      %dma_start3A_71 = tpu.memref_slice %arg4[%mul3A_60] : memref<960000xf32, #tpu.memory_space<hbm>> -> memref<2000xf32, #tpu.memory_space<hbm>>
      %dma_start3A_72 = arith.constant 24000 : i32
      %dma_start3A_73 = tpu.memref_slice %arg6[%dma_start3A_72] : memref<30000xf32, #tpu.memory_space<vmem>> -> memref<2000xf32, #tpu.memory_space<vmem>>
      tpu.enqueue_dma source(%dma_start3A_73 : memref<2000xf32, #tpu.memory_space<vmem>>) target(%dma_start3A_71 : memref<2000xf32, #tpu.memory_space<hbm>>) target_semaphore(%run_scoped3A : memref<!tpu.dma_semaphore, #tpu.memory_space<semaphore_mem>>)
      %dma_wait3A = arith.constant 24000 : i32
      %dma_wait3A_74 = tpu.memref_slice %arg6[%dma_wait3A] : memref<30000xf32, #tpu.memory_space<vmem>> -> memref<2000xf32, #tpu.memory_space<vmem>>
      %dma_wait3A_75 = tpu.memref_slice %arg4[%mul3A_60] : memref<960000xf32, #tpu.memory_space<hbm>> -> memref<2000xf32, #tpu.memory_space<hbm>>
      %dma_wait3A_76 = tpu.memref_slice %arg4[%mul3A_60] : memref<960000xf32, #tpu.memory_space<hbm>> -> memref<2000xf32, #tpu.memory_space<hbm>>
      %dma_wait3A_77 = arith.constant 24000 : i32
      %dma_wait3A_78 = tpu.memref_slice %arg6[%dma_wait3A_77] : memref<30000xf32, #tpu.memory_space<vmem>> -> memref<2000xf32, #tpu.memory_space<vmem>>
      tpu.wait_dma2 semaphore(%run_scoped3A : memref<!tpu.dma_semaphore, #tpu.memory_space<semaphore_mem>>) src(%dma_wait3A_78 : memref<2000xf32, #tpu.memory_space<vmem>>) dst(%dma_wait3A_76 : memref<2000xf32, #tpu.memory_space<hbm>>)
      tpu.yield
    }) : () -> ()
    %add3A_61 = arith.constant 416 : i32
    %add3A_62 = arith.addi %add3A_61, %add3A : i32
    %mul3A_63 = arith.constant 2000 : i32
    %mul3A_64 = arith.muli %add3A_62, %mul3A_63 : i32
    "tpu.region"() ({
      %run_scoped3A = tpu.sem_alloc : memref<!tpu.dma_semaphore, #tpu.memory_space<semaphore_mem>>
      %dma_start3A = arith.constant 26000 : i32
      %dma_start3A_69 = tpu.memref_slice %arg6[%dma_start3A] : memref<30000xf32, #tpu.memory_space<vmem>> -> memref<2000xf32, #tpu.memory_space<vmem>>
      %dma_start3A_70 = tpu.memref_slice %arg4[%mul3A_64] : memref<960000xf32, #tpu.memory_space<hbm>> -> memref<2000xf32, #tpu.memory_space<hbm>>
      %dma_start3A_71 = tpu.memref_slice %arg4[%mul3A_64] : memref<960000xf32, #tpu.memory_space<hbm>> -> memref<2000xf32, #tpu.memory_space<hbm>>
      %dma_start3A_72 = arith.constant 26000 : i32
      %dma_start3A_73 = tpu.memref_slice %arg6[%dma_start3A_72] : memref<30000xf32, #tpu.memory_space<vmem>> -> memref<2000xf32, #tpu.memory_space<vmem>>
      tpu.enqueue_dma source(%dma_start3A_73 : memref<2000xf32, #tpu.memory_space<vmem>>) target(%dma_start3A_71 : memref<2000xf32, #tpu.memory_space<hbm>>) target_semaphore(%run_scoped3A : memref<!tpu.dma_semaphore, #tpu.memory_space<semaphore_mem>>)
      %dma_wait3A = arith.constant 26000 : i32
      %dma_wait3A_74 = tpu.memref_slice %arg6[%dma_wait3A] : memref<30000xf32, #tpu.memory_space<vmem>> -> memref<2000xf32, #tpu.memory_space<vmem>>
      %dma_wait3A_75 = tpu.memref_slice %arg4[%mul3A_64] : memref<960000xf32, #tpu.memory_space<hbm>> -> memref<2000xf32, #tpu.memory_space<hbm>>
      %dma_wait3A_76 = tpu.memref_slice %arg4[%mul3A_64] : memref<960000xf32, #tpu.memory_space<hbm>> -> memref<2000xf32, #tpu.memory_space<hbm>>
      %dma_wait3A_77 = arith.constant 26000 : i32
      %dma_wait3A_78 = tpu.memref_slice %arg6[%dma_wait3A_77] : memref<30000xf32, #tpu.memory_space<vmem>> -> memref<2000xf32, #tpu.memory_space<vmem>>
      tpu.wait_dma2 semaphore(%run_scoped3A : memref<!tpu.dma_semaphore, #tpu.memory_space<semaphore_mem>>) src(%dma_wait3A_78 : memref<2000xf32, #tpu.memory_space<vmem>>) dst(%dma_wait3A_76 : memref<2000xf32, #tpu.memory_space<hbm>>)
      tpu.yield
    }) : () -> ()
    %add3A_65 = arith.constant 448 : i32
    %add3A_66 = arith.addi %add3A_65, %add3A : i32
    %mul3A_67 = arith.constant 2000 : i32
    %mul3A_68 = arith.muli %add3A_66, %mul3A_67 : i32
    "tpu.region"() ({
      %run_scoped3A = tpu.sem_alloc : memref<!tpu.dma_semaphore, #tpu.memory_space<semaphore_mem>>
      %dma_start3A = arith.constant 28000 : i32
      %dma_start3A_69 = tpu.memref_slice %arg6[%dma_start3A] : memref<30000xf32, #tpu.memory_space<vmem>> -> memref<2000xf32, #tpu.memory_space<vmem>>
      %dma_start3A_70 = tpu.memref_slice %arg4[%mul3A_68] : memref<960000xf32, #tpu.memory_space<hbm>> -> memref<2000xf32, #tpu.memory_space<hbm>>
      %dma_start3A_71 = tpu.memref_slice %arg4[%mul3A_68] : memref<960000xf32, #tpu.memory_space<hbm>> -> memref<2000xf32, #tpu.memory_space<hbm>>
      %dma_start3A_72 = arith.constant 28000 : i32
      %dma_start3A_73 = tpu.memref_slice %arg6[%dma_start3A_72] : memref<30000xf32, #tpu.memory_space<vmem>> -> memref<2000xf32, #tpu.memory_space<vmem>>
      tpu.enqueue_dma source(%dma_start3A_73 : memref<2000xf32, #tpu.memory_space<vmem>>) target(%dma_start3A_71 : memref<2000xf32, #tpu.memory_space<hbm>>) target_semaphore(%run_scoped3A : memref<!tpu.dma_semaphore, #tpu.memory_space<semaphore_mem>>)
      %dma_wait3A = arith.constant 28000 : i32
      %dma_wait3A_74 = tpu.memref_slice %arg6[%dma_wait3A] : memref<30000xf32, #tpu.memory_space<vmem>> -> memref<2000xf32, #tpu.memory_space<vmem>>
      %dma_wait3A_75 = tpu.memref_slice %arg4[%mul3A_68] : memref<960000xf32, #tpu.memory_space<hbm>> -> memref<2000xf32, #tpu.memory_space<hbm>>
      %dma_wait3A_76 = tpu.memref_slice %arg4[%mul3A_68] : memref<960000xf32, #tpu.memory_space<hbm>> -> memref<2000xf32, #tpu.memory_space<hbm>>
      %dma_wait3A_77 = arith.constant 28000 : i32
      %dma_wait3A_78 = tpu.memref_slice %arg6[%dma_wait3A_77] : memref<30000xf32, #tpu.memory_space<vmem>> -> memref<2000xf32, #tpu.memory_space<vmem>>
      tpu.wait_dma2 semaphore(%run_scoped3A : memref<!tpu.dma_semaphore, #tpu.memory_space<semaphore_mem>>) src(%dma_wait3A_78 : memref<2000xf32, #tpu.memory_space<vmem>>) dst(%dma_wait3A_76 : memref<2000xf32, #tpu.memory_space<hbm>>)
      tpu.yield
    }) : () -> ()
    return
  }
}

#map = affine_map<(d0, d1) -> (0, 0)>
#map1 = affine_map<(d0, d1) -> (0)>
module attributes {stable_mosaic.version = 14 : i64} {
  func.func @_scatter_kernel(%arg0: i32, %arg1: i32, %arg2: memref<30000x128xf32, #tpu.memory_space<hbm>>, %arg3: memref<960000xi32, #tpu.memory_space<hbm>>, %arg4: memref<960000xi32, #tpu.memory_space<hbm>>, %arg5: memref<1000x128xf32, #tpu.memory_space<hbm>>, %arg6: memref<60000x128xf32, #tpu.memory_space<hbm>>, %arg7: memref<80xi32, #tpu.memory_space<vmem>>, %arg8: memref<80xi32, #tpu.memory_space<vmem>>, %arg9: memref<80xi32, #tpu.memory_space<vmem>>, %arg10: memref<80xi32, #tpu.memory_space<vmem>>, %arg11: memref<80x128xf32, #tpu.memory_space<vmem>>, %arg12: memref<80x128xf32, #tpu.memory_space<vmem>>, %arg13: memref<!tpu.dma_semaphore, #tpu.memory_space<semaphore_mem>>, %arg14: memref<!tpu.dma_semaphore, #tpu.memory_space<semaphore_mem>>, %arg15: memref<!tpu.dma_semaphore, #tpu.memory_space<semaphore_mem>>, %arg16: memref<!tpu.dma_semaphore, #tpu.memory_space<semaphore_mem>>, %arg17: memref<10000x128xf32, #tpu.memory_space<vmem_shared>>) attributes {dimension_semantics = [#tpu.dimension_semantics<core_parallel>, #tpu.dimension_semantics<subcore_parallel>], iteration_bounds = array<i64: 2, 16>, scalar_prefetch = 0 : i64, scratch_operands = 11 : i64, tpu.core_type = #tpu.core_type<sc_vector_subcore>, window_params = [{transform_indices = #map}, {transform_indices = #map1}, {transform_indices = #map1}, {transform_indices = #map}, {transform_indices = #map}]} {
    %mul3A = arith.constant 16 : i32
    %mul3A_0 = arith.muli %arg0, %mul3A : i32
    %add3A = arith.addi %mul3A_0, %arg1 : i32
    %mul3A_1 = arith.constant 1000 : i32
    %mul3A_2 = arith.muli %arg1, %mul3A_1 : i32
    %lt3A = arith.constant 10 : i32
    %lt3A_3 = arith.cmpi slt, %arg1, %lt3A : i32
    %convert_element_type3A = arith.extui %lt3A_3 : i1 to i32
    %cond3A = arith.constant 0 : i32
    %cond3A_4 = arith.cmpi ne, %convert_element_type3A, %cond3A : i32
    scf.if %cond3A_4 {
      "tpu.region"() ({
        %run_scoped3A = tpu.sem_alloc : memref<!tpu.dma_semaphore, #tpu.memory_space<semaphore_mem>>
        %dma_start3A_163 = arith.constant 0 : i32
        %dma_start3A_164 = tpu.memref_slice %arg17[%mul3A_2, %dma_start3A_163] : memref<10000x128xf32, #tpu.memory_space<vmem_shared>> -> memref<1000x128xf32, #tpu.memory_space<vmem_shared>>
        tpu.enqueue_dma source(%arg5 : memref<1000x128xf32, #tpu.memory_space<hbm>>) target(%dma_start3A_164 : memref<1000x128xf32, #tpu.memory_space<vmem_shared>>) target_semaphore(%run_scoped3A : memref<!tpu.dma_semaphore, #tpu.memory_space<semaphore_mem>>)
        %dma_wait3A_165 = arith.constant 0 : i32
        %dma_wait3A_166 = tpu.memref_slice %arg17[%mul3A_2, %dma_wait3A_165] : memref<10000x128xf32, #tpu.memory_space<vmem_shared>> -> memref<1000x128xf32, #tpu.memory_space<vmem_shared>>
        tpu.wait_dma2 semaphore(%run_scoped3A : memref<!tpu.dma_semaphore, #tpu.memory_space<semaphore_mem>>) src(%arg5 : memref<1000x128xf32, #tpu.memory_space<hbm>>) dst(%dma_wait3A_166 : memref<1000x128xf32, #tpu.memory_space<vmem_shared>>)
        tpu.yield
      }) : () -> ()
    } else {
    }
    %add3A_5 = arith.constant 0 : i32
    %add3A_6 = arith.addi %add3A_5, %add3A : i32
    %mul3A_7 = arith.constant 10000 : i32
    %mul3A_8 = arith.muli %add3A_6, %mul3A_7 : i32
    %multiple_of3A = tpu.assume_multiple %mul3A_8, 8 : i32
    %dma_start3A = tpu.memref_slice %arg3[%multiple_of3A] : memref<960000xi32, #tpu.memory_space<hbm>> -> memref<80xi32, #tpu.memory_space<hbm>>
    %dma_start3A_9 = tpu.memref_slice %arg3[%multiple_of3A] : memref<960000xi32, #tpu.memory_space<hbm>> -> memref<80xi32, #tpu.memory_space<hbm>>
    tpu.enqueue_dma source(%dma_start3A_9 : memref<80xi32, #tpu.memory_space<hbm>>) target(%arg7 : memref<80xi32, #tpu.memory_space<vmem>>) target_semaphore(%arg15 : memref<!tpu.dma_semaphore, #tpu.memory_space<semaphore_mem>>)
    %dma_start3A_10 = tpu.memref_slice %arg4[%multiple_of3A] : memref<960000xi32, #tpu.memory_space<hbm>> -> memref<80xi32, #tpu.memory_space<hbm>>
    %dma_start3A_11 = tpu.memref_slice %arg4[%multiple_of3A] : memref<960000xi32, #tpu.memory_space<hbm>> -> memref<80xi32, #tpu.memory_space<hbm>>
    tpu.enqueue_dma source(%dma_start3A_11 : memref<80xi32, #tpu.memory_space<hbm>>) target(%arg8 : memref<80xi32, #tpu.memory_space<vmem>>) target_semaphore(%arg15 : memref<!tpu.dma_semaphore, #tpu.memory_space<semaphore_mem>>)
    %barrier3A = arith.constant 0 : index
    tpu.barrier barrier_id(%barrier3A)
    %dma_wait3A = arith.constant 0 : i32
    %dma_wait3A_12 = tpu.memref_slice %arg3[%dma_wait3A] : memref<960000xi32, #tpu.memory_space<hbm>> -> memref<80xi32, #tpu.memory_space<hbm>>
    %dma_wait3A_13 = arith.constant 0 : i32
    %dma_wait3A_14 = tpu.memref_slice %arg3[%dma_wait3A_13] : memref<960000xi32, #tpu.memory_space<hbm>> -> memref<80xi32, #tpu.memory_space<hbm>>
    tpu.wait_dma2 semaphore(%arg15 : memref<!tpu.dma_semaphore, #tpu.memory_space<semaphore_mem>>) src(%dma_wait3A_14 : memref<80xi32, #tpu.memory_space<hbm>>) dst(%arg7 : memref<80xi32, #tpu.memory_space<vmem>>)
    %dma_wait3A_15 = arith.constant 0 : i32
    %dma_wait3A_16 = tpu.memref_slice %arg4[%dma_wait3A_15] : memref<960000xi32, #tpu.memory_space<hbm>> -> memref<80xi32, #tpu.memory_space<hbm>>
    %dma_wait3A_17 = arith.constant 0 : i32
    %dma_wait3A_18 = tpu.memref_slice %arg4[%dma_wait3A_17] : memref<960000xi32, #tpu.memory_space<hbm>> -> memref<80xi32, #tpu.memory_space<hbm>>
    tpu.wait_dma2 semaphore(%arg15 : memref<!tpu.dma_semaphore, #tpu.memory_space<semaphore_mem>>) src(%dma_wait3A_18 : memref<80xi32, #tpu.memory_space<hbm>>) dst(%arg8 : memref<80xi32, #tpu.memory_space<vmem>>)
    %dma_start3A_19 = arith.constant 0 : i32
    %dma_start3A_20 = arith.constant 0 : i32
    %dma_start3A_21 = tpu.memref_slice %arg2[%dma_start3A_19, %dma_start3A_20] : memref<30000x128xf32, #tpu.memory_space<hbm>> -> memref<30000x128xf32, #tpu.memory_space<hbm>>
    tpu.enqueue_indirect_dma source(%dma_start3A_21 : memref<30000x128xf32, #tpu.memory_space<hbm>>) target(%arg11 : memref<80x128xf32, #tpu.memory_space<vmem>>) offsets(%arg7 : memref<80xi32, #tpu.memory_space<vmem>>) semaphore(%arg13 : memref<!tpu.dma_semaphore, #tpu.memory_space<semaphore_mem>>)
    %add3A_22 = arith.constant 80 : i32
    %add3A_23 = arith.addi %mul3A_8, %add3A_22 : i32
    %multiple_of3A_24 = tpu.assume_multiple %add3A_23, 8 : i32
    %dma_start3A_25 = tpu.memref_slice %arg3[%multiple_of3A_24] : memref<960000xi32, #tpu.memory_space<hbm>> -> memref<80xi32, #tpu.memory_space<hbm>>
    %dma_start3A_26 = tpu.memref_slice %arg3[%multiple_of3A_24] : memref<960000xi32, #tpu.memory_space<hbm>> -> memref<80xi32, #tpu.memory_space<hbm>>
    tpu.enqueue_dma source(%dma_start3A_26 : memref<80xi32, #tpu.memory_space<hbm>>) target(%arg9 : memref<80xi32, #tpu.memory_space<vmem>>) target_semaphore(%arg16 : memref<!tpu.dma_semaphore, #tpu.memory_space<semaphore_mem>>)
    %dma_start3A_27 = tpu.memref_slice %arg4[%multiple_of3A_24] : memref<960000xi32, #tpu.memory_space<hbm>> -> memref<80xi32, #tpu.memory_space<hbm>>
    %dma_start3A_28 = tpu.memref_slice %arg4[%multiple_of3A_24] : memref<960000xi32, #tpu.memory_space<hbm>> -> memref<80xi32, #tpu.memory_space<hbm>>
    tpu.enqueue_dma source(%dma_start3A_28 : memref<80xi32, #tpu.memory_space<hbm>>) target(%arg10 : memref<80xi32, #tpu.memory_space<vmem>>) target_semaphore(%arg16 : memref<!tpu.dma_semaphore, #tpu.memory_space<semaphore_mem>>)
    %dma_wait3A_29 = arith.constant 0 : i32
    %dma_wait3A_30 = tpu.memref_slice %arg3[%dma_wait3A_29] : memref<960000xi32, #tpu.memory_space<hbm>> -> memref<80xi32, #tpu.memory_space<hbm>>
    %dma_wait3A_31 = arith.constant 0 : i32
    %dma_wait3A_32 = tpu.memref_slice %arg3[%dma_wait3A_31] : memref<960000xi32, #tpu.memory_space<hbm>> -> memref<80xi32, #tpu.memory_space<hbm>>
    tpu.wait_dma2 semaphore(%arg16 : memref<!tpu.dma_semaphore, #tpu.memory_space<semaphore_mem>>) src(%dma_wait3A_32 : memref<80xi32, #tpu.memory_space<hbm>>) dst(%arg9 : memref<80xi32, #tpu.memory_space<vmem>>)
    %dma_wait3A_33 = arith.constant 0 : i32
    %dma_wait3A_34 = tpu.memref_slice %arg4[%dma_wait3A_33] : memref<960000xi32, #tpu.memory_space<hbm>> -> memref<80xi32, #tpu.memory_space<hbm>>
    %dma_wait3A_35 = arith.constant 0 : i32
    %dma_wait3A_36 = tpu.memref_slice %arg4[%dma_wait3A_35] : memref<960000xi32, #tpu.memory_space<hbm>> -> memref<80xi32, #tpu.memory_space<hbm>>
    tpu.wait_dma2 semaphore(%arg16 : memref<!tpu.dma_semaphore, #tpu.memory_space<semaphore_mem>>) src(%dma_wait3A_36 : memref<80xi32, #tpu.memory_space<hbm>>) dst(%arg10 : memref<80xi32, #tpu.memory_space<vmem>>)
    %scan3A = arith.constant 0 : i32
    %scan3A_37 = arith.constant 0 : i32
    %scan3A_38 = arith.constant 62 : i32
    %scan3A_39 = arith.addi %scan3A_37, %scan3A_38 : i32
    %scan3A_40 = arith.constant 1 : i32
    scf.for %scan3A_163 = %scan3A_37 to %scan3A_39 step %scan3A_40  : i32 {
      %dma_start3A_164 = arith.constant 0 : i32
      %dma_start3A_165 = arith.constant 0 : i32
      %dma_start3A_166 = tpu.memref_slice %arg2[%dma_start3A_164, %dma_start3A_165] : memref<30000x128xf32, #tpu.memory_space<hbm>> -> memref<30000x128xf32, #tpu.memory_space<hbm>>
      tpu.enqueue_indirect_dma source(%dma_start3A_166 : memref<30000x128xf32, #tpu.memory_space<hbm>>) target(%arg12 : memref<80x128xf32, #tpu.memory_space<vmem>>) offsets(%arg9 : memref<80xi32, #tpu.memory_space<vmem>>) semaphore(%arg14 : memref<!tpu.dma_semaphore, #tpu.memory_space<semaphore_mem>>)
      %dma_wait3A_167 = arith.constant 0 : i32
      %dma_wait3A_168 = arith.constant 0 : i32
      %dma_wait3A_169 = tpu.memref_slice %arg2[%dma_wait3A_167, %dma_wait3A_168] : memref<30000x128xf32, #tpu.memory_space<hbm>> -> memref<30000x128xf32, #tpu.memory_space<hbm>>
      tpu.wait_indirect_dma semaphore(%arg13 : memref<!tpu.dma_semaphore, #tpu.memory_space<semaphore_mem>>) src(%dma_wait3A_169 : memref<30000x128xf32, #tpu.memory_space<hbm>>) dst(%arg11 : memref<80x128xf32, #tpu.memory_space<vmem>>)
      "tpu.region"() ({
        %run_scoped3A = tpu.sem_alloc : memref<!tpu.dma_semaphore, #tpu.memory_space<semaphore_mem>>
        %dma_start3A_217 = arith.constant 0 : i32
        %dma_start3A_218 = arith.constant 0 : i32
        %dma_start3A_219 = tpu.memref_slice %arg17[%dma_start3A_217, %dma_start3A_218] : memref<10000x128xf32, #tpu.memory_space<vmem_shared>> -> memref<10000x128xf32, #tpu.memory_space<vmem_shared>>
        tpu.enqueue_indirect_dma source(%arg11 : memref<80x128xf32, #tpu.memory_space<vmem>>) target(%dma_start3A_219 : memref<10000x128xf32, #tpu.memory_space<vmem_shared>>) offsets(%arg8 : memref<80xi32, #tpu.memory_space<vmem>>) semaphore(%run_scoped3A : memref<!tpu.dma_semaphore, #tpu.memory_space<semaphore_mem>>) {add = true}
        %dma_wait3A_220 = arith.constant 0 : i32
        %dma_wait3A_221 = arith.constant 0 : i32
        %dma_wait3A_222 = tpu.memref_slice %arg17[%dma_wait3A_220, %dma_wait3A_221] : memref<10000x128xf32, #tpu.memory_space<vmem_shared>> -> memref<10000x128xf32, #tpu.memory_space<vmem_shared>>
        tpu.wait_indirect_dma semaphore(%run_scoped3A : memref<!tpu.dma_semaphore, #tpu.memory_space<semaphore_mem>>) src(%arg11 : memref<80x128xf32, #tpu.memory_space<vmem>>) dst(%dma_wait3A_222 : memref<10000x128xf32, #tpu.memory_space<vmem_shared>>)
        tpu.yield
      }) : () -> ()
      %mul3A_170 = arith.constant 2 : i32
      %mul3A_171 = arith.muli %mul3A_170, %scan3A_163 : i32
      %add3A_172 = arith.constant 2 : i32
      %add3A_173 = arith.addi %mul3A_171, %add3A_172 : i32
      %mul3A_174 = arith.constant 80 : i32
      %mul3A_175 = arith.muli %add3A_173, %mul3A_174 : i32
      %add3A_176 = arith.addi %mul3A_8, %mul3A_175 : i32
      %multiple_of3A_177 = tpu.assume_multiple %add3A_176, 8 : i32
      %dma_start3A_178 = tpu.memref_slice %arg3[%multiple_of3A_177] : memref<960000xi32, #tpu.memory_space<hbm>> -> memref<80xi32, #tpu.memory_space<hbm>>
      %dma_start3A_179 = tpu.memref_slice %arg3[%multiple_of3A_177] : memref<960000xi32, #tpu.memory_space<hbm>> -> memref<80xi32, #tpu.memory_space<hbm>>
      tpu.enqueue_dma source(%dma_start3A_179 : memref<80xi32, #tpu.memory_space<hbm>>) target(%arg7 : memref<80xi32, #tpu.memory_space<vmem>>) target_semaphore(%arg15 : memref<!tpu.dma_semaphore, #tpu.memory_space<semaphore_mem>>)
      %dma_start3A_180 = tpu.memref_slice %arg4[%multiple_of3A_177] : memref<960000xi32, #tpu.memory_space<hbm>> -> memref<80xi32, #tpu.memory_space<hbm>>
      %dma_start3A_181 = tpu.memref_slice %arg4[%multiple_of3A_177] : memref<960000xi32, #tpu.memory_space<hbm>> -> memref<80xi32, #tpu.memory_space<hbm>>
      tpu.enqueue_dma source(%dma_start3A_181 : memref<80xi32, #tpu.memory_space<hbm>>) target(%arg8 : memref<80xi32, #tpu.memory_space<vmem>>) target_semaphore(%arg15 : memref<!tpu.dma_semaphore, #tpu.memory_space<semaphore_mem>>)
      %dma_wait3A_182 = arith.constant 0 : i32
      %dma_wait3A_183 = tpu.memref_slice %arg3[%dma_wait3A_182] : memref<960000xi32, #tpu.memory_space<hbm>> -> memref<80xi32, #tpu.memory_space<hbm>>
      %dma_wait3A_184 = arith.constant 0 : i32
      %dma_wait3A_185 = tpu.memref_slice %arg3[%dma_wait3A_184] : memref<960000xi32, #tpu.memory_space<hbm>> -> memref<80xi32, #tpu.memory_space<hbm>>
      tpu.wait_dma2 semaphore(%arg15 : memref<!tpu.dma_semaphore, #tpu.memory_space<semaphore_mem>>) src(%dma_wait3A_185 : memref<80xi32, #tpu.memory_space<hbm>>) dst(%arg7 : memref<80xi32, #tpu.memory_space<vmem>>)
      %dma_wait3A_186 = arith.constant 0 : i32
      %dma_wait3A_187 = tpu.memref_slice %arg4[%dma_wait3A_186] : memref<960000xi32, #tpu.memory_space<hbm>> -> memref<80xi32, #tpu.memory_space<hbm>>
      %dma_wait3A_188 = arith.constant 0 : i32
      %dma_wait3A_189 = tpu.memref_slice %arg4[%dma_wait3A_188] : memref<960000xi32, #tpu.memory_space<hbm>> -> memref<80xi32, #tpu.memory_space<hbm>>
      tpu.wait_dma2 semaphore(%arg15 : memref<!tpu.dma_semaphore, #tpu.memory_space<semaphore_mem>>) src(%dma_wait3A_189 : memref<80xi32, #tpu.memory_space<hbm>>) dst(%arg8 : memref<80xi32, #tpu.memory_space<vmem>>)
      %dma_start3A_190 = arith.constant 0 : i32
      %dma_start3A_191 = arith.constant 0 : i32
      %dma_start3A_192 = tpu.memref_slice %arg2[%dma_start3A_190, %dma_start3A_191] : memref<30000x128xf32, #tpu.memory_space<hbm>> -> memref<30000x128xf32, #tpu.memory_space<hbm>>
      tpu.enqueue_indirect_dma source(%dma_start3A_192 : memref<30000x128xf32, #tpu.memory_space<hbm>>) target(%arg11 : memref<80x128xf32, #tpu.memory_space<vmem>>) offsets(%arg7 : memref<80xi32, #tpu.memory_space<vmem>>) semaphore(%arg13 : memref<!tpu.dma_semaphore, #tpu.memory_space<semaphore_mem>>)
      %dma_wait3A_193 = arith.constant 0 : i32
      %dma_wait3A_194 = arith.constant 0 : i32
      %dma_wait3A_195 = tpu.memref_slice %arg2[%dma_wait3A_193, %dma_wait3A_194] : memref<30000x128xf32, #tpu.memory_space<hbm>> -> memref<30000x128xf32, #tpu.memory_space<hbm>>
      tpu.wait_indirect_dma semaphore(%arg14 : memref<!tpu.dma_semaphore, #tpu.memory_space<semaphore_mem>>) src(%dma_wait3A_195 : memref<30000x128xf32, #tpu.memory_space<hbm>>) dst(%arg12 : memref<80x128xf32, #tpu.memory_space<vmem>>)
      "tpu.region"() ({
        %run_scoped3A = tpu.sem_alloc : memref<!tpu.dma_semaphore, #tpu.memory_space<semaphore_mem>>
        %dma_start3A_217 = arith.constant 0 : i32
        %dma_start3A_218 = arith.constant 0 : i32
        %dma_start3A_219 = tpu.memref_slice %arg17[%dma_start3A_217, %dma_start3A_218] : memref<10000x128xf32, #tpu.memory_space<vmem_shared>> -> memref<10000x128xf32, #tpu.memory_space<vmem_shared>>
        tpu.enqueue_indirect_dma source(%arg12 : memref<80x128xf32, #tpu.memory_space<vmem>>) target(%dma_start3A_219 : memref<10000x128xf32, #tpu.memory_space<vmem_shared>>) offsets(%arg10 : memref<80xi32, #tpu.memory_space<vmem>>) semaphore(%run_scoped3A : memref<!tpu.dma_semaphore, #tpu.memory_space<semaphore_mem>>) {add = true}
        %dma_wait3A_220 = arith.constant 0 : i32
        %dma_wait3A_221 = arith.constant 0 : i32
        %dma_wait3A_222 = tpu.memref_slice %arg17[%dma_wait3A_220, %dma_wait3A_221] : memref<10000x128xf32, #tpu.memory_space<vmem_shared>> -> memref<10000x128xf32, #tpu.memory_space<vmem_shared>>
        tpu.wait_indirect_dma semaphore(%run_scoped3A : memref<!tpu.dma_semaphore, #tpu.memory_space<semaphore_mem>>) src(%arg12 : memref<80x128xf32, #tpu.memory_space<vmem>>) dst(%dma_wait3A_222 : memref<10000x128xf32, #tpu.memory_space<vmem_shared>>)
        tpu.yield
      }) : () -> ()
      %mul3A_196 = arith.constant 2 : i32
      %mul3A_197 = arith.muli %mul3A_196, %scan3A_163 : i32
      %add3A_198 = arith.constant 3 : i32
      %add3A_199 = arith.addi %mul3A_197, %add3A_198 : i32
      %min3A = arith.constant 124 : i32
      %min3A_200 = arith.minsi %add3A_199, %min3A : i32
      %mul3A_201 = arith.constant 80 : i32
      %mul3A_202 = arith.muli %min3A_200, %mul3A_201 : i32
      %add3A_203 = arith.addi %mul3A_8, %mul3A_202 : i32
      %multiple_of3A_204 = tpu.assume_multiple %add3A_203, 8 : i32
      %dma_start3A_205 = tpu.memref_slice %arg3[%multiple_of3A_204] : memref<960000xi32, #tpu.memory_space<hbm>> -> memref<80xi32, #tpu.memory_space<hbm>>
      %dma_start3A_206 = tpu.memref_slice %arg3[%multiple_of3A_204] : memref<960000xi32, #tpu.memory_space<hbm>> -> memref<80xi32, #tpu.memory_space<hbm>>
      tpu.enqueue_dma source(%dma_start3A_206 : memref<80xi32, #tpu.memory_space<hbm>>) target(%arg9 : memref<80xi32, #tpu.memory_space<vmem>>) target_semaphore(%arg16 : memref<!tpu.dma_semaphore, #tpu.memory_space<semaphore_mem>>)
      %dma_start3A_207 = tpu.memref_slice %arg4[%multiple_of3A_204] : memref<960000xi32, #tpu.memory_space<hbm>> -> memref<80xi32, #tpu.memory_space<hbm>>
      %dma_start3A_208 = tpu.memref_slice %arg4[%multiple_of3A_204] : memref<960000xi32, #tpu.memory_space<hbm>> -> memref<80xi32, #tpu.memory_space<hbm>>
      tpu.enqueue_dma source(%dma_start3A_208 : memref<80xi32, #tpu.memory_space<hbm>>) target(%arg10 : memref<80xi32, #tpu.memory_space<vmem>>) target_semaphore(%arg16 : memref<!tpu.dma_semaphore, #tpu.memory_space<semaphore_mem>>)
      %dma_wait3A_209 = arith.constant 0 : i32
      %dma_wait3A_210 = tpu.memref_slice %arg3[%dma_wait3A_209] : memref<960000xi32, #tpu.memory_space<hbm>> -> memref<80xi32, #tpu.memory_space<hbm>>
      %dma_wait3A_211 = arith.constant 0 : i32
      %dma_wait3A_212 = tpu.memref_slice %arg3[%dma_wait3A_211] : memref<960000xi32, #tpu.memory_space<hbm>> -> memref<80xi32, #tpu.memory_space<hbm>>
      tpu.wait_dma2 semaphore(%arg16 : memref<!tpu.dma_semaphore, #tpu.memory_space<semaphore_mem>>) src(%dma_wait3A_212 : memref<80xi32, #tpu.memory_space<hbm>>) dst(%arg9 : memref<80xi32, #tpu.memory_space<vmem>>)
      %dma_wait3A_213 = arith.constant 0 : i32
      %dma_wait3A_214 = tpu.memref_slice %arg4[%dma_wait3A_213] : memref<960000xi32, #tpu.memory_space<hbm>> -> memref<80xi32, #tpu.memory_space<hbm>>
      %dma_wait3A_215 = arith.constant 0 : i32
      %dma_wait3A_216 = tpu.memref_slice %arg4[%dma_wait3A_215] : memref<960000xi32, #tpu.memory_space<hbm>> -> memref<80xi32, #tpu.memory_space<hbm>>
      tpu.wait_dma2 semaphore(%arg16 : memref<!tpu.dma_semaphore, #tpu.memory_space<semaphore_mem>>) src(%dma_wait3A_216 : memref<80xi32, #tpu.memory_space<hbm>>) dst(%arg10 : memref<80xi32, #tpu.memory_space<vmem>>)
    }
    %scan3A_41 = arith.constant 62 : i32
    %dma_wait3A_42 = arith.constant 0 : i32
    %dma_wait3A_43 = arith.constant 0 : i32
    %dma_wait3A_44 = tpu.memref_slice %arg2[%dma_wait3A_42, %dma_wait3A_43] : memref<30000x128xf32, #tpu.memory_space<hbm>> -> memref<30000x128xf32, #tpu.memory_space<hbm>>
    tpu.wait_indirect_dma semaphore(%arg13 : memref<!tpu.dma_semaphore, #tpu.memory_space<semaphore_mem>>) src(%dma_wait3A_44 : memref<30000x128xf32, #tpu.memory_space<hbm>>) dst(%arg11 : memref<80x128xf32, #tpu.memory_space<vmem>>)
    "tpu.region"() ({
      %run_scoped3A = tpu.sem_alloc : memref<!tpu.dma_semaphore, #tpu.memory_space<semaphore_mem>>
      %dma_start3A_163 = arith.constant 0 : i32
      %dma_start3A_164 = arith.constant 0 : i32
      %dma_start3A_165 = tpu.memref_slice %arg17[%dma_start3A_163, %dma_start3A_164] : memref<10000x128xf32, #tpu.memory_space<vmem_shared>> -> memref<10000x128xf32, #tpu.memory_space<vmem_shared>>
      tpu.enqueue_indirect_dma source(%arg11 : memref<80x128xf32, #tpu.memory_space<vmem>>) target(%dma_start3A_165 : memref<10000x128xf32, #tpu.memory_space<vmem_shared>>) offsets(%arg8 : memref<80xi32, #tpu.memory_space<vmem>>) semaphore(%run_scoped3A : memref<!tpu.dma_semaphore, #tpu.memory_space<semaphore_mem>>) {add = true}
      %dma_wait3A_166 = arith.constant 0 : i32
      %dma_wait3A_167 = arith.constant 0 : i32
      %dma_wait3A_168 = tpu.memref_slice %arg17[%dma_wait3A_166, %dma_wait3A_167] : memref<10000x128xf32, #tpu.memory_space<vmem_shared>> -> memref<10000x128xf32, #tpu.memory_space<vmem_shared>>
      tpu.wait_indirect_dma semaphore(%run_scoped3A : memref<!tpu.dma_semaphore, #tpu.memory_space<semaphore_mem>>) src(%arg11 : memref<80x128xf32, #tpu.memory_space<vmem>>) dst(%dma_wait3A_168 : memref<10000x128xf32, #tpu.memory_space<vmem_shared>>)
      tpu.yield
    }) : () -> ()
    %barrier3A_45 = arith.constant 0 : index
    tpu.barrier barrier_id(%barrier3A_45)
    %lt3A_46 = arith.constant 10 : i32
    %lt3A_47 = arith.cmpi slt, %arg1, %lt3A_46 : i32
    %convert_element_type3A_48 = arith.extui %lt3A_47 : i1 to i32
    %cond3A_49 = arith.constant 0 : i32
    %cond3A_50 = arith.cmpi ne, %convert_element_type3A_48, %cond3A_49 : i32
    scf.if %cond3A_50 {
      %mul3A_163 = arith.constant 3 : i32
      %mul3A_164 = arith.muli %arg0, %mul3A_163 : i32
      %add3A_165 = arith.constant 0 : i32
      %add3A_166 = arith.addi %mul3A_164, %add3A_165 : i32
      %mul3A_167 = arith.constant 10000 : i32
      %mul3A_168 = arith.muli %add3A_166, %mul3A_167 : i32
      %add3A_169 = arith.addi %mul3A_168, %mul3A_2 : i32
      "tpu.region"() ({
        %run_scoped3A = tpu.sem_alloc : memref<!tpu.dma_semaphore, #tpu.memory_space<semaphore_mem>>
        %dma_start3A_170 = arith.constant 0 : i32
        %dma_start3A_171 = tpu.memref_slice %arg6[%add3A_169, %dma_start3A_170] : memref<60000x128xf32, #tpu.memory_space<hbm>> -> memref<1000x128xf32, #tpu.memory_space<hbm>>
        %dma_start3A_172 = arith.constant 0 : i32
        %dma_start3A_173 = tpu.memref_slice %arg17[%mul3A_2, %dma_start3A_172] : memref<10000x128xf32, #tpu.memory_space<vmem_shared>> -> memref<1000x128xf32, #tpu.memory_space<vmem_shared>>
        tpu.enqueue_dma source(%dma_start3A_173 : memref<1000x128xf32, #tpu.memory_space<vmem_shared>>) target(%dma_start3A_171 : memref<1000x128xf32, #tpu.memory_space<hbm>>) target_semaphore(%run_scoped3A : memref<!tpu.dma_semaphore, #tpu.memory_space<semaphore_mem>>)
        %dma_wait3A_174 = arith.constant 0 : i32
        %dma_wait3A_175 = tpu.memref_slice %arg6[%add3A_169, %dma_wait3A_174] : memref<60000x128xf32, #tpu.memory_space<hbm>> -> memref<1000x128xf32, #tpu.memory_space<hbm>>
        %dma_wait3A_176 = arith.constant 0 : i32
        %dma_wait3A_177 = tpu.memref_slice %arg17[%mul3A_2, %dma_wait3A_176] : memref<10000x128xf32, #tpu.memory_space<vmem_shared>> -> memref<1000x128xf32, #tpu.memory_space<vmem_shared>>
        tpu.wait_dma2 semaphore(%run_scoped3A : memref<!tpu.dma_semaphore, #tpu.memory_space<semaphore_mem>>) src(%dma_wait3A_177 : memref<1000x128xf32, #tpu.memory_space<vmem_shared>>) dst(%dma_wait3A_175 : memref<1000x128xf32, #tpu.memory_space<hbm>>)
        tpu.yield
      }) : () -> ()
    } else {
    }
    %lt3A_51 = arith.constant 10 : i32
    %lt3A_52 = arith.cmpi slt, %arg1, %lt3A_51 : i32
    %convert_element_type3A_53 = arith.extui %lt3A_52 : i1 to i32
    %cond3A_54 = arith.constant 0 : i32
    %cond3A_55 = arith.cmpi ne, %convert_element_type3A_53, %cond3A_54 : i32
    scf.if %cond3A_55 {
      "tpu.region"() ({
        %run_scoped3A = tpu.sem_alloc : memref<!tpu.dma_semaphore, #tpu.memory_space<semaphore_mem>>
        %dma_start3A_163 = arith.constant 0 : i32
        %dma_start3A_164 = tpu.memref_slice %arg17[%mul3A_2, %dma_start3A_163] : memref<10000x128xf32, #tpu.memory_space<vmem_shared>> -> memref<1000x128xf32, #tpu.memory_space<vmem_shared>>
        tpu.enqueue_dma source(%arg5 : memref<1000x128xf32, #tpu.memory_space<hbm>>) target(%dma_start3A_164 : memref<1000x128xf32, #tpu.memory_space<vmem_shared>>) target_semaphore(%run_scoped3A : memref<!tpu.dma_semaphore, #tpu.memory_space<semaphore_mem>>)
        %dma_wait3A_165 = arith.constant 0 : i32
        %dma_wait3A_166 = tpu.memref_slice %arg17[%mul3A_2, %dma_wait3A_165] : memref<10000x128xf32, #tpu.memory_space<vmem_shared>> -> memref<1000x128xf32, #tpu.memory_space<vmem_shared>>
        tpu.wait_dma2 semaphore(%run_scoped3A : memref<!tpu.dma_semaphore, #tpu.memory_space<semaphore_mem>>) src(%arg5 : memref<1000x128xf32, #tpu.memory_space<hbm>>) dst(%dma_wait3A_166 : memref<1000x128xf32, #tpu.memory_space<vmem_shared>>)
        tpu.yield
      }) : () -> ()
    } else {
    }
    %add3A_56 = arith.constant 32 : i32
    %add3A_57 = arith.addi %add3A_56, %add3A : i32
    %mul3A_58 = arith.constant 10000 : i32
    %mul3A_59 = arith.muli %add3A_57, %mul3A_58 : i32
    %multiple_of3A_60 = tpu.assume_multiple %mul3A_59, 8 : i32
    %dma_start3A_61 = tpu.memref_slice %arg3[%multiple_of3A_60] : memref<960000xi32, #tpu.memory_space<hbm>> -> memref<80xi32, #tpu.memory_space<hbm>>
    %dma_start3A_62 = tpu.memref_slice %arg3[%multiple_of3A_60] : memref<960000xi32, #tpu.memory_space<hbm>> -> memref<80xi32, #tpu.memory_space<hbm>>
    tpu.enqueue_dma source(%dma_start3A_62 : memref<80xi32, #tpu.memory_space<hbm>>) target(%arg7 : memref<80xi32, #tpu.memory_space<vmem>>) target_semaphore(%arg15 : memref<!tpu.dma_semaphore, #tpu.memory_space<semaphore_mem>>)
    %dma_start3A_63 = tpu.memref_slice %arg4[%multiple_of3A_60] : memref<960000xi32, #tpu.memory_space<hbm>> -> memref<80xi32, #tpu.memory_space<hbm>>
    %dma_start3A_64 = tpu.memref_slice %arg4[%multiple_of3A_60] : memref<960000xi32, #tpu.memory_space<hbm>> -> memref<80xi32, #tpu.memory_space<hbm>>
    tpu.enqueue_dma source(%dma_start3A_64 : memref<80xi32, #tpu.memory_space<hbm>>) target(%arg8 : memref<80xi32, #tpu.memory_space<vmem>>) target_semaphore(%arg15 : memref<!tpu.dma_semaphore, #tpu.memory_space<semaphore_mem>>)
    %barrier3A_65 = arith.constant 0 : index
    tpu.barrier barrier_id(%barrier3A_65)
    %dma_wait3A_66 = arith.constant 0 : i32
    %dma_wait3A_67 = tpu.memref_slice %arg3[%dma_wait3A_66] : memref<960000xi32, #tpu.memory_space<hbm>> -> memref<80xi32, #tpu.memory_space<hbm>>
    %dma_wait3A_68 = arith.constant 0 : i32
    %dma_wait3A_69 = tpu.memref_slice %arg3[%dma_wait3A_68] : memref<960000xi32, #tpu.memory_space<hbm>> -> memref<80xi32, #tpu.memory_space<hbm>>
    tpu.wait_dma2 semaphore(%arg15 : memref<!tpu.dma_semaphore, #tpu.memory_space<semaphore_mem>>) src(%dma_wait3A_69 : memref<80xi32, #tpu.memory_space<hbm>>) dst(%arg7 : memref<80xi32, #tpu.memory_space<vmem>>)
    %dma_wait3A_70 = arith.constant 0 : i32
    %dma_wait3A_71 = tpu.memref_slice %arg4[%dma_wait3A_70] : memref<960000xi32, #tpu.memory_space<hbm>> -> memref<80xi32, #tpu.memory_space<hbm>>
    %dma_wait3A_72 = arith.constant 0 : i32
    %dma_wait3A_73 = tpu.memref_slice %arg4[%dma_wait3A_72] : memref<960000xi32, #tpu.memory_space<hbm>> -> memref<80xi32, #tpu.memory_space<hbm>>
    tpu.wait_dma2 semaphore(%arg15 : memref<!tpu.dma_semaphore, #tpu.memory_space<semaphore_mem>>) src(%dma_wait3A_73 : memref<80xi32, #tpu.memory_space<hbm>>) dst(%arg8 : memref<80xi32, #tpu.memory_space<vmem>>)
    %dma_start3A_74 = arith.constant 0 : i32
    %dma_start3A_75 = arith.constant 0 : i32
    %dma_start3A_76 = tpu.memref_slice %arg2[%dma_start3A_74, %dma_start3A_75] : memref<30000x128xf32, #tpu.memory_space<hbm>> -> memref<30000x128xf32, #tpu.memory_space<hbm>>
    tpu.enqueue_indirect_dma source(%dma_start3A_76 : memref<30000x128xf32, #tpu.memory_space<hbm>>) target(%arg11 : memref<80x128xf32, #tpu.memory_space<vmem>>) offsets(%arg7 : memref<80xi32, #tpu.memory_space<vmem>>) semaphore(%arg13 : memref<!tpu.dma_semaphore, #tpu.memory_space<semaphore_mem>>)
    %add3A_77 = arith.constant 80 : i32
    %add3A_78 = arith.addi %mul3A_59, %add3A_77 : i32
    %multiple_of3A_79 = tpu.assume_multiple %add3A_78, 8 : i32
    %dma_start3A_80 = tpu.memref_slice %arg3[%multiple_of3A_79] : memref<960000xi32, #tpu.memory_space<hbm>> -> memref<80xi32, #tpu.memory_space<hbm>>
    %dma_start3A_81 = tpu.memref_slice %arg3[%multiple_of3A_79] : memref<960000xi32, #tpu.memory_space<hbm>> -> memref<80xi32, #tpu.memory_space<hbm>>
    tpu.enqueue_dma source(%dma_start3A_81 : memref<80xi32, #tpu.memory_space<hbm>>) target(%arg9 : memref<80xi32, #tpu.memory_space<vmem>>) target_semaphore(%arg16 : memref<!tpu.dma_semaphore, #tpu.memory_space<semaphore_mem>>)
    %dma_start3A_82 = tpu.memref_slice %arg4[%multiple_of3A_79] : memref<960000xi32, #tpu.memory_space<hbm>> -> memref<80xi32, #tpu.memory_space<hbm>>
    %dma_start3A_83 = tpu.memref_slice %arg4[%multiple_of3A_79] : memref<960000xi32, #tpu.memory_space<hbm>> -> memref<80xi32, #tpu.memory_space<hbm>>
    tpu.enqueue_dma source(%dma_start3A_83 : memref<80xi32, #tpu.memory_space<hbm>>) target(%arg10 : memref<80xi32, #tpu.memory_space<vmem>>) target_semaphore(%arg16 : memref<!tpu.dma_semaphore, #tpu.memory_space<semaphore_mem>>)
    %dma_wait3A_84 = arith.constant 0 : i32
    %dma_wait3A_85 = tpu.memref_slice %arg3[%dma_wait3A_84] : memref<960000xi32, #tpu.memory_space<hbm>> -> memref<80xi32, #tpu.memory_space<hbm>>
    %dma_wait3A_86 = arith.constant 0 : i32
    %dma_wait3A_87 = tpu.memref_slice %arg3[%dma_wait3A_86] : memref<960000xi32, #tpu.memory_space<hbm>> -> memref<80xi32, #tpu.memory_space<hbm>>
    tpu.wait_dma2 semaphore(%arg16 : memref<!tpu.dma_semaphore, #tpu.memory_space<semaphore_mem>>) src(%dma_wait3A_87 : memref<80xi32, #tpu.memory_space<hbm>>) dst(%arg9 : memref<80xi32, #tpu.memory_space<vmem>>)
    %dma_wait3A_88 = arith.constant 0 : i32
    %dma_wait3A_89 = tpu.memref_slice %arg4[%dma_wait3A_88] : memref<960000xi32, #tpu.memory_space<hbm>> -> memref<80xi32, #tpu.memory_space<hbm>>
    %dma_wait3A_90 = arith.constant 0 : i32
    %dma_wait3A_91 = tpu.memref_slice %arg4[%dma_wait3A_90] : memref<960000xi32, #tpu.memory_space<hbm>> -> memref<80xi32, #tpu.memory_space<hbm>>
    tpu.wait_dma2 semaphore(%arg16 : memref<!tpu.dma_semaphore, #tpu.memory_space<semaphore_mem>>) src(%dma_wait3A_91 : memref<80xi32, #tpu.memory_space<hbm>>) dst(%arg10 : memref<80xi32, #tpu.memory_space<vmem>>)
    %scan3A_92 = arith.constant 0 : i32
    %scan3A_93 = arith.constant 0 : i32
    %scan3A_94 = arith.constant 62 : i32
    %scan3A_95 = arith.addi %scan3A_93, %scan3A_94 : i32
    %scan3A_96 = arith.constant 1 : i32
    scf.for %scan3A_163 = %scan3A_93 to %scan3A_95 step %scan3A_96  : i32 {
      %dma_start3A_164 = arith.constant 0 : i32
      %dma_start3A_165 = arith.constant 0 : i32
      %dma_start3A_166 = tpu.memref_slice %arg2[%dma_start3A_164, %dma_start3A_165] : memref<30000x128xf32, #tpu.memory_space<hbm>> -> memref<30000x128xf32, #tpu.memory_space<hbm>>
      tpu.enqueue_indirect_dma source(%dma_start3A_166 : memref<30000x128xf32, #tpu.memory_space<hbm>>) target(%arg12 : memref<80x128xf32, #tpu.memory_space<vmem>>) offsets(%arg9 : memref<80xi32, #tpu.memory_space<vmem>>) semaphore(%arg14 : memref<!tpu.dma_semaphore, #tpu.memory_space<semaphore_mem>>)
      %dma_wait3A_167 = arith.constant 0 : i32
      %dma_wait3A_168 = arith.constant 0 : i32
      %dma_wait3A_169 = tpu.memref_slice %arg2[%dma_wait3A_167, %dma_wait3A_168] : memref<30000x128xf32, #tpu.memory_space<hbm>> -> memref<30000x128xf32, #tpu.memory_space<hbm>>
      tpu.wait_indirect_dma semaphore(%arg13 : memref<!tpu.dma_semaphore, #tpu.memory_space<semaphore_mem>>) src(%dma_wait3A_169 : memref<30000x128xf32, #tpu.memory_space<hbm>>) dst(%arg11 : memref<80x128xf32, #tpu.memory_space<vmem>>)
      "tpu.region"() ({
        %run_scoped3A = tpu.sem_alloc : memref<!tpu.dma_semaphore, #tpu.memory_space<semaphore_mem>>
        %dma_start3A_217 = arith.constant 0 : i32
        %dma_start3A_218 = arith.constant 0 : i32
        %dma_start3A_219 = tpu.memref_slice %arg17[%dma_start3A_217, %dma_start3A_218] : memref<10000x128xf32, #tpu.memory_space<vmem_shared>> -> memref<10000x128xf32, #tpu.memory_space<vmem_shared>>
        tpu.enqueue_indirect_dma source(%arg11 : memref<80x128xf32, #tpu.memory_space<vmem>>) target(%dma_start3A_219 : memref<10000x128xf32, #tpu.memory_space<vmem_shared>>) offsets(%arg8 : memref<80xi32, #tpu.memory_space<vmem>>) semaphore(%run_scoped3A : memref<!tpu.dma_semaphore, #tpu.memory_space<semaphore_mem>>) {add = true}
        %dma_wait3A_220 = arith.constant 0 : i32
        %dma_wait3A_221 = arith.constant 0 : i32
        %dma_wait3A_222 = tpu.memref_slice %arg17[%dma_wait3A_220, %dma_wait3A_221] : memref<10000x128xf32, #tpu.memory_space<vmem_shared>> -> memref<10000x128xf32, #tpu.memory_space<vmem_shared>>
        tpu.wait_indirect_dma semaphore(%run_scoped3A : memref<!tpu.dma_semaphore, #tpu.memory_space<semaphore_mem>>) src(%arg11 : memref<80x128xf32, #tpu.memory_space<vmem>>) dst(%dma_wait3A_222 : memref<10000x128xf32, #tpu.memory_space<vmem_shared>>)
        tpu.yield
      }) : () -> ()
      %mul3A_170 = arith.constant 2 : i32
      %mul3A_171 = arith.muli %mul3A_170, %scan3A_163 : i32
      %add3A_172 = arith.constant 2 : i32
      %add3A_173 = arith.addi %mul3A_171, %add3A_172 : i32
      %mul3A_174 = arith.constant 80 : i32
      %mul3A_175 = arith.muli %add3A_173, %mul3A_174 : i32
      %add3A_176 = arith.addi %mul3A_59, %mul3A_175 : i32
      %multiple_of3A_177 = tpu.assume_multiple %add3A_176, 8 : i32
      %dma_start3A_178 = tpu.memref_slice %arg3[%multiple_of3A_177] : memref<960000xi32, #tpu.memory_space<hbm>> -> memref<80xi32, #tpu.memory_space<hbm>>
      %dma_start3A_179 = tpu.memref_slice %arg3[%multiple_of3A_177] : memref<960000xi32, #tpu.memory_space<hbm>> -> memref<80xi32, #tpu.memory_space<hbm>>
      tpu.enqueue_dma source(%dma_start3A_179 : memref<80xi32, #tpu.memory_space<hbm>>) target(%arg7 : memref<80xi32, #tpu.memory_space<vmem>>) target_semaphore(%arg15 : memref<!tpu.dma_semaphore, #tpu.memory_space<semaphore_mem>>)
      %dma_start3A_180 = tpu.memref_slice %arg4[%multiple_of3A_177] : memref<960000xi32, #tpu.memory_space<hbm>> -> memref<80xi32, #tpu.memory_space<hbm>>
      %dma_start3A_181 = tpu.memref_slice %arg4[%multiple_of3A_177] : memref<960000xi32, #tpu.memory_space<hbm>> -> memref<80xi32, #tpu.memory_space<hbm>>
      tpu.enqueue_dma source(%dma_start3A_181 : memref<80xi32, #tpu.memory_space<hbm>>) target(%arg8 : memref<80xi32, #tpu.memory_space<vmem>>) target_semaphore(%arg15 : memref<!tpu.dma_semaphore, #tpu.memory_space<semaphore_mem>>)
      %dma_wait3A_182 = arith.constant 0 : i32
      %dma_wait3A_183 = tpu.memref_slice %arg3[%dma_wait3A_182] : memref<960000xi32, #tpu.memory_space<hbm>> -> memref<80xi32, #tpu.memory_space<hbm>>
      %dma_wait3A_184 = arith.constant 0 : i32
      %dma_wait3A_185 = tpu.memref_slice %arg3[%dma_wait3A_184] : memref<960000xi32, #tpu.memory_space<hbm>> -> memref<80xi32, #tpu.memory_space<hbm>>
      tpu.wait_dma2 semaphore(%arg15 : memref<!tpu.dma_semaphore, #tpu.memory_space<semaphore_mem>>) src(%dma_wait3A_185 : memref<80xi32, #tpu.memory_space<hbm>>) dst(%arg7 : memref<80xi32, #tpu.memory_space<vmem>>)
      %dma_wait3A_186 = arith.constant 0 : i32
      %dma_wait3A_187 = tpu.memref_slice %arg4[%dma_wait3A_186] : memref<960000xi32, #tpu.memory_space<hbm>> -> memref<80xi32, #tpu.memory_space<hbm>>
      %dma_wait3A_188 = arith.constant 0 : i32
      %dma_wait3A_189 = tpu.memref_slice %arg4[%dma_wait3A_188] : memref<960000xi32, #tpu.memory_space<hbm>> -> memref<80xi32, #tpu.memory_space<hbm>>
      tpu.wait_dma2 semaphore(%arg15 : memref<!tpu.dma_semaphore, #tpu.memory_space<semaphore_mem>>) src(%dma_wait3A_189 : memref<80xi32, #tpu.memory_space<hbm>>) dst(%arg8 : memref<80xi32, #tpu.memory_space<vmem>>)
      %dma_start3A_190 = arith.constant 0 : i32
      %dma_start3A_191 = arith.constant 0 : i32
      %dma_start3A_192 = tpu.memref_slice %arg2[%dma_start3A_190, %dma_start3A_191] : memref<30000x128xf32, #tpu.memory_space<hbm>> -> memref<30000x128xf32, #tpu.memory_space<hbm>>
      tpu.enqueue_indirect_dma source(%dma_start3A_192 : memref<30000x128xf32, #tpu.memory_space<hbm>>) target(%arg11 : memref<80x128xf32, #tpu.memory_space<vmem>>) offsets(%arg7 : memref<80xi32, #tpu.memory_space<vmem>>) semaphore(%arg13 : memref<!tpu.dma_semaphore, #tpu.memory_space<semaphore_mem>>)
      %dma_wait3A_193 = arith.constant 0 : i32
      %dma_wait3A_194 = arith.constant 0 : i32
      %dma_wait3A_195 = tpu.memref_slice %arg2[%dma_wait3A_193, %dma_wait3A_194] : memref<30000x128xf32, #tpu.memory_space<hbm>> -> memref<30000x128xf32, #tpu.memory_space<hbm>>
      tpu.wait_indirect_dma semaphore(%arg14 : memref<!tpu.dma_semaphore, #tpu.memory_space<semaphore_mem>>) src(%dma_wait3A_195 : memref<30000x128xf32, #tpu.memory_space<hbm>>) dst(%arg12 : memref<80x128xf32, #tpu.memory_space<vmem>>)
      "tpu.region"() ({
        %run_scoped3A = tpu.sem_alloc : memref<!tpu.dma_semaphore, #tpu.memory_space<semaphore_mem>>
        %dma_start3A_217 = arith.constant 0 : i32
        %dma_start3A_218 = arith.constant 0 : i32
        %dma_start3A_219 = tpu.memref_slice %arg17[%dma_start3A_217, %dma_start3A_218] : memref<10000x128xf32, #tpu.memory_space<vmem_shared>> -> memref<10000x128xf32, #tpu.memory_space<vmem_shared>>
        tpu.enqueue_indirect_dma source(%arg12 : memref<80x128xf32, #tpu.memory_space<vmem>>) target(%dma_start3A_219 : memref<10000x128xf32, #tpu.memory_space<vmem_shared>>) offsets(%arg10 : memref<80xi32, #tpu.memory_space<vmem>>) semaphore(%run_scoped3A : memref<!tpu.dma_semaphore, #tpu.memory_space<semaphore_mem>>) {add = true}
        %dma_wait3A_220 = arith.constant 0 : i32
        %dma_wait3A_221 = arith.constant 0 : i32
        %dma_wait3A_222 = tpu.memref_slice %arg17[%dma_wait3A_220, %dma_wait3A_221] : memref<10000x128xf32, #tpu.memory_space<vmem_shared>> -> memref<10000x128xf32, #tpu.memory_space<vmem_shared>>
        tpu.wait_indirect_dma semaphore(%run_scoped3A : memref<!tpu.dma_semaphore, #tpu.memory_space<semaphore_mem>>) src(%arg12 : memref<80x128xf32, #tpu.memory_space<vmem>>) dst(%dma_wait3A_222 : memref<10000x128xf32, #tpu.memory_space<vmem_shared>>)
        tpu.yield
      }) : () -> ()
      %mul3A_196 = arith.constant 2 : i32
      %mul3A_197 = arith.muli %mul3A_196, %scan3A_163 : i32
      %add3A_198 = arith.constant 3 : i32
      %add3A_199 = arith.addi %mul3A_197, %add3A_198 : i32
      %min3A = arith.constant 124 : i32
      %min3A_200 = arith.minsi %add3A_199, %min3A : i32
      %mul3A_201 = arith.constant 80 : i32
      %mul3A_202 = arith.muli %min3A_200, %mul3A_201 : i32
      %add3A_203 = arith.addi %mul3A_59, %mul3A_202 : i32
      %multiple_of3A_204 = tpu.assume_multiple %add3A_203, 8 : i32
      %dma_start3A_205 = tpu.memref_slice %arg3[%multiple_of3A_204] : memref<960000xi32, #tpu.memory_space<hbm>> -> memref<80xi32, #tpu.memory_space<hbm>>
      %dma_start3A_206 = tpu.memref_slice %arg3[%multiple_of3A_204] : memref<960000xi32, #tpu.memory_space<hbm>> -> memref<80xi32, #tpu.memory_space<hbm>>
      tpu.enqueue_dma source(%dma_start3A_206 : memref<80xi32, #tpu.memory_space<hbm>>) target(%arg9 : memref<80xi32, #tpu.memory_space<vmem>>) target_semaphore(%arg16 : memref<!tpu.dma_semaphore, #tpu.memory_space<semaphore_mem>>)
      %dma_start3A_207 = tpu.memref_slice %arg4[%multiple_of3A_204] : memref<960000xi32, #tpu.memory_space<hbm>> -> memref<80xi32, #tpu.memory_space<hbm>>
      %dma_start3A_208 = tpu.memref_slice %arg4[%multiple_of3A_204] : memref<960000xi32, #tpu.memory_space<hbm>> -> memref<80xi32, #tpu.memory_space<hbm>>
      tpu.enqueue_dma source(%dma_start3A_208 : memref<80xi32, #tpu.memory_space<hbm>>) target(%arg10 : memref<80xi32, #tpu.memory_space<vmem>>) target_semaphore(%arg16 : memref<!tpu.dma_semaphore, #tpu.memory_space<semaphore_mem>>)
      %dma_wait3A_209 = arith.constant 0 : i32
      %dma_wait3A_210 = tpu.memref_slice %arg3[%dma_wait3A_209] : memref<960000xi32, #tpu.memory_space<hbm>> -> memref<80xi32, #tpu.memory_space<hbm>>
      %dma_wait3A_211 = arith.constant 0 : i32
      %dma_wait3A_212 = tpu.memref_slice %arg3[%dma_wait3A_211] : memref<960000xi32, #tpu.memory_space<hbm>> -> memref<80xi32, #tpu.memory_space<hbm>>
      tpu.wait_dma2 semaphore(%arg16 : memref<!tpu.dma_semaphore, #tpu.memory_space<semaphore_mem>>) src(%dma_wait3A_212 : memref<80xi32, #tpu.memory_space<hbm>>) dst(%arg9 : memref<80xi32, #tpu.memory_space<vmem>>)
      %dma_wait3A_213 = arith.constant 0 : i32
      %dma_wait3A_214 = tpu.memref_slice %arg4[%dma_wait3A_213] : memref<960000xi32, #tpu.memory_space<hbm>> -> memref<80xi32, #tpu.memory_space<hbm>>
      %dma_wait3A_215 = arith.constant 0 : i32
      %dma_wait3A_216 = tpu.memref_slice %arg4[%dma_wait3A_215] : memref<960000xi32, #tpu.memory_space<hbm>> -> memref<80xi32, #tpu.memory_space<hbm>>
      tpu.wait_dma2 semaphore(%arg16 : memref<!tpu.dma_semaphore, #tpu.memory_space<semaphore_mem>>) src(%dma_wait3A_216 : memref<80xi32, #tpu.memory_space<hbm>>) dst(%arg10 : memref<80xi32, #tpu.memory_space<vmem>>)
    }
    %scan3A_97 = arith.constant 62 : i32
    %dma_wait3A_98 = arith.constant 0 : i32
    %dma_wait3A_99 = arith.constant 0 : i32
    %dma_wait3A_100 = tpu.memref_slice %arg2[%dma_wait3A_98, %dma_wait3A_99] : memref<30000x128xf32, #tpu.memory_space<hbm>> -> memref<30000x128xf32, #tpu.memory_space<hbm>>
    tpu.wait_indirect_dma semaphore(%arg13 : memref<!tpu.dma_semaphore, #tpu.memory_space<semaphore_mem>>) src(%dma_wait3A_100 : memref<30000x128xf32, #tpu.memory_space<hbm>>) dst(%arg11 : memref<80x128xf32, #tpu.memory_space<vmem>>)
    "tpu.region"() ({
      %run_scoped3A = tpu.sem_alloc : memref<!tpu.dma_semaphore, #tpu.memory_space<semaphore_mem>>
      %dma_start3A_163 = arith.constant 0 : i32
      %dma_start3A_164 = arith.constant 0 : i32
      %dma_start3A_165 = tpu.memref_slice %arg17[%dma_start3A_163, %dma_start3A_164] : memref<10000x128xf32, #tpu.memory_space<vmem_shared>> -> memref<10000x128xf32, #tpu.memory_space<vmem_shared>>
      tpu.enqueue_indirect_dma source(%arg11 : memref<80x128xf32, #tpu.memory_space<vmem>>) target(%dma_start3A_165 : memref<10000x128xf32, #tpu.memory_space<vmem_shared>>) offsets(%arg8 : memref<80xi32, #tpu.memory_space<vmem>>) semaphore(%run_scoped3A : memref<!tpu.dma_semaphore, #tpu.memory_space<semaphore_mem>>) {add = true}
      %dma_wait3A_166 = arith.constant 0 : i32
      %dma_wait3A_167 = arith.constant 0 : i32
      %dma_wait3A_168 = tpu.memref_slice %arg17[%dma_wait3A_166, %dma_wait3A_167] : memref<10000x128xf32, #tpu.memory_space<vmem_shared>> -> memref<10000x128xf32, #tpu.memory_space<vmem_shared>>
      tpu.wait_indirect_dma semaphore(%run_scoped3A : memref<!tpu.dma_semaphore, #tpu.memory_space<semaphore_mem>>) src(%arg11 : memref<80x128xf32, #tpu.memory_space<vmem>>) dst(%dma_wait3A_168 : memref<10000x128xf32, #tpu.memory_space<vmem_shared>>)
      tpu.yield
    }) : () -> ()
    %barrier3A_101 = arith.constant 0 : index
    tpu.barrier barrier_id(%barrier3A_101)
    %lt3A_102 = arith.constant 10 : i32
    %lt3A_103 = arith.cmpi slt, %arg1, %lt3A_102 : i32
    %convert_element_type3A_104 = arith.extui %lt3A_103 : i1 to i32
    %cond3A_105 = arith.constant 0 : i32
    %cond3A_106 = arith.cmpi ne, %convert_element_type3A_104, %cond3A_105 : i32
    scf.if %cond3A_106 {
      %mul3A_163 = arith.constant 3 : i32
      %mul3A_164 = arith.muli %arg0, %mul3A_163 : i32
      %add3A_165 = arith.constant 1 : i32
      %add3A_166 = arith.addi %mul3A_164, %add3A_165 : i32
      %mul3A_167 = arith.constant 10000 : i32
      %mul3A_168 = arith.muli %add3A_166, %mul3A_167 : i32
      %add3A_169 = arith.addi %mul3A_168, %mul3A_2 : i32
      "tpu.region"() ({
        %run_scoped3A = tpu.sem_alloc : memref<!tpu.dma_semaphore, #tpu.memory_space<semaphore_mem>>
        %dma_start3A_170 = arith.constant 0 : i32
        %dma_start3A_171 = tpu.memref_slice %arg6[%add3A_169, %dma_start3A_170] : memref<60000x128xf32, #tpu.memory_space<hbm>> -> memref<1000x128xf32, #tpu.memory_space<hbm>>
        %dma_start3A_172 = arith.constant 0 : i32
        %dma_start3A_173 = tpu.memref_slice %arg17[%mul3A_2, %dma_start3A_172] : memref<10000x128xf32, #tpu.memory_space<vmem_shared>> -> memref<1000x128xf32, #tpu.memory_space<vmem_shared>>
        tpu.enqueue_dma source(%dma_start3A_173 : memref<1000x128xf32, #tpu.memory_space<vmem_shared>>) target(%dma_start3A_171 : memref<1000x128xf32, #tpu.memory_space<hbm>>) target_semaphore(%run_scoped3A : memref<!tpu.dma_semaphore, #tpu.memory_space<semaphore_mem>>)
        %dma_wait3A_174 = arith.constant 0 : i32
        %dma_wait3A_175 = tpu.memref_slice %arg6[%add3A_169, %dma_wait3A_174] : memref<60000x128xf32, #tpu.memory_space<hbm>> -> memref<1000x128xf32, #tpu.memory_space<hbm>>
        %dma_wait3A_176 = arith.constant 0 : i32
        %dma_wait3A_177 = tpu.memref_slice %arg17[%mul3A_2, %dma_wait3A_176] : memref<10000x128xf32, #tpu.memory_space<vmem_shared>> -> memref<1000x128xf32, #tpu.memory_space<vmem_shared>>
        tpu.wait_dma2 semaphore(%run_scoped3A : memref<!tpu.dma_semaphore, #tpu.memory_space<semaphore_mem>>) src(%dma_wait3A_177 : memref<1000x128xf32, #tpu.memory_space<vmem_shared>>) dst(%dma_wait3A_175 : memref<1000x128xf32, #tpu.memory_space<hbm>>)
        tpu.yield
      }) : () -> ()
    } else {
    }
    %lt3A_107 = arith.constant 10 : i32
    %lt3A_108 = arith.cmpi slt, %arg1, %lt3A_107 : i32
    %convert_element_type3A_109 = arith.extui %lt3A_108 : i1 to i32
    %cond3A_110 = arith.constant 0 : i32
    %cond3A_111 = arith.cmpi ne, %convert_element_type3A_109, %cond3A_110 : i32
    scf.if %cond3A_111 {
      "tpu.region"() ({
        %run_scoped3A = tpu.sem_alloc : memref<!tpu.dma_semaphore, #tpu.memory_space<semaphore_mem>>
        %dma_start3A_163 = arith.constant 0 : i32
        %dma_start3A_164 = tpu.memref_slice %arg17[%mul3A_2, %dma_start3A_163] : memref<10000x128xf32, #tpu.memory_space<vmem_shared>> -> memref<1000x128xf32, #tpu.memory_space<vmem_shared>>
        tpu.enqueue_dma source(%arg5 : memref<1000x128xf32, #tpu.memory_space<hbm>>) target(%dma_start3A_164 : memref<1000x128xf32, #tpu.memory_space<vmem_shared>>) target_semaphore(%run_scoped3A : memref<!tpu.dma_semaphore, #tpu.memory_space<semaphore_mem>>)
        %dma_wait3A_165 = arith.constant 0 : i32
        %dma_wait3A_166 = tpu.memref_slice %arg17[%mul3A_2, %dma_wait3A_165] : memref<10000x128xf32, #tpu.memory_space<vmem_shared>> -> memref<1000x128xf32, #tpu.memory_space<vmem_shared>>
        tpu.wait_dma2 semaphore(%run_scoped3A : memref<!tpu.dma_semaphore, #tpu.memory_space<semaphore_mem>>) src(%arg5 : memref<1000x128xf32, #tpu.memory_space<hbm>>) dst(%dma_wait3A_166 : memref<1000x128xf32, #tpu.memory_space<vmem_shared>>)
        tpu.yield
      }) : () -> ()
    } else {
    }
    %add3A_112 = arith.constant 64 : i32
    %add3A_113 = arith.addi %add3A_112, %add3A : i32
    %mul3A_114 = arith.constant 10000 : i32
    %mul3A_115 = arith.muli %add3A_113, %mul3A_114 : i32
    %multiple_of3A_116 = tpu.assume_multiple %mul3A_115, 8 : i32
    %dma_start3A_117 = tpu.memref_slice %arg3[%multiple_of3A_116] : memref<960000xi32, #tpu.memory_space<hbm>> -> memref<80xi32, #tpu.memory_space<hbm>>
    %dma_start3A_118 = tpu.memref_slice %arg3[%multiple_of3A_116] : memref<960000xi32, #tpu.memory_space<hbm>> -> memref<80xi32, #tpu.memory_space<hbm>>
    tpu.enqueue_dma source(%dma_start3A_118 : memref<80xi32, #tpu.memory_space<hbm>>) target(%arg7 : memref<80xi32, #tpu.memory_space<vmem>>) target_semaphore(%arg15 : memref<!tpu.dma_semaphore, #tpu.memory_space<semaphore_mem>>)
    %dma_start3A_119 = tpu.memref_slice %arg4[%multiple_of3A_116] : memref<960000xi32, #tpu.memory_space<hbm>> -> memref<80xi32, #tpu.memory_space<hbm>>
    %dma_start3A_120 = tpu.memref_slice %arg4[%multiple_of3A_116] : memref<960000xi32, #tpu.memory_space<hbm>> -> memref<80xi32, #tpu.memory_space<hbm>>
    tpu.enqueue_dma source(%dma_start3A_120 : memref<80xi32, #tpu.memory_space<hbm>>) target(%arg8 : memref<80xi32, #tpu.memory_space<vmem>>) target_semaphore(%arg15 : memref<!tpu.dma_semaphore, #tpu.memory_space<semaphore_mem>>)
    %barrier3A_121 = arith.constant 0 : index
    tpu.barrier barrier_id(%barrier3A_121)
    %dma_wait3A_122 = arith.constant 0 : i32
    %dma_wait3A_123 = tpu.memref_slice %arg3[%dma_wait3A_122] : memref<960000xi32, #tpu.memory_space<hbm>> -> memref<80xi32, #tpu.memory_space<hbm>>
    %dma_wait3A_124 = arith.constant 0 : i32
    %dma_wait3A_125 = tpu.memref_slice %arg3[%dma_wait3A_124] : memref<960000xi32, #tpu.memory_space<hbm>> -> memref<80xi32, #tpu.memory_space<hbm>>
    tpu.wait_dma2 semaphore(%arg15 : memref<!tpu.dma_semaphore, #tpu.memory_space<semaphore_mem>>) src(%dma_wait3A_125 : memref<80xi32, #tpu.memory_space<hbm>>) dst(%arg7 : memref<80xi32, #tpu.memory_space<vmem>>)
    %dma_wait3A_126 = arith.constant 0 : i32
    %dma_wait3A_127 = tpu.memref_slice %arg4[%dma_wait3A_126] : memref<960000xi32, #tpu.memory_space<hbm>> -> memref<80xi32, #tpu.memory_space<hbm>>
    %dma_wait3A_128 = arith.constant 0 : i32
    %dma_wait3A_129 = tpu.memref_slice %arg4[%dma_wait3A_128] : memref<960000xi32, #tpu.memory_space<hbm>> -> memref<80xi32, #tpu.memory_space<hbm>>
    tpu.wait_dma2 semaphore(%arg15 : memref<!tpu.dma_semaphore, #tpu.memory_space<semaphore_mem>>) src(%dma_wait3A_129 : memref<80xi32, #tpu.memory_space<hbm>>) dst(%arg8 : memref<80xi32, #tpu.memory_space<vmem>>)
    %dma_start3A_130 = arith.constant 0 : i32
    %dma_start3A_131 = arith.constant 0 : i32
    %dma_start3A_132 = tpu.memref_slice %arg2[%dma_start3A_130, %dma_start3A_131] : memref<30000x128xf32, #tpu.memory_space<hbm>> -> memref<30000x128xf32, #tpu.memory_space<hbm>>
    tpu.enqueue_indirect_dma source(%dma_start3A_132 : memref<30000x128xf32, #tpu.memory_space<hbm>>) target(%arg11 : memref<80x128xf32, #tpu.memory_space<vmem>>) offsets(%arg7 : memref<80xi32, #tpu.memory_space<vmem>>) semaphore(%arg13 : memref<!tpu.dma_semaphore, #tpu.memory_space<semaphore_mem>>)
    %add3A_133 = arith.constant 80 : i32
    %add3A_134 = arith.addi %mul3A_115, %add3A_133 : i32
    %multiple_of3A_135 = tpu.assume_multiple %add3A_134, 8 : i32
    %dma_start3A_136 = tpu.memref_slice %arg3[%multiple_of3A_135] : memref<960000xi32, #tpu.memory_space<hbm>> -> memref<80xi32, #tpu.memory_space<hbm>>
    %dma_start3A_137 = tpu.memref_slice %arg3[%multiple_of3A_135] : memref<960000xi32, #tpu.memory_space<hbm>> -> memref<80xi32, #tpu.memory_space<hbm>>
    tpu.enqueue_dma source(%dma_start3A_137 : memref<80xi32, #tpu.memory_space<hbm>>) target(%arg9 : memref<80xi32, #tpu.memory_space<vmem>>) target_semaphore(%arg16 : memref<!tpu.dma_semaphore, #tpu.memory_space<semaphore_mem>>)
    %dma_start3A_138 = tpu.memref_slice %arg4[%multiple_of3A_135] : memref<960000xi32, #tpu.memory_space<hbm>> -> memref<80xi32, #tpu.memory_space<hbm>>
    %dma_start3A_139 = tpu.memref_slice %arg4[%multiple_of3A_135] : memref<960000xi32, #tpu.memory_space<hbm>> -> memref<80xi32, #tpu.memory_space<hbm>>
    tpu.enqueue_dma source(%dma_start3A_139 : memref<80xi32, #tpu.memory_space<hbm>>) target(%arg10 : memref<80xi32, #tpu.memory_space<vmem>>) target_semaphore(%arg16 : memref<!tpu.dma_semaphore, #tpu.memory_space<semaphore_mem>>)
    %dma_wait3A_140 = arith.constant 0 : i32
    %dma_wait3A_141 = tpu.memref_slice %arg3[%dma_wait3A_140] : memref<960000xi32, #tpu.memory_space<hbm>> -> memref<80xi32, #tpu.memory_space<hbm>>
    %dma_wait3A_142 = arith.constant 0 : i32
    %dma_wait3A_143 = tpu.memref_slice %arg3[%dma_wait3A_142] : memref<960000xi32, #tpu.memory_space<hbm>> -> memref<80xi32, #tpu.memory_space<hbm>>
    tpu.wait_dma2 semaphore(%arg16 : memref<!tpu.dma_semaphore, #tpu.memory_space<semaphore_mem>>) src(%dma_wait3A_143 : memref<80xi32, #tpu.memory_space<hbm>>) dst(%arg9 : memref<80xi32, #tpu.memory_space<vmem>>)
    %dma_wait3A_144 = arith.constant 0 : i32
    %dma_wait3A_145 = tpu.memref_slice %arg4[%dma_wait3A_144] : memref<960000xi32, #tpu.memory_space<hbm>> -> memref<80xi32, #tpu.memory_space<hbm>>
    %dma_wait3A_146 = arith.constant 0 : i32
    %dma_wait3A_147 = tpu.memref_slice %arg4[%dma_wait3A_146] : memref<960000xi32, #tpu.memory_space<hbm>> -> memref<80xi32, #tpu.memory_space<hbm>>
    tpu.wait_dma2 semaphore(%arg16 : memref<!tpu.dma_semaphore, #tpu.memory_space<semaphore_mem>>) src(%dma_wait3A_147 : memref<80xi32, #tpu.memory_space<hbm>>) dst(%arg10 : memref<80xi32, #tpu.memory_space<vmem>>)
    %scan3A_148 = arith.constant 0 : i32
    %scan3A_149 = arith.constant 0 : i32
    %scan3A_150 = arith.constant 62 : i32
    %scan3A_151 = arith.addi %scan3A_149, %scan3A_150 : i32
    %scan3A_152 = arith.constant 1 : i32
    scf.for %scan3A_163 = %scan3A_149 to %scan3A_151 step %scan3A_152  : i32 {
      %dma_start3A_164 = arith.constant 0 : i32
      %dma_start3A_165 = arith.constant 0 : i32
      %dma_start3A_166 = tpu.memref_slice %arg2[%dma_start3A_164, %dma_start3A_165] : memref<30000x128xf32, #tpu.memory_space<hbm>> -> memref<30000x128xf32, #tpu.memory_space<hbm>>
      tpu.enqueue_indirect_dma source(%dma_start3A_166 : memref<30000x128xf32, #tpu.memory_space<hbm>>) target(%arg12 : memref<80x128xf32, #tpu.memory_space<vmem>>) offsets(%arg9 : memref<80xi32, #tpu.memory_space<vmem>>) semaphore(%arg14 : memref<!tpu.dma_semaphore, #tpu.memory_space<semaphore_mem>>)
      %dma_wait3A_167 = arith.constant 0 : i32
      %dma_wait3A_168 = arith.constant 0 : i32
      %dma_wait3A_169 = tpu.memref_slice %arg2[%dma_wait3A_167, %dma_wait3A_168] : memref<30000x128xf32, #tpu.memory_space<hbm>> -> memref<30000x128xf32, #tpu.memory_space<hbm>>
      tpu.wait_indirect_dma semaphore(%arg13 : memref<!tpu.dma_semaphore, #tpu.memory_space<semaphore_mem>>) src(%dma_wait3A_169 : memref<30000x128xf32, #tpu.memory_space<hbm>>) dst(%arg11 : memref<80x128xf32, #tpu.memory_space<vmem>>)
      "tpu.region"() ({
        %run_scoped3A = tpu.sem_alloc : memref<!tpu.dma_semaphore, #tpu.memory_space<semaphore_mem>>
        %dma_start3A_217 = arith.constant 0 : i32
        %dma_start3A_218 = arith.constant 0 : i32
        %dma_start3A_219 = tpu.memref_slice %arg17[%dma_start3A_217, %dma_start3A_218] : memref<10000x128xf32, #tpu.memory_space<vmem_shared>> -> memref<10000x128xf32, #tpu.memory_space<vmem_shared>>
        tpu.enqueue_indirect_dma source(%arg11 : memref<80x128xf32, #tpu.memory_space<vmem>>) target(%dma_start3A_219 : memref<10000x128xf32, #tpu.memory_space<vmem_shared>>) offsets(%arg8 : memref<80xi32, #tpu.memory_space<vmem>>) semaphore(%run_scoped3A : memref<!tpu.dma_semaphore, #tpu.memory_space<semaphore_mem>>) {add = true}
        %dma_wait3A_220 = arith.constant 0 : i32
        %dma_wait3A_221 = arith.constant 0 : i32
        %dma_wait3A_222 = tpu.memref_slice %arg17[%dma_wait3A_220, %dma_wait3A_221] : memref<10000x128xf32, #tpu.memory_space<vmem_shared>> -> memref<10000x128xf32, #tpu.memory_space<vmem_shared>>
        tpu.wait_indirect_dma semaphore(%run_scoped3A : memref<!tpu.dma_semaphore, #tpu.memory_space<semaphore_mem>>) src(%arg11 : memref<80x128xf32, #tpu.memory_space<vmem>>) dst(%dma_wait3A_222 : memref<10000x128xf32, #tpu.memory_space<vmem_shared>>)
        tpu.yield
      }) : () -> ()
      %mul3A_170 = arith.constant 2 : i32
      %mul3A_171 = arith.muli %mul3A_170, %scan3A_163 : i32
      %add3A_172 = arith.constant 2 : i32
      %add3A_173 = arith.addi %mul3A_171, %add3A_172 : i32
      %mul3A_174 = arith.constant 80 : i32
      %mul3A_175 = arith.muli %add3A_173, %mul3A_174 : i32
      %add3A_176 = arith.addi %mul3A_115, %mul3A_175 : i32
      %multiple_of3A_177 = tpu.assume_multiple %add3A_176, 8 : i32
      %dma_start3A_178 = tpu.memref_slice %arg3[%multiple_of3A_177] : memref<960000xi32, #tpu.memory_space<hbm>> -> memref<80xi32, #tpu.memory_space<hbm>>
      %dma_start3A_179 = tpu.memref_slice %arg3[%multiple_of3A_177] : memref<960000xi32, #tpu.memory_space<hbm>> -> memref<80xi32, #tpu.memory_space<hbm>>
      tpu.enqueue_dma source(%dma_start3A_179 : memref<80xi32, #tpu.memory_space<hbm>>) target(%arg7 : memref<80xi32, #tpu.memory_space<vmem>>) target_semaphore(%arg15 : memref<!tpu.dma_semaphore, #tpu.memory_space<semaphore_mem>>)
      %dma_start3A_180 = tpu.memref_slice %arg4[%multiple_of3A_177] : memref<960000xi32, #tpu.memory_space<hbm>> -> memref<80xi32, #tpu.memory_space<hbm>>
      %dma_start3A_181 = tpu.memref_slice %arg4[%multiple_of3A_177] : memref<960000xi32, #tpu.memory_space<hbm>> -> memref<80xi32, #tpu.memory_space<hbm>>
      tpu.enqueue_dma source(%dma_start3A_181 : memref<80xi32, #tpu.memory_space<hbm>>) target(%arg8 : memref<80xi32, #tpu.memory_space<vmem>>) target_semaphore(%arg15 : memref<!tpu.dma_semaphore, #tpu.memory_space<semaphore_mem>>)
      %dma_wait3A_182 = arith.constant 0 : i32
      %dma_wait3A_183 = tpu.memref_slice %arg3[%dma_wait3A_182] : memref<960000xi32, #tpu.memory_space<hbm>> -> memref<80xi32, #tpu.memory_space<hbm>>
      %dma_wait3A_184 = arith.constant 0 : i32
      %dma_wait3A_185 = tpu.memref_slice %arg3[%dma_wait3A_184] : memref<960000xi32, #tpu.memory_space<hbm>> -> memref<80xi32, #tpu.memory_space<hbm>>
      tpu.wait_dma2 semaphore(%arg15 : memref<!tpu.dma_semaphore, #tpu.memory_space<semaphore_mem>>) src(%dma_wait3A_185 : memref<80xi32, #tpu.memory_space<hbm>>) dst(%arg7 : memref<80xi32, #tpu.memory_space<vmem>>)
      %dma_wait3A_186 = arith.constant 0 : i32
      %dma_wait3A_187 = tpu.memref_slice %arg4[%dma_wait3A_186] : memref<960000xi32, #tpu.memory_space<hbm>> -> memref<80xi32, #tpu.memory_space<hbm>>
      %dma_wait3A_188 = arith.constant 0 : i32
      %dma_wait3A_189 = tpu.memref_slice %arg4[%dma_wait3A_188] : memref<960000xi32, #tpu.memory_space<hbm>> -> memref<80xi32, #tpu.memory_space<hbm>>
      tpu.wait_dma2 semaphore(%arg15 : memref<!tpu.dma_semaphore, #tpu.memory_space<semaphore_mem>>) src(%dma_wait3A_189 : memref<80xi32, #tpu.memory_space<hbm>>) dst(%arg8 : memref<80xi32, #tpu.memory_space<vmem>>)
      %dma_start3A_190 = arith.constant 0 : i32
      %dma_start3A_191 = arith.constant 0 : i32
      %dma_start3A_192 = tpu.memref_slice %arg2[%dma_start3A_190, %dma_start3A_191] : memref<30000x128xf32, #tpu.memory_space<hbm>> -> memref<30000x128xf32, #tpu.memory_space<hbm>>
      tpu.enqueue_indirect_dma source(%dma_start3A_192 : memref<30000x128xf32, #tpu.memory_space<hbm>>) target(%arg11 : memref<80x128xf32, #tpu.memory_space<vmem>>) offsets(%arg7 : memref<80xi32, #tpu.memory_space<vmem>>) semaphore(%arg13 : memref<!tpu.dma_semaphore, #tpu.memory_space<semaphore_mem>>)
      %dma_wait3A_193 = arith.constant 0 : i32
      %dma_wait3A_194 = arith.constant 0 : i32
      %dma_wait3A_195 = tpu.memref_slice %arg2[%dma_wait3A_193, %dma_wait3A_194] : memref<30000x128xf32, #tpu.memory_space<hbm>> -> memref<30000x128xf32, #tpu.memory_space<hbm>>
      tpu.wait_indirect_dma semaphore(%arg14 : memref<!tpu.dma_semaphore, #tpu.memory_space<semaphore_mem>>) src(%dma_wait3A_195 : memref<30000x128xf32, #tpu.memory_space<hbm>>) dst(%arg12 : memref<80x128xf32, #tpu.memory_space<vmem>>)
      "tpu.region"() ({
        %run_scoped3A = tpu.sem_alloc : memref<!tpu.dma_semaphore, #tpu.memory_space<semaphore_mem>>
        %dma_start3A_217 = arith.constant 0 : i32
        %dma_start3A_218 = arith.constant 0 : i32
        %dma_start3A_219 = tpu.memref_slice %arg17[%dma_start3A_217, %dma_start3A_218] : memref<10000x128xf32, #tpu.memory_space<vmem_shared>> -> memref<10000x128xf32, #tpu.memory_space<vmem_shared>>
        tpu.enqueue_indirect_dma source(%arg12 : memref<80x128xf32, #tpu.memory_space<vmem>>) target(%dma_start3A_219 : memref<10000x128xf32, #tpu.memory_space<vmem_shared>>) offsets(%arg10 : memref<80xi32, #tpu.memory_space<vmem>>) semaphore(%run_scoped3A : memref<!tpu.dma_semaphore, #tpu.memory_space<semaphore_mem>>) {add = true}
        %dma_wait3A_220 = arith.constant 0 : i32
        %dma_wait3A_221 = arith.constant 0 : i32
        %dma_wait3A_222 = tpu.memref_slice %arg17[%dma_wait3A_220, %dma_wait3A_221] : memref<10000x128xf32, #tpu.memory_space<vmem_shared>> -> memref<10000x128xf32, #tpu.memory_space<vmem_shared>>
        tpu.wait_indirect_dma semaphore(%run_scoped3A : memref<!tpu.dma_semaphore, #tpu.memory_space<semaphore_mem>>) src(%arg12 : memref<80x128xf32, #tpu.memory_space<vmem>>) dst(%dma_wait3A_222 : memref<10000x128xf32, #tpu.memory_space<vmem_shared>>)
        tpu.yield
      }) : () -> ()
      %mul3A_196 = arith.constant 2 : i32
      %mul3A_197 = arith.muli %mul3A_196, %scan3A_163 : i32
      %add3A_198 = arith.constant 3 : i32
      %add3A_199 = arith.addi %mul3A_197, %add3A_198 : i32
      %min3A = arith.constant 124 : i32
      %min3A_200 = arith.minsi %add3A_199, %min3A : i32
      %mul3A_201 = arith.constant 80 : i32
      %mul3A_202 = arith.muli %min3A_200, %mul3A_201 : i32
      %add3A_203 = arith.addi %mul3A_115, %mul3A_202 : i32
      %multiple_of3A_204 = tpu.assume_multiple %add3A_203, 8 : i32
      %dma_start3A_205 = tpu.memref_slice %arg3[%multiple_of3A_204] : memref<960000xi32, #tpu.memory_space<hbm>> -> memref<80xi32, #tpu.memory_space<hbm>>
      %dma_start3A_206 = tpu.memref_slice %arg3[%multiple_of3A_204] : memref<960000xi32, #tpu.memory_space<hbm>> -> memref<80xi32, #tpu.memory_space<hbm>>
      tpu.enqueue_dma source(%dma_start3A_206 : memref<80xi32, #tpu.memory_space<hbm>>) target(%arg9 : memref<80xi32, #tpu.memory_space<vmem>>) target_semaphore(%arg16 : memref<!tpu.dma_semaphore, #tpu.memory_space<semaphore_mem>>)
      %dma_start3A_207 = tpu.memref_slice %arg4[%multiple_of3A_204] : memref<960000xi32, #tpu.memory_space<hbm>> -> memref<80xi32, #tpu.memory_space<hbm>>
      %dma_start3A_208 = tpu.memref_slice %arg4[%multiple_of3A_204] : memref<960000xi32, #tpu.memory_space<hbm>> -> memref<80xi32, #tpu.memory_space<hbm>>
      tpu.enqueue_dma source(%dma_start3A_208 : memref<80xi32, #tpu.memory_space<hbm>>) target(%arg10 : memref<80xi32, #tpu.memory_space<vmem>>) target_semaphore(%arg16 : memref<!tpu.dma_semaphore, #tpu.memory_space<semaphore_mem>>)
      %dma_wait3A_209 = arith.constant 0 : i32
      %dma_wait3A_210 = tpu.memref_slice %arg3[%dma_wait3A_209] : memref<960000xi32, #tpu.memory_space<hbm>> -> memref<80xi32, #tpu.memory_space<hbm>>
      %dma_wait3A_211 = arith.constant 0 : i32
      %dma_wait3A_212 = tpu.memref_slice %arg3[%dma_wait3A_211] : memref<960000xi32, #tpu.memory_space<hbm>> -> memref<80xi32, #tpu.memory_space<hbm>>
      tpu.wait_dma2 semaphore(%arg16 : memref<!tpu.dma_semaphore, #tpu.memory_space<semaphore_mem>>) src(%dma_wait3A_212 : memref<80xi32, #tpu.memory_space<hbm>>) dst(%arg9 : memref<80xi32, #tpu.memory_space<vmem>>)
      %dma_wait3A_213 = arith.constant 0 : i32
      %dma_wait3A_214 = tpu.memref_slice %arg4[%dma_wait3A_213] : memref<960000xi32, #tpu.memory_space<hbm>> -> memref<80xi32, #tpu.memory_space<hbm>>
      %dma_wait3A_215 = arith.constant 0 : i32
      %dma_wait3A_216 = tpu.memref_slice %arg4[%dma_wait3A_215] : memref<960000xi32, #tpu.memory_space<hbm>> -> memref<80xi32, #tpu.memory_space<hbm>>
      tpu.wait_dma2 semaphore(%arg16 : memref<!tpu.dma_semaphore, #tpu.memory_space<semaphore_mem>>) src(%dma_wait3A_216 : memref<80xi32, #tpu.memory_space<hbm>>) dst(%arg10 : memref<80xi32, #tpu.memory_space<vmem>>)
    }
    %scan3A_153 = arith.constant 62 : i32
    %dma_wait3A_154 = arith.constant 0 : i32
    %dma_wait3A_155 = arith.constant 0 : i32
    %dma_wait3A_156 = tpu.memref_slice %arg2[%dma_wait3A_154, %dma_wait3A_155] : memref<30000x128xf32, #tpu.memory_space<hbm>> -> memref<30000x128xf32, #tpu.memory_space<hbm>>
    tpu.wait_indirect_dma semaphore(%arg13 : memref<!tpu.dma_semaphore, #tpu.memory_space<semaphore_mem>>) src(%dma_wait3A_156 : memref<30000x128xf32, #tpu.memory_space<hbm>>) dst(%arg11 : memref<80x128xf32, #tpu.memory_space<vmem>>)
    "tpu.region"() ({
      %run_scoped3A = tpu.sem_alloc : memref<!tpu.dma_semaphore, #tpu.memory_space<semaphore_mem>>
      %dma_start3A_163 = arith.constant 0 : i32
      %dma_start3A_164 = arith.constant 0 : i32
      %dma_start3A_165 = tpu.memref_slice %arg17[%dma_start3A_163, %dma_start3A_164] : memref<10000x128xf32, #tpu.memory_space<vmem_shared>> -> memref<10000x128xf32, #tpu.memory_space<vmem_shared>>
      tpu.enqueue_indirect_dma source(%arg11 : memref<80x128xf32, #tpu.memory_space<vmem>>) target(%dma_start3A_165 : memref<10000x128xf32, #tpu.memory_space<vmem_shared>>) offsets(%arg8 : memref<80xi32, #tpu.memory_space<vmem>>) semaphore(%run_scoped3A : memref<!tpu.dma_semaphore, #tpu.memory_space<semaphore_mem>>) {add = true}
      %dma_wait3A_166 = arith.constant 0 : i32
      %dma_wait3A_167 = arith.constant 0 : i32
      %dma_wait3A_168 = tpu.memref_slice %arg17[%dma_wait3A_166, %dma_wait3A_167] : memref<10000x128xf32, #tpu.memory_space<vmem_shared>> -> memref<10000x128xf32, #tpu.memory_space<vmem_shared>>
      tpu.wait_indirect_dma semaphore(%run_scoped3A : memref<!tpu.dma_semaphore, #tpu.memory_space<semaphore_mem>>) src(%arg11 : memref<80x128xf32, #tpu.memory_space<vmem>>) dst(%dma_wait3A_168 : memref<10000x128xf32, #tpu.memory_space<vmem_shared>>)
      tpu.yield
    }) : () -> ()
    %barrier3A_157 = arith.constant 0 : index
    tpu.barrier barrier_id(%barrier3A_157)
    %lt3A_158 = arith.constant 10 : i32
    %lt3A_159 = arith.cmpi slt, %arg1, %lt3A_158 : i32
    %convert_element_type3A_160 = arith.extui %lt3A_159 : i1 to i32
    %cond3A_161 = arith.constant 0 : i32
    %cond3A_162 = arith.cmpi ne, %convert_element_type3A_160, %cond3A_161 : i32
    scf.if %cond3A_162 {
      %mul3A_163 = arith.constant 3 : i32
      %mul3A_164 = arith.muli %arg0, %mul3A_163 : i32
      %add3A_165 = arith.constant 2 : i32
      %add3A_166 = arith.addi %mul3A_164, %add3A_165 : i32
      %mul3A_167 = arith.constant 10000 : i32
      %mul3A_168 = arith.muli %add3A_166, %mul3A_167 : i32
      %add3A_169 = arith.addi %mul3A_168, %mul3A_2 : i32
      "tpu.region"() ({
        %run_scoped3A = tpu.sem_alloc : memref<!tpu.dma_semaphore, #tpu.memory_space<semaphore_mem>>
        %dma_start3A_170 = arith.constant 0 : i32
        %dma_start3A_171 = tpu.memref_slice %arg6[%add3A_169, %dma_start3A_170] : memref<60000x128xf32, #tpu.memory_space<hbm>> -> memref<1000x128xf32, #tpu.memory_space<hbm>>
        %dma_start3A_172 = arith.constant 0 : i32
        %dma_start3A_173 = tpu.memref_slice %arg17[%mul3A_2, %dma_start3A_172] : memref<10000x128xf32, #tpu.memory_space<vmem_shared>> -> memref<1000x128xf32, #tpu.memory_space<vmem_shared>>
        tpu.enqueue_dma source(%dma_start3A_173 : memref<1000x128xf32, #tpu.memory_space<vmem_shared>>) target(%dma_start3A_171 : memref<1000x128xf32, #tpu.memory_space<hbm>>) target_semaphore(%run_scoped3A : memref<!tpu.dma_semaphore, #tpu.memory_space<semaphore_mem>>)
        %dma_wait3A_174 = arith.constant 0 : i32
        %dma_wait3A_175 = tpu.memref_slice %arg6[%add3A_169, %dma_wait3A_174] : memref<60000x128xf32, #tpu.memory_space<hbm>> -> memref<1000x128xf32, #tpu.memory_space<hbm>>
        %dma_wait3A_176 = arith.constant 0 : i32
        %dma_wait3A_177 = tpu.memref_slice %arg17[%mul3A_2, %dma_wait3A_176] : memref<10000x128xf32, #tpu.memory_space<vmem_shared>> -> memref<1000x128xf32, #tpu.memory_space<vmem_shared>>
        tpu.wait_dma2 semaphore(%run_scoped3A : memref<!tpu.dma_semaphore, #tpu.memory_space<semaphore_mem>>) src(%dma_wait3A_177 : memref<1000x128xf32, #tpu.memory_space<vmem_shared>>) dst(%dma_wait3A_175 : memref<1000x128xf32, #tpu.memory_space<hbm>>)
        tpu.yield
      }) : () -> ()
    } else {
    }
    return
  }
}

module attributes {stable_mosaic.version = 14 : i64} {
  func.func @_scale_body(%arg0: i32, %arg1: i32, %arg2: memref<2000x128xf32, #tpu.memory_space<vmem>>, %arg3: memref<2000x128xf32, #tpu.memory_space<vmem>>, %arg4: memref<1x128x64xf32, #tpu.memory_space<vmem>>, %arg5: memref<1x32x2000xf32, #tpu.memory_space<vmem>>, %arg6: memref<1x2000x128xf32, #tpu.memory_space<vmem>>) attributes {dimension_semantics = [#tpu.dimension_semantics<arbitrary>, #tpu.dimension_semantics<arbitrary>], iteration_bounds = array<i64: 3, 5>, scalar_prefetch = 0 : i64, scratch_operands = 0 : i64, tpu.core_type = #tpu.core_type<tc>, window_params = [{transform_indices = @transform_0, window_bounds = array<i64: 2000, 128>}, {transform_indices = @transform_1, window_bounds = array<i64: 2000, 128>}, {transform_indices = @transform_2, window_bounds = array<i64: 1, 128, 64>}, {transform_indices = @transform_3, window_bounds = array<i64: 1, 32, 2000>}, {transform_indices = @transform_4, window_bounds = array<i64: 1, 2000, 128>}]} {
    %get3A = arith.constant 0 : index
    %get3A_0 = arith.constant 0 : index
    %get3A_1 = arith.constant 0 : index
    %get3A_2 = vector.load %arg4[%get3A, %get3A_0, %get3A_1] : memref<1x128x64xf32, #tpu.memory_space<vmem>>, vector<1x128x64xf32>
    %get3A_3 = vector.shape_cast %get3A_2 : vector<1x128x64xf32> to vector<128x64xf32>
    %get3A_4 = arith.constant 0 : index
    %get3A_5 = arith.constant 0 : index
    %get3A_6 = arith.constant 0 : index
    %get3A_7 = vector.load %arg5[%get3A_4, %get3A_5, %get3A_6] : memref<1x32x2000xf32, #tpu.memory_space<vmem>>, vector<1x32x2000xf32>
    %get3A_8 = vector.shape_cast %get3A_7 : vector<1x32x2000xf32> to vector<32x2000xf32>
    %broadcast_in_dim3A = arith.constant 1.000000e+00 : f32
    %broadcast_in_dim3A_9 = vector.broadcast %broadcast_in_dim3A : f32 to vector<32x1xf32>
    %dot_general3A = arith.constant dense<0.000000e+00> : vector<2000x1xf32>
    %dot_general3A_10 = tpu.matmul %get3A_8, %broadcast_in_dim3A_9, %dot_general3A {dimension_numbers = #tpu.dot_dimension_numbers<[0], [0], [1], [1], [0, 1, 1, 1], [], []>, transpose_lhs_hint = false} : vector<32x2000xf32>, vector<32x1xf32>, vector<2000x1xf32> -> vector<2000x1xf32>
    %add3A = arith.constant 1.000000e+00 : f32
    %add3A_11 = vector.broadcast %add3A : f32 to vector<2000x1xf32>
    %add3A_12 = arith.addf %add3A_11, %dot_general3A_10 : vector<2000x1xf32>
    %rsqrt3A = math.rsqrt %add3A_12 : vector<2000x1xf32>
    %get3A_13 = arith.constant 0 : index
    %get3A_14 = arith.constant 0 : index
    %get3A_15 = vector.load %arg2[%get3A_13, %get3A_14] : memref<2000x128xf32, #tpu.memory_space<vmem>>, vector<2000x128xf32>
    %dot_general3A_16 = arith.constant dense<0.000000e+00> : vector<2000x64xf32>
    %dot_general3A_17 = tpu.matmul %get3A_15, %get3A_3, %dot_general3A_16 {dimension_numbers = #tpu.dot_dimension_numbers<[1], [0], [0], [1], [0, 0, 1, 1], [], []>, transpose_lhs_hint = false} : vector<2000x128xf32>, vector<128x64xf32>, vector<2000x64xf32> -> vector<2000x64xf32>
    %get3A_18 = arith.constant 0 : index
    %get3A_19 = arith.constant 0 : index
    %get3A_20 = vector.load %arg3[%get3A_18, %get3A_19] : memref<2000x128xf32, #tpu.memory_space<vmem>>, vector<2000x128xf32>
    %dot_general3A_21 = arith.constant dense<0.000000e+00> : vector<2000x64xf32>
    %dot_general3A_22 = tpu.matmul %get3A_20, %get3A_3, %dot_general3A_21 {dimension_numbers = #tpu.dot_dimension_numbers<[1], [0], [0], [1], [0, 0, 1, 1], [], []>, transpose_lhs_hint = false} : vector<2000x128xf32>, vector<128x64xf32>, vector<2000x64xf32> -> vector<2000x64xf32>
    %concatenate3A = tpu.concatenate %dot_general3A_17, %dot_general3A_22 in 1 : vector<2000x64xf32>, vector<2000x64xf32> -> vector<2000x128xf32>
    %mul3A = vector.broadcast %rsqrt3A : vector<2000x1xf32> to vector<2000x128xf32>
    %mul3A_23 = arith.mulf %concatenate3A, %mul3A : vector<2000x128xf32>
    %swap3A = arith.constant 0 : index
    %swap3A_24 = arith.constant 0 : index
    %swap3A_25 = arith.constant 0 : index
    %swap3A_26 = vector.load %arg6[%swap3A, %swap3A_24, %swap3A_25] : memref<1x2000x128xf32, #tpu.memory_space<vmem>>, vector<1x2000x128xf32>
    %swap3A_27 = vector.shape_cast %swap3A_26 : vector<1x2000x128xf32> to vector<2000x128xf32>
    %swap3A_28 = vector.shape_cast %mul3A_23 : vector<2000x128xf32> to vector<1x2000x128xf32>
    tpu.vector_store %arg6[%swap3A, %swap3A_24, %swap3A_25], %swap3A_28 {strides = array<i32>} : memref<1x2000x128xf32, #tpu.memory_space<vmem>>, vector<1x2000x128xf32>,
    return
  }
  func.func @transform_0(%arg0: i32, %arg1: i32) -> (i32, i32) {
    %c0_i32 = arith.constant 0 : i32
    %c0_i32_0 = arith.constant 0 : i32
    return %arg1, %c0_i32 : i32, i32
  }
  func.func @transform_1(%arg0: i32, %arg1: i32) -> (i32, i32) {
    %c0_i32 = arith.constant 0 : i32
    %c0_i32_0 = arith.constant 0 : i32
    return %arg1, %c0_i32 : i32, i32
  }
  func.func @transform_2(%arg0: i32, %arg1: i32) -> (i32, i32, i32) {
    %c0_i32 = arith.constant 0 : i32
    %c0_i32_0 = arith.constant 0 : i32
    %c0_i32_1 = arith.constant 0 : i32
    return %arg0, %c0_i32, %c0_i32_0 : i32, i32, i32
  }
  func.func @transform_3(%arg0: i32, %arg1: i32) -> (i32, i32, i32) {
    %mul3A = arith.constant 5 : i32
    %mul3A_0 = arith.muli %arg0, %mul3A : i32
    %add3A = arith.addi %mul3A_0, %arg1 : i32
    %c0_i32 = arith.constant 0 : i32
    %c0_i32_1 = arith.constant 0 : i32
    %c0_i32_2 = arith.constant 0 : i32
    return %add3A, %c0_i32, %c0_i32_1 : i32, i32, i32
  }
  func.func @transform_4(%arg0: i32, %arg1: i32) -> (i32, i32, i32) {
    %c0_i32 = arith.constant 0 : i32
    %c0_i32_0 = arith.constant 0 : i32
    return %arg0, %arg1, %c0_i32 : i32, i32, i32
  }
}

module attributes {stable_mosaic.version = 14 : i64} {
  func.func @_final_body(%arg0: i32, %arg1: i32, %arg2: memref<1x2000x128xf32, #tpu.memory_space<vmem>>, %arg3: memref<1x2000x128xf32, #tpu.memory_space<vmem>>, %arg4: memref<1x2000x128xf32, #tpu.memory_space<vmem>>, %arg5: memref<1x32x2000xf32, #tpu.memory_space<vmem>>, %arg6: memref<1x1x128xf32, #tpu.memory_space<vmem>>, %arg7: memref<1x2000x64xf32, #tpu.memory_space<vmem>>, %arg8: memref<1x2000x64xf32, #tpu.memory_space<vmem>>, %arg9: memref<1x1x64xf32, #tpu.memory_space<vmem>>) attributes {dimension_semantics = [#tpu.dimension_semantics<arbitrary>, #tpu.dimension_semantics<arbitrary>], iteration_bounds = array<i64: 3, 5>, scalar_prefetch = 0 : i64, scratch_operands = 0 : i64, tpu.core_type = #tpu.core_type<tc>, window_params = [{transform_indices = @transform_0, window_bounds = array<i64: 1, 2000, 128>}, {transform_indices = @transform_1, window_bounds = array<i64: 1, 2000, 128>}, {transform_indices = @transform_2, window_bounds = array<i64: 1, 2000, 128>}, {transform_indices = @transform_3, window_bounds = array<i64: 1, 32, 2000>}, {transform_indices = @transform_4, window_bounds = array<i64: 1, 1, 128>}, {transform_indices = @transform_5, window_bounds = array<i64: 1, 2000, 64>}, {transform_indices = @transform_6, window_bounds = array<i64: 1, 2000, 64>}, {transform_indices = @transform_7, window_bounds = array<i64: 1, 1, 64>}]} {
    %get3A = arith.constant 0 : index
    %get3A_0 = arith.constant 0 : index
    %get3A_1 = arith.constant 0 : index
    %get3A_2 = vector.load %arg5[%get3A, %get3A_0, %get3A_1] : memref<1x32x2000xf32, #tpu.memory_space<vmem>>, vector<1x32x2000xf32>
    %get3A_3 = vector.shape_cast %get3A_2 : vector<1x32x2000xf32> to vector<32x2000xf32>
    %broadcast_in_dim3A = arith.constant 1.000000e+00 : f32
    %broadcast_in_dim3A_4 = vector.broadcast %broadcast_in_dim3A : f32 to vector<32x1xf32>
    %dot_general3A = arith.constant dense<0.000000e+00> : vector<2000x1xf32>
    %dot_general3A_5 = tpu.matmul %get3A_3, %broadcast_in_dim3A_4, %dot_general3A {dimension_numbers = #tpu.dot_dimension_numbers<[0], [0], [1], [1], [0, 1, 1, 1], [], []>, transpose_lhs_hint = false} : vector<32x2000xf32>, vector<32x1xf32>, vector<2000x1xf32> -> vector<2000x1xf32>
    %add3A = arith.constant 1.000000e+00 : f32
    %add3A_6 = vector.broadcast %add3A : f32 to vector<2000x1xf32>
    %add3A_7 = arith.addf %add3A_6, %dot_general3A_5 : vector<2000x1xf32>
    %rsqrt3A = math.rsqrt %add3A_7 : vector<2000x1xf32>
    %get3A_8 = arith.constant 0 : index
    %get3A_9 = arith.constant 0 : index
    %get3A_10 = arith.constant 0 : index
    %get3A_11 = vector.load %arg2[%get3A_8, %get3A_9, %get3A_10] : memref<1x2000x128xf32, #tpu.memory_space<vmem>>, vector<1x2000x128xf32>
    %get3A_12 = vector.shape_cast %get3A_11 : vector<1x2000x128xf32> to vector<2000x128xf32>
    %get3A_13 = arith.constant 0 : index
    %get3A_14 = arith.constant 0 : index
    %get3A_15 = arith.constant 0 : index
    %get3A_16 = vector.load %arg3[%get3A_13, %get3A_14, %get3A_15] : memref<1x2000x128xf32, #tpu.memory_space<vmem>>, vector<1x2000x128xf32>
    %get3A_17 = vector.shape_cast %get3A_16 : vector<1x2000x128xf32> to vector<2000x128xf32>
    %add3A_18 = arith.addf %get3A_12, %get3A_17 : vector<2000x128xf32>
    %get3A_19 = arith.constant 0 : index
    %get3A_20 = arith.constant 0 : index
    %get3A_21 = arith.constant 0 : index
    %get3A_22 = vector.load %arg4[%get3A_19, %get3A_20, %get3A_21] : memref<1x2000x128xf32, #tpu.memory_space<vmem>>, vector<1x2000x128xf32>
    %get3A_23 = vector.shape_cast %get3A_22 : vector<1x2000x128xf32> to vector<2000x128xf32>
    %add3A_24 = arith.addf %add3A_18, %get3A_23 : vector<2000x128xf32>
    %mul3A = vector.broadcast %rsqrt3A : vector<2000x1xf32> to vector<2000x128xf32>
    %mul3A_25 = arith.mulf %add3A_24, %mul3A : vector<2000x128xf32>
    %get3A_26 = arith.constant 0 : index
    %get3A_27 = arith.constant 0 : index
    %get3A_28 = arith.constant 0 : index
    %get3A_29 = vector.load %arg6[%get3A_26, %get3A_27, %get3A_28] : memref<1x1x128xf32, #tpu.memory_space<vmem>>, vector<1x1x128xf32>
    %get3A_30 = vector.shape_cast %get3A_29 : vector<1x1x128xf32> to vector<1x128xf32>
    %add3A_31 = vector.broadcast %get3A_30 : vector<1x128xf32> to vector<2000x128xf32>
    %add3A_32 = arith.addf %mul3A_25, %add3A_31 : vector<2000x128xf32>
    %max3A = arith.constant 0.000000e+00 : f32
    %max3A_33 = vector.broadcast %max3A : f32 to vector<2000x128xf32>
    %max3A_34 = arith.maximumf %add3A_32, %max3A_33 : vector<2000x128xf32>
    %slice3A = vector.extract_strided_slice %max3A_34 {offsets = [0, 0], sizes = [2000, 64], strides = [1, 1]} : vector<2000x128xf32> to vector<2000x64xf32>
    %swap3A = arith.constant 0 : index
    %swap3A_35 = arith.constant 0 : index
    %swap3A_36 = arith.constant 0 : index
    %swap3A_37 = vector.load %arg7[%swap3A, %swap3A_35, %swap3A_36] : memref<1x2000x64xf32, #tpu.memory_space<vmem>>, vector<1x2000x64xf32>
    %swap3A_38 = vector.shape_cast %swap3A_37 : vector<1x2000x64xf32> to vector<2000x64xf32>
    %swap3A_39 = vector.shape_cast %slice3A : vector<2000x64xf32> to vector<1x2000x64xf32>
    tpu.vector_store %arg7[%swap3A, %swap3A_35, %swap3A_36], %swap3A_39 {strides = array<i32>} : memref<1x2000x64xf32, #tpu.memory_space<vmem>>, vector<1x2000x64xf32>,
    %slice3A_40 = vector.extract_strided_slice %max3A_34 {offsets = [0, 64], sizes = [2000, 64], strides = [1, 1]} : vector<2000x128xf32> to vector<2000x64xf32>
    %swap3A_41 = arith.constant 0 : index
    %swap3A_42 = arith.constant 0 : index
    %swap3A_43 = arith.constant 0 : index
    %swap3A_44 = vector.load %arg8[%swap3A_41, %swap3A_42, %swap3A_43] : memref<1x2000x64xf32, #tpu.memory_space<vmem>>, vector<1x2000x64xf32>
    %swap3A_45 = vector.shape_cast %swap3A_44 : vector<1x2000x64xf32> to vector<2000x64xf32>
    %swap3A_46 = vector.shape_cast %slice3A_40 : vector<2000x64xf32> to vector<1x2000x64xf32>
    tpu.vector_store %arg8[%swap3A_41, %swap3A_42, %swap3A_43], %swap3A_46 {strides = array<i32>} : memref<1x2000x64xf32, #tpu.memory_space<vmem>>, vector<1x2000x64xf32>,
    %reduce_sum3A = arith.constant dense<0.000000e+00> : vector<64xf32>
    %reduce_sum3A_47 = vector.multi_reduction <add>, %slice3A, %reduce_sum3A [0] : vector<2000x64xf32> to vector<64xf32>
    %broadcast_in_dim3A_48 = vector.shape_cast %reduce_sum3A_47 : vector<64xf32> to vector<1x64xf32>
    %mul3A_49 = arith.constant 9.99999974E-5 : f32
    %mul3A_50 = vector.broadcast %mul3A_49 : f32 to vector<1x64xf32>
    %mul3A_51 = arith.mulf %broadcast_in_dim3A_48, %mul3A_50 : vector<1x64xf32>
    %eq3A = arith.constant 0 : i32
    %eq3A_52 = arith.cmpi eq, %arg1, %eq3A : i32
    %convert_element_type3A = arith.extui %eq3A_52 : i1 to i32
    %cond3A = arith.constant 0 : i32
    %cond3A_53 = arith.cmpi ne, %convert_element_type3A, %cond3A : i32
    scf.if %cond3A_53 {
      %swap3A_58 = arith.constant 0 : index
      %swap3A_59 = arith.constant 0 : index
      %swap3A_60 = arith.constant 0 : index
      %swap3A_61 = vector.load %arg9[%swap3A_58, %swap3A_59, %swap3A_60] : memref<1x1x64xf32, #tpu.memory_space<vmem>>, vector<1x1x64xf32>
      %swap3A_62 = vector.shape_cast %swap3A_61 : vector<1x1x64xf32> to vector<1x64xf32>
      %swap3A_63 = vector.shape_cast %mul3A_51 : vector<1x64xf32> to vector<1x1x64xf32>
      tpu.vector_store %arg9[%swap3A_58, %swap3A_59, %swap3A_60], %swap3A_63 {strides = array<i32>} : memref<1x1x64xf32, #tpu.memory_space<vmem>>, vector<1x1x64xf32>,
    } else {
    }
    %ne3A = arith.constant 0 : i32
    %ne3A_54 = arith.cmpi ne, %arg1, %ne3A : i32
    %convert_element_type3A_55 = arith.extui %ne3A_54 : i1 to i32
    %cond3A_56 = arith.constant 0 : i32
    %cond3A_57 = arith.cmpi ne, %convert_element_type3A_55, %cond3A_56 : i32
    scf.if %cond3A_57 {
      %get3A_58 = arith.constant 0 : index
      %get3A_59 = arith.constant 0 : index
      %get3A_60 = arith.constant 0 : index
      %get3A_61 = vector.load %arg9[%get3A_58, %get3A_59, %get3A_60] : memref<1x1x64xf32, #tpu.memory_space<vmem>>, vector<1x1x64xf32>
      %get3A_62 = vector.shape_cast %get3A_61 : vector<1x1x64xf32> to vector<1x64xf32>
      %add3A_63 = arith.addf %get3A_62, %mul3A_51 : vector<1x64xf32>
      %swap3A_64 = arith.constant 0 : index
      %swap3A_65 = arith.constant 0 : index
      %swap3A_66 = arith.constant 0 : index
      %swap3A_67 = vector.load %arg9[%swap3A_64, %swap3A_65, %swap3A_66] : memref<1x1x64xf32, #tpu.memory_space<vmem>>, vector<1x1x64xf32>
      %swap3A_68 = vector.shape_cast %swap3A_67 : vector<1x1x64xf32> to vector<1x64xf32>
      %swap3A_69 = vector.shape_cast %add3A_63 : vector<1x64xf32> to vector<1x1x64xf32>
      tpu.vector_store %arg9[%swap3A_64, %swap3A_65, %swap3A_66], %swap3A_69 {strides = array<i32>} : memref<1x1x64xf32, #tpu.memory_space<vmem>>, vector<1x1x64xf32>,
    } else {
    }
    return
  }
  func.func @transform_0(%arg0: i32, %arg1: i32) -> (i32, i32, i32) {
    %c0_i32 = arith.constant 0 : i32
    %c0_i32_0 = arith.constant 0 : i32
    return %arg0, %arg1, %c0_i32 : i32, i32, i32
  }
  func.func @transform_1(%arg0: i32, %arg1: i32) -> (i32, i32, i32) {
    %add3A = arith.constant 3 : i32
    %add3A_0 = arith.addi %add3A, %arg0 : i32
    %c0_i32 = arith.constant 0 : i32
    %c0_i32_1 = arith.constant 0 : i32
    return %add3A_0, %arg1, %c0_i32 : i32, i32, i32
  }
  func.func @transform_2(%arg0: i32, %arg1: i32) -> (i32, i32, i32) {
    %c0_i32 = arith.constant 0 : i32
    %c0_i32_0 = arith.constant 0 : i32
    return %arg0, %arg1, %c0_i32 : i32, i32, i32
  }
  func.func @transform_3(%arg0: i32, %arg1: i32) -> (i32, i32, i32) {
    %mul3A = arith.constant 5 : i32
    %mul3A_0 = arith.muli %arg0, %mul3A : i32
    %add3A = arith.addi %mul3A_0, %arg1 : i32
    %c0_i32 = arith.constant 0 : i32
    %c0_i32_1 = arith.constant 0 : i32
    %c0_i32_2 = arith.constant 0 : i32
    return %add3A, %c0_i32, %c0_i32_1 : i32, i32, i32
  }
  func.func @transform_4(%arg0: i32, %arg1: i32) -> (i32, i32, i32) {
    %c0_i32 = arith.constant 0 : i32
    %c0_i32_0 = arith.constant 0 : i32
    %c0_i32_1 = arith.constant 0 : i32
    return %arg0, %c0_i32, %c0_i32_0 : i32, i32, i32
  }
  func.func @transform_5(%arg0: i32, %arg1: i32) -> (i32, i32, i32) {
    %c0_i32 = arith.constant 0 : i32
    %c0_i32_0 = arith.constant 0 : i32
    return %arg0, %arg1, %c0_i32 : i32, i32, i32
  }
  func.func @transform_6(%arg0: i32, %arg1: i32) -> (i32, i32, i32) {
    %c0_i32 = arith.constant 0 : i32
    %c0_i32_0 = arith.constant 0 : i32
    return %arg0, %arg1, %c0_i32 : i32, i32, i32
  }
  func.func @transform_7(%arg0: i32, %arg1: i32) -> (i32, i32, i32) {
    %c0_i32 = arith.constant 0 : i32
    %c0_i32_0 = arith.constant 0 : i32
    %c0_i32_1 = arith.constant 0 : i32
    return %arg0, %c0_i32, %c0_i32_0 : i32, i32, i32
  }
}

</mosaic_0001>

<sc_bundles>
// kernel: gather_offload_async_start
scs
__scs_entry_jumppad:
0x0: {  	(pc) =	sbr.rel $0x88, $3  }
0x1: {  	(tag) =	ssettag $0x0;
	lr =	simm.s32 $0x1  }
0x2: {  	[smem:$0x3F9C] =	sst lr;
	_ =	strace $0xD0000000  }
0x3: {  	_ = 	snop  }
0x4: {  	_ = 	snop  }
0x5: {  	_ = 	snop  }
0x6: {  	_ = 	snop  }
0x7: {  	_ = 	snop  }
__scs_overlays_trampoline_lowered:
0x8: {  	[smem:$0x3FAB] =	sst s0  }
0x9: {  	[smem:$0x3FAC] =	sst s1  }
0xa: {  	[smem:$0x3FAD] =	sst s2  }
0xb: {  	[smem:$0x3FAE] =	sst s3  }
0xc: {  	[smem:$0x3FAF] =	sst s4  }
0xd: {  	[smem:$0x3FB0] =	sst s5  }
0xe: {  	[smem:$0x3FB1] =	sst s6  }
0xf: {  	[smem:$0x3FB2] =	sst s7  }
0x10: {  	[smem:$0x3FB3] =	sst s8  }
0x11: {  	[smem:$0x3FB4] =	sst s9;
	s0 =	simm.s32 @!p0 $0x0  }
0x12: {  	s1 =	sld [smem:$0x3F9A];
	s0 =	simm.s32 @p0 $0x1  }
0x13: {  	[smem:$0x3FB5] =	sst s0;
	s0 =	simm.s32 @!p1 $0x0  }
0x14: {  	s2 =	sld [smem:$0x3F99];
	s0 =	simm.s32 @p1 $0x1  }
0x15: {  	[smem:$0x3FB6] =	sst s0;
	s0 =	simm.s32 @!p2 $0x0  }
0x16: {  	s3 =	sld [smem:$0x3FDB];
	s0 =	simm.s32 @p2 $0x1  }
0x17: {  	s4 =	simm.s32 $0x1BF5;
	[smem:$0x3FB8] =	sst s0  }
0x18: {  	s0 =	sld [smem:$0x3F9B];
	_ =	swait.ge [sflag:s4], $0x0  }
0x19: {  	s7 =	sld [smem:$0x3F9C]  }
0x1a: {  	s8 =	sadd.s32 $0xFFFFE003, lr  }
0x1b: {  	s9 =	sadd.s32 $0xFFFFFEF7, lr;
	s5 =	simm.s32 $0xFFFFFFFF;
	p2 =	slt.u32 s8, $0xFFFFF086  }
0x1c: {  	p1 =	slt.u32 s9, $0xF7A;
	s5 =	simm.s32 @!p2 $0x0  }
0x1d: {  	s5 =	simm.s32 @p1 $0x1;
	p0 =	seq.s32 s7, s2  }
0x1e: {  	s7 =	smul.u32 @!p0 $0xF7A, s2;
	p2 =	seq.s32 @!p0 s5, $0x0  }
0x1f: {  	s9 =	smul.u32 $0xF7A, s1;
	s8 =	simm.s32 @!p0 $0x1BF5;
	p2 =	por !p2, p0  }
0x20: {  	[sflag:s8] =	ssyncset.s32 @!p0 $0xFFFFF086;
	s6 =	sadd.s32 @!p0 s3, s7;
	s7 =	simm.s32 @!p0 $0x108  }
0x21: {  	s3 =	sadd.s32 s3, s9;
	s6 =	sadd.s32 @!p0 $0x88, s6;
	s7 =	simm.s32 @p2 $0x1082  }
0x22: {  	[simem:s7], [sflag:s8] =	dma.local @!p0 [hbm:s6], $0xF7A  }
0x23: {  	s9 =	sor.u32 $0xD0000000, s2;
	s6 =	simm.s32 $0x108;
	_ =	swait.ge @!p0 [sflag:s8], $0x0  }
0x24: {  	s3 =	sadd.s32 $0x88, s3;
	s6 =	simm.s32 @!p1 $0x1082;
	[sflag:s4] =	ssyncset.s32 $0xFFFFF086  }
0x25: {  	[simem:s6], [sflag:s4] =	dma.local [hbm:s3], $0xF7A  }
0x26: {  	[smem:$0x3F9C] =	sst s1;
	(tag) =	ssettag s2;
	_ =	strace s9  }
0x27: {  	s1 =	sld [smem:$0x3FAC]  }
0x28: {  	s2 =	sld [smem:$0x3FAD]  }
0x29: {  	s4 =	sld [smem:$0x3FAF]  }
0x2a: {  	p0 =	seq.s32 s5, $0x0;
	s5 =	sld [smem:$0x3FB0]  }
0x2b: {  	s6 =	sld [smem:$0x3FB1]  }
0x2c: {  	s7 =	sld [smem:$0x3FB2]  }
0x2d: {  	s3 =	simm.s32 $0x108;
	s8 =	sld [smem:$0x3FB3]  }
0x2e: {  	s3 =	simm.s32 @!p0 $0x1082;
	s9 =	sld [smem:$0x3FB4]  }
0x2f: {  	lr =	sadd.s32 s0, s3;
	s0 =	sld [smem:$0x3FAB]  }
0x30: {  	s3 =	sld [smem:$0x3FAE]  }
0x31: {  	[smem:$0x3FB7] =	sst s10  }
0x32: {  	s10 =	sld [smem:$0x3FB5];
	_ =	sdelay $0x3  }
0x33: {  	p0 =	seq.s32 s10, $0x1;
	s10 =	sld [smem:$0x3FB7];
	_ =	sdelay $0x3  }
0x34: {  	[smem:$0x3FB7] =	sst s10  }
0x35: {  	s10 =	sld [smem:$0x3FB6];
	_ =	sdelay $0x3  }
0x36: {  	p1 =	seq.s32 s10, $0x1;
	s10 =	sld [smem:$0x3FB7];
	_ =	sdelay $0x3  }
0x37: {  	[smem:$0x3FB7] =	sst s10  }
0x38: {  	s10 =	sld [smem:$0x3FB8]  }
0x39: {  	_ = 	snop;
	(pc) =	sbr.ind lr, $3  }
0x3a: {  	_ = 	snop  }
0x3b: {  	_ = 	snop  }
0x3c: {  	p2 =	seq.s32 s10, $0x1;
	s10 =	sld [smem:$0x3FB7]  }
0x3d: {  	_ =	shalt  }
0x3e: {  	_ =	shalt  }
0x3f: {  	_ =	shalt  }
0x40: {  	_ =	shalt  }
0x41: {  	_ =	shalt  }
0x42: {  	_ =	shalt  }
0x43: {  	_ =	shalt  }
0x44: {  	_ =	shalt  }
0x45: {  	_ =	shalt  }
0x46: {  	_ =	shalt  }
0x47: {  	_ =	shalt  }
0x48: {  	_ =	shalt  }
0x49: {  	_ =	shalt  }
0x4a: {  	_ =	shalt  }
0x4b: {  	_ =	shalt  }
0x4c: {  	_ =	shalt  }
0x4d: {  	_ =	shalt  }
0x4e: {  	_ =	shalt  }
0x4f: {  	_ =	shalt  }
0x50: {  	_ =	shalt  }
0x51: {  	_ =	shalt  }
0x52: {  	_ =	shalt  }
0x53: {  	_ =	shalt  }
0x54: {  	_ =	shalt  }
0x55: {  	_ =	shalt  }
0x56: {  	_ =	shalt  }
0x57: {  	_ =	shalt  }
0x58: {  	_ =	shalt  }
0x59: {  	_ =	shalt  }
0x5a: {  	_ =	shalt  }
0x5b: {  	_ =	shalt  }
0x5c: {  	_ =	shalt  }
0x5d: {  	_ =	shalt  }
0x5e: {  	_ =	shalt  }
0x5f: {  	_ =	shalt  }
0x60: {  	_ =	shalt  }
0x61: {  	_ =	shalt  }
0x62: {  	_ =	shalt  }
0x63: {  	_ =	shalt  }
0x64: {  	_ =	shalt  }
0x65: {  	_ =	shalt  }
0x66: {  	_ =	shalt  }
0x67: {  	_ =	shalt  }
0x68: {  	_ =	shalt  }
0x69: {  	_ =	shalt  }
0x6a: {  	_ =	shalt  }
0x6b: {  	_ =	shalt  }
0x6c: {  	_ =	shalt  }
0x6d: {  	_ =	shalt  }
0x6e: {  	_ =	shalt  }
0x6f: {  	_ =	shalt  }
0x70: {  	_ =	shalt  }
0x71: {  	_ =	shalt  }
0x72: {  	_ =	shalt  }
0x73: {  	_ =	shalt  }
0x74: {  	_ =	shalt  }
0x75: {  	_ =	shalt  }
0x76: {  	_ =	shalt  }
0x77: {  	_ =	shalt  }
0x78: {  	_ =	shalt  }
0x79: {  	_ =	shalt  }
0x7a: {  	_ =	shalt  }
0x7b: {  	_ =	shalt  }
0x7c: {  	_ =	shalt  }
0x7d: {  	_ =	shalt  }
0x7e: {  	_ =	shalt  }
0x7f: {  	_ =	shalt  }
0x80: {  	_ =	shalt  }
0x81: {  	_ =	shalt  }
0x82: {  	_ =	shalt  }
0x83: {  	_ =	shalt  }
0x84: {  	_ =	shalt  }
0x85: {  	_ =	shalt  }
0x86: {  	_ =	shalt  }
0x87: {  	_ =	shalt  }
.Lfunc_end0:
.L_simem_size_0:
called_computation_lowered:
.L_overlay_start_0:
0x88: {  	s0 =	sld [smem:$0x3FD9]  }
0x89: {  	s1 =	sld [smem:$0x3FFE];
	_ =	sdelay $0x3  }
0x8a: {  	s0 =	sadd.s32 s1, s0  }
0x8b: {  	[smem:$0x3FC3] =	sst s0  }
0x8c: {  	_ = 	snop  }
0x8d: {  	s0 =	sld [smem:$0x3FD0];
	_ =	sdelay $0x2  }
0x8e: {  	s2 =	simm.s32 $0xB;
	s3 =	simm.s32 $0x10;
	s13 =	sld [smem:$0x3FC9]  }
0x8f: {  	[smem:s3], [sflag:s2] =	dma.local [hbm:s0], $0x1  }
0x90: {  	_ =	swait.eq [sflag:s2], $0x1  }
0x91: {  	[sflag:s2] =	ssyncset.done $0x0  }
0x92: {  	[sflag:s2] =	ssyncadd.s32 $0xFFFFFFFF  }
0x93: {  	s14 =	sld [smem:$0x11];
	(tm) =	ssettm $0x1  }
0x94: {  	s15 =	sld [smem:$0x3FFB];
	_ =	sdelay $0x3  }
0x95: {  	_ =	strace s15  }
0x96: {  	s2 =	sld [smem:$0x3FFC];
	_ =	sdelay $0x3  }
0x97: {  	_ =	strace s2  }
0x98: {  	s2 =	sld [smem:$0x3FFD];
	_ =	sdelay $0x3  }
0x99: {  	_ =	strace s2  }
0x9a: {  	_ =	strace $0x8FFFFFFF  }
0x9b: {  	s16 =	sld [smem:$0x3FDB];
	_ =	sdelay $0x1  }
0x9c: {  	s17 =	simm.s32 $_scs_section_size  }
0x9d: {  	s4 =	simm.s32 $_size__tile_overlayer_lowered;
	s5 =	simm.s32 $_tile_overlayer_lowered  }
0x9e: {  	s20 =	simm.s32 $0x1BFF;
	s19 =	sshll.u32 s5, $0x1;
	s2 =	sadd.s32 s17, s16  }
0x9f: {  	s6 =	simm.s32 $0x0;
	s18 =	sshll.u32 s4, $0x1;
	s4 =	sadd.s32 s19, s2  }
0xa0: {  	[timem:s6], [sflag:s20] =	dma.local [hbm:s4], s18  }
0xa1: {  	_ =	swait.ge [sflag:s20], s18  }
0xa2: {  	s3 =	ssub.s32 $0x0, s18;
	[sflag:s20] =	ssyncset.done $0x0  }
0xa3: {  	[sflag:s20] =	ssyncadd.s32 s3;
	_ =	sdelay $0x1  }
0xa4: {  	s21 =	simm.s32 $0x1B8B  }
0xa5: {  	_ =	swait.ge [sflag:s21], $0x1  }
0xa6: {  	[sflag:s21] =	ssyncset.done $0x0  }
0xa7: {  	s23 =	simm.s32 $0x1B8E;
	s22 =	sld [smem:$0x3FFE];
	[sflag:s21] =	ssyncadd.s32 $0xFFFFFFFF  }
0xa8: {  	s24 =	simm.s32 $execute0_lowered;
	[smem:$0x3FD2] =	sst s23  }
0xa9: {  	s4 =	sshll.u32 s24, $0x1;
	_ =	strace $0x80000049;
	[dreg:$0x1] =	wrdreg $0xFFFFFFFF  }
0xaa: {  	s25 =	simm.s32 $_size_execute0_lowered;
	s2 =	sadd.s32 s2, s4;
	[dreg:$0x0] =	wrdreg $0x0  }
0xab: {  	s4 =	sshll.u32 s25, $0x1;
	[dreg:$0x2] =	wrdreg s2  }
0xac: {  	[dreg:$0x3] =	wrdreg s4  }
0xad: {  	[dreg:$0x4] =	wrdreg $0xC0  }
0xae: {  	_ =	task [dreg:s6], $0x5FFFF  }
0xaf: {  	[dreg:$0x1] =	wrdreg $0xFFFFFFFF  }
0xb0: {  	[dreg:$0x0] =	wrdreg $0x60  }
0xb1: {  	[dreg:$0x2] =	wrdreg s13  }
0xb2: {  	[dreg:$0x3] =	wrdreg s22  }
0xb3: {  	[dreg:$0x4] =	wrdreg s14  }
0xb4: {  	[dreg:$0x5] =	wrdreg $0x9  }
0xb5: {  	_ =	task.clear_ibuf [dreg:s6], $0x6FFFF;
	_ =	strace $0x90000049  }
0xb6: {  	s26 =	simm.s32 $0x9;
	_ =	strace $0x8000004B  }
0xb7: {  	_ =	swait.ge [sflag:s26], $0x1  }
0xb8: {  	[sflag:s26] =	ssyncadd.s32 $0xFFFFFFFF  }
0xb9: {  	_ =	strace $0x9000004B  }
0xba: {  	_ =	sfence  }
0xbb: {  	s28 =	sld [smem:$0x0];
	_ =	sdelay $0x1  }
0xbc: {  	s29 =	srdreg.scid  }
0xbd: {  	s30 =	sshll.u32 s29, $0xD;
	s31 =	sshrl.u32 s29, $0x2  }
0xbe: {  	s1 =	sand.u32 $0x1, s29;
	s2 =	sand.u32 $0x4000, s30;
	s0 =	sadd.s32 s31, s28  }
0xbf: {  	s1 =	sor.u32 s2, s1;
	s0 =	sshll.u32 s0, $0x11  }
0xc0: {  	s0 =	sor.u32 s0, s1  }
0xc1: {  	s0 =	sadd.s32 $0x8F2B, s0  }
0xc2: {  	[sflag:s0] =	ssyncadd.remote.s32 $0x1  }
0xc3: {  	_ =	sfence.sel $0xFFFF  }
0xc4: {  	[dreg:$0x0] =	wrdreg $0xFFFFFFFF;
	(pc) =	sbr.abs _section_cstart, $3  }
0xc5: {  	[dreg:$0x1] =	wrdreg $0xFFFFFFFF  }
0xc6: {  	_ =	task.clear_ibuf [dreg:s6], $0x2FFFF;
	_ =	strace $0x9FFFFFFF  }
0xc7: {  	(tm) =	ssettm $0x7FFFFFFF  }
tec
execute0_lowered:
.L_overlay_start_1:
0x0: {  	(tag) =	ssettag $0x1  }
0x1: {  	s0 =	stileid.u32  }
0x2: {  	s1 =	smin.u32 s0, $0x9  }
0x3: {  	s1 =	sadd.s32 s0, s1  }
0x4: {  	s2 =	simm.s32 $0x320;
	p0 =	slt.u32 s0, $0x9;
	s1 =	smul.u32 $0x190, s1  }
0x5: {  	s2 =	simm.s32 @!p0 $0x190  }
0x6: {  	s2 =	sadd.s32 s2, s1  }
0x7: {  	s3 =	smin.u32 s2, $0x2710  }
0x8: {  	s7 =	ssub.s32 s3, s1  }
0x9: {  	p0 =	sgt.s32 s7, $0x0  }
0xa: {  	s7 =	simm.s32 @!p0 $0x0  }
0xb: {  	s31 =	sand.u32 $0xFFF0, s7  }
0xc: {  	s4 =	rddreg [dreg:$0x0];
	s2 =	sshrl.u32 s31, $0x4  }
0xd: {  	s9 =	rddreg [dreg:$0x1];
	s2 =	smul.u32 $0xA3E, s2  }
0xe: {  	s5 =	rddreg [dreg:$0x2]  }
0xf: {  	s6 =	simm.s32 $0x1;
	s11 =	simm.s32 $0x3;
	s8 =	sshrl.u32 s2, $0x10  }
0x10: {  	s13 =	simm.s32 $0x0;
	s12 =	simm.s32 $0x0;
	s10 =	smul.u32 $0x190, s8  }
.Ltmp0:
0x11: {  	s9 =	sadd.s32 $0x5B400, s9;
	s2 =	rddreg [dreg:$0x3];
	(pc) =	sbr.rel .LBB2_1-.Ltmp0, $4  }
0x12: {  	_ =	strace $0x8000004A;
	p0 =	sne.s32 s7, s10;
	s10 =	simm.s32 $0x1  }
0x13: {  	[sflag:s6] =	ssyncpa.u1 $0x0;
	s7 =	simm.s32 $0x2;
	s10 =	simm.s32 @!p0 $0x0  }
0x14: {  	[sflag:s7] =	ssyncpa.u1 $0x0;
	p0 =	por $0x0, $0x0;
	s8 =	sadd.s32 s8, s10  }
0x15: {  	vm0 =	vmmov $0xff;
	vm1 =	vcmask $0x3F20;
	[sflag:s11] =	ssyncpa.u1 $0x0;
	s11 =	smov.u32 s1;
	s10 =	sadd.s32 $0x1, s8  }
.LBB2_6:
0x16: {  	[hbm:s17] =	stream.linear.scatter [tilespmem:s14], [sflag:$0x3], $0x400, $0x38;
	[tilespmem:$0x19320] =	vst v63  }
.LBB2_7:
0x17: {  	s13 =	sadd.s32 $0x190, s11  }
0x18: {  	s15 =	smov.u32 s1;
	p2 =	slt.s32 s13, s3  }
0x19: {  	s15 =	smov.u32 @p2 s13;
	p2 =	sne.s32 s12, s10  }
.Ltmp1:
0x1a: {  	p1 =	slt.u32 s12, $0x2;
	(pc) =	sbr.rel @!p2 .LBB2_8-.Ltmp1, $4  }
0x1b: {  	s14 =	simm.s32 @!p1 $0x3  }
0x1c: {  	s16 =	sadd.s32 $0x1, s12;
	_ =	swait.ge @!p1 [sflag:s14], $0xC800  }
0x1d: {  	p0 =	por !p0, !p0;
	s13 =	smov.u32 s11;
	[sflag:s14] =	ssyncset.done @!p1 $0x0  }
0x1e: {  	s12 =	smov.u32 s16;
	s11 =	smov.u32 s15;
	[sflag:s14] =	ssyncadd.s32 @!p1 $0xFFFF3800  }
.LBB2_1:
0x1f: {  	p1 =	sge.u32 s12, s8  }
0x20: {  	s14 =	sxor.u32 @!p1 $0xFFFFFFFF, s12  }
0x21: {  	s14 =	sand.u32 @!p1 $0x1, s14  }
0x22: {  	s14 =	smul.u32 @!p1 $0x640, s14  }
0x23: {  	s31 =	sadd.s32 $0xFFFFFFFF, s12;
	s15 =	sshrl.u32 @!p1 s11, $0x3  }
0x24: {  	s16 =	sand.u32 @!p1 $0x7, s11;
	s15 =	sadd.s32 @!p1 s9, s15;
	s14 =	sshrl.u32 @!p1 s14, $0x2  }
0x25: {  	[tilespmem:s14], [sflag:$0x2] =	stream.linear.gather @!p1 [hbm4b:s15+s16], $0x190, $0x38;
	[tilespmem:$0x19320] =	vst v63  }
0x26: {  	p1 =	sge.u32 s31, s8  }
.Ltmp2:
0x27: {  	_ = 	snop;
	(pc) =	sbr.rel @p1 .LBB2_7-.Ltmp2, $1  }
0x28: {  	_ =	sdelay $0x3  }
0x29: {  	s14 =	simm.s32 $0x1  }
0x2a: {  	s14 =	simm.s32 @!p0 $0x0  }
0x2b: {  	s15 =	smul.u32 $0x640, s14  }
0x2c: {  	_ =	swait.ge [sflag:s7], $0x190  }
0x2d: {  	[sflag:s7] =	ssyncset.done $0x0;
	s16 =	sshrl.u32 s15, $0x2  }
0x2e: {  	[sflag:s7] =	ssyncadd.s32 $0xFFFFFE70;
	s15 =	sadd.s32 $0x0, s16  }
0x2f: {  	v0 =	vld.msk [tilespmem:s15+$0x0 ss:$0x1], $0xffff;
	_ =	sdelay $0x4  }
0x30: {  	vm2 =	vgt.s32 v0, $0x0  }
0x31: {  	v0 =	vnsel vm2, $0x0, v0  }
0x32: {  	v0 =	vmin.u32 v0, $0x270F  }
0x33: {  	v0 =	vshll.u32 v0, $0x4  }
0x34: {  	s14 =	smul.u32 $0x32000, s14;
	_ =	sdelay $0x1  }
0x35: {  	s14 =	sshrl.u32 s14, $0x2  }
0x36: {  	s14 =	sor.u32 $0x320, s14  }
0x37: {  	[tilespmem:s14], [sflag:$0x1] =	stream.indirect_vreg.gather [hbm:s4], $0x80, v0, vm0, $0x38;
	[tilespmem:$0x19320] =	vst v63  }
0x38: {  	s17 =	sadd.s32 $0x10, s16;
	s15 =	sadd.s32 $0x400, s14  }
0x39: {  	[tilespmem:s15], [sflag:$0x1] =	stream.indirect_vreg.gather [hbm:s4], $0x80, v0, vm1, $0x38;
	[tilespmem:$0x19320] =	vst v63  }
0x3a: {  	s18 =	simm.s32 $0x80;
	v0 =	vld.msk [tilespmem:s17+$0x0 ss:$0x1], $0xffff;
	s17 =	smov.u32 s14  }
.LBB2_3:
0x3b: {  	p1 =	sne.s32 s18, $0x600;
	_ =	sdelay $0x4  }
0x3c: {  	vm2 =	vgt.s32 v0, $0x0  }
0x3d: {  	v0 =	vnsel vm2, $0x0, v0  }
0x3e: {  	v0 =	vmin.u32 v0, $0x270F  }
0x3f: {  	v0 =	vshll.u32 v0, $0x4;
	_ =	sdelay $0x3  }
.Ltmp3:
0x40: {  	s19 =	sshra.s32 s18, $0x2;
	s17 =	sadd.s32 $0x800, s17;
	(pc) =	sbr.rel @p1 .LBB2_3-.Ltmp3, $4  }
0x41: {  	[tilespmem:s17], [sflag:$0x1] =	stream.indirect_vreg.gather [hbm:s4], $0x80, v0, vm0, $0x38;
	[tilespmem:$0x19320] =	vst v63  }
0x42: {  	s19 =	sadd.s32 s19, s16;
	s20 =	sadd.s32 $0x400, s17  }
0x43: {  	[tilespmem:s20], [sflag:$0x1] =	stream.indirect_vreg.gather [hbm:s4], $0x80, v0, vm1, $0x38;
	[tilespmem:$0x19320] =	vst v63  }
0x44: {  	s18 =	sadd.s32 $0x40, s18;
	v0 =	vld.msk [tilespmem:s19+$0x0 ss:$0x1], $0xffff  }
0x45: {  	_ =	sdelay $0x3  }
0x46: {  	vm2 =	vgt.s32 v0, $0x0  }
0x47: {  	v0 =	vnsel vm2, $0x0, v0  }
0x48: {  	v0 =	vmin.u32 v0, $0x270F  }
0x49: {  	v0 =	vshll.u32 v0, $0x4;
	_ =	sdelay $0x3  }
0x4a: {  	s16 =	sadd.s32 $0x800, s17  }
0x4b: {  	[tilespmem:s16], [sflag:$0x1] =	stream.indirect_vreg.gather [hbm:s4], $0x80, v0, vm0, $0x38;
	[tilespmem:$0x19320] =	vst v63  }
0x4c: {  	s16 =	sadd.s32 $0x400, s16  }
0x4d: {  	[tilespmem:s16], [sflag:$0x1] =	stream.indirect_vreg.gather [hbm:s4], $0x80, v0, vm1, $0x38;
	[tilespmem:$0x19320] =	vst v63  }
0x4e: {  	s13 =	sshll.u32 s13, $0x4;
	_ =	swait.ge [sflag:s6], $0xC800  }
0x4f: {  	s13 =	sadd.s32 s13, s5;
	[sflag:s6] =	ssyncset.done $0x0  }
0x50: {  	s17 =	sadd.s32 $0x0, s13;
	s16 =	simm.s32 $0x80;
	[sflag:s6] =	ssyncadd.s32 $0xFFFF3800  }
.LBB2_5:
0x51: {  	[hbm:s17] =	stream.linear.scatter [tilespmem:s14], [sflag:$0x3], $0x400, $0x38;
	[tilespmem:$0x19320] =	vst v63  }
0x52: {  	s17 =	smov.u32 s16;
	s14 =	smov.u32 s15;
	p1 =	sne.s32 s16, $0x1880  }
.Ltmp4:
0x53: {  	s16 =	sadd.s32 $0x80, s16;
	(pc) =	sbr.rel @p1 .LBB2_5-.Ltmp4, $2  }
0x54: {  	_ =	sdelay $0x2  }
0x55: {  	s15 =	sadd.s32 $0x400, s15;
	s17 =	sadd.s32 s17, s13  }
.Ltmp5:
0x56: {  	_ = 	snop;
	(pc) =	sbr.rel .LBB2_6-.Ltmp5, $1  }
0x57: {  	_ =	sdelay $0x3  }
.LBB2_8:
0x58: {  	_ =	sfence.sel $0x180000  }
0x59: {  	s1 =	simm.s32 $0x2;
	[bflag:$0x0] =	sbarrier.arrive $0xFFFF  }
0x5a: {  	s30 =	simm.s32 $0x3;
	[sflag:s1] =	ssyncpa.u1 $0x1  }
0x5b: {  	s31 =	simm.s32 $0x1;
	[sflag:s30] =	ssyncpa.u1 $0x1  }
0x5c: {  	[sflag:s31] =	ssyncpa.u1 $0x1  }
0x5d: {  	p0 =	sne.s32 s0, $0x0;
	_ =	strace $0x9000004A  }
0x5e: {  	s0 =	sadd.s32 @!p0 $0x100000, s2;
	[bflag:$0x2] =	sbarrier.arrive $0xFFFF  }
0x5f: {  	[sflag:s0] =	ssyncadd.tile.s32 @!p0 $0x1;
	_ =	shalt  }
.Lfunc_end2:
_tile_overlayer_lowered:
.L_overlay_start_2:
0x60: {  	(tag) =	ssettag $0x2  }
0x61: {  	s0 =	rddreg [dreg:$0x0];
	s2 =	stileid.u32  }
0x62: {  	s1 =	rddreg [dreg:$0x1];
	p0 =	sne.s32 s2, $0x0  }
0x63: {  	s3 =	rddreg [dreg:$0x2];
	[bflag:$0x3] =	sbarrier.arrive $0xFFFF;
	s2 =	simm.s32 @!p0 $0x1C01  }
0x64: {  	[timem:s3], [sflag:s2] =	dma.local @!p0 [hbm:s0], s1  }
0x65: {  	s0 =	simm.s32 @!p0 $0x1  }
0x66: {  	_ =	swait.ge @!p0 [sflag:s0], s1  }
0x67: {  	s1 =	ssub.s32 @!p0 $0x0, s1;
	[sflag:s0] =	ssyncset.done @!p0 $0x0  }
0x68: {  	[sflag:s0] =	ssyncadd.s32 @!p0 s1  }
0x69: {  	[bflag:$0x3] =	sbarrier.arrive $0xFFFF  }
0x6a: {  	_ =	shalt  }

// kernel: kernel.6.cloned.1.call-start
scs
__scs_entry_jumppad:
0x0: {  	(pc) =	sbr.rel $0x88, $3  }
0x1: {  	(tag) =	ssettag $0x0;
	lr =	simm.s32 $0x1  }
0x2: {  	[smem:$0x3F9C] =	sst lr;
	_ =	strace $0xD0000000  }
0x3: {  	_ = 	snop  }
0x4: {  	_ = 	snop  }
0x5: {  	_ = 	snop  }
0x6: {  	_ = 	snop  }
0x7: {  	_ = 	snop  }
__scs_overlays_trampoline_lowered:
0x8: {  	[smem:$0x3FAB] =	sst s0  }
0x9: {  	[smem:$0x3FAC] =	sst s1  }
0xa: {  	[smem:$0x3FAD] =	sst s2  }
0xb: {  	[smem:$0x3FAE] =	sst s3  }
0xc: {  	[smem:$0x3FAF] =	sst s4  }
0xd: {  	[smem:$0x3FB0] =	sst s5  }
0xe: {  	[smem:$0x3FB1] =	sst s6  }
0xf: {  	[smem:$0x3FB2] =	sst s7  }
0x10: {  	[smem:$0x3FB3] =	sst s8  }
0x11: {  	[smem:$0x3FB4] =	sst s9;
	s0 =	simm.s32 @!p0 $0x0  }
0x12: {  	s1 =	sld [smem:$0x3F9A];
	s0 =	simm.s32 @p0 $0x1  }
0x13: {  	[smem:$0x3FB5] =	sst s0;
	s0 =	simm.s32 @!p1 $0x0  }
0x14: {  	s2 =	sld [smem:$0x3F99];
	s0 =	simm.s32 @p1 $0x1  }
0x15: {  	[smem:$0x3FB6] =	sst s0;
	s0 =	simm.s32 @!p2 $0x0  }
0x16: {  	s3 =	sld [smem:$0x3FDB];
	s0 =	simm.s32 @p2 $0x1  }
0x17: {  	s4 =	simm.s32 $0x1BF5;
	[smem:$0x3FB8] =	sst s0  }
0x18: {  	s0 =	sld [smem:$0x3F9B];
	_ =	swait.ge [sflag:s4], $0x0  }
0x19: {  	s7 =	sld [smem:$0x3F9C]  }
0x1a: {  	s8 =	sadd.s32 $0xFFFFE003, lr  }
0x1b: {  	s9 =	sadd.s32 $0xFFFFFEF7, lr;
	s5 =	simm.s32 $0xFFFFFFFF;
	p2 =	slt.u32 s8, $0xFFFFF086  }
0x1c: {  	p1 =	slt.u32 s9, $0xF7A;
	s5 =	simm.s32 @!p2 $0x0  }
0x1d: {  	s5 =	simm.s32 @p1 $0x1;
	p0 =	seq.s32 s7, s2  }
0x1e: {  	s7 =	smul.u32 @!p0 $0xF7A, s2;
	p2 =	seq.s32 @!p0 s5, $0x0  }
0x1f: {  	s9 =	smul.u32 $0xF7A, s1;
	s8 =	simm.s32 @!p0 $0x1BF5;
	p2 =	por !p2, p0  }
0x20: {  	[sflag:s8] =	ssyncset.s32 @!p0 $0xFFFFF086;
	s6 =	sadd.s32 @!p0 s3, s7;
	s7 =	simm.s32 @!p0 $0x108  }
0x21: {  	s3 =	sadd.s32 s3, s9;
	s6 =	sadd.s32 @!p0 $0x88, s6;
	s7 =	simm.s32 @p2 $0x1082  }
0x22: {  	[simem:s7], [sflag:s8] =	dma.local @!p0 [hbm:s6], $0xF7A  }
0x23: {  	s9 =	sor.u32 $0xD0000000, s2;
	s6 =	simm.s32 $0x108;
	_ =	swait.ge @!p0 [sflag:s8], $0x0  }
0x24: {  	s3 =	sadd.s32 $0x88, s3;
	s6 =	simm.s32 @!p1 $0x1082;
	[sflag:s4] =	ssyncset.s32 $0xFFFFF086  }
0x25: {  	[simem:s6], [sflag:s4] =	dma.local [hbm:s3], $0xF7A  }
0x26: {  	[smem:$0x3F9C] =	sst s1;
	(tag) =	ssettag s2;
	_ =	strace s9  }
0x27: {  	s1 =	sld [smem:$0x3FAC]  }
0x28: {  	s2 =	sld [smem:$0x3FAD]  }
0x29: {  	s4 =	sld [smem:$0x3FAF]  }
0x2a: {  	p0 =	seq.s32 s5, $0x0;
	s5 =	sld [smem:$0x3FB0]  }
0x2b: {  	s6 =	sld [smem:$0x3FB1]  }
0x2c: {  	s7 =	sld [smem:$0x3FB2]  }
0x2d: {  	s3 =	simm.s32 $0x108;
	s8 =	sld [smem:$0x3FB3]  }
0x2e: {  	s3 =	simm.s32 @!p0 $0x1082;
	s9 =	sld [smem:$0x3FB4]  }
0x2f: {  	lr =	sadd.s32 s0, s3;
	s0 =	sld [smem:$0x3FAB]  }
0x30: {  	s3 =	sld [smem:$0x3FAE]  }
0x31: {  	[smem:$0x3FB7] =	sst s10  }
0x32: {  	s10 =	sld [smem:$0x3FB5];
	_ =	sdelay $0x3  }
0x33: {  	p0 =	seq.s32 s10, $0x1;
	s10 =	sld [smem:$0x3FB7];
	_ =	sdelay $0x3  }
0x34: {  	[smem:$0x3FB7] =	sst s10  }
0x35: {  	s10 =	sld [smem:$0x3FB6];
	_ =	sdelay $0x3  }
0x36: {  	p1 =	seq.s32 s10, $0x1;
	s10 =	sld [smem:$0x3FB7];
	_ =	sdelay $0x3  }
0x37: {  	[smem:$0x3FB7] =	sst s10  }
0x38: {  	s10 =	sld [smem:$0x3FB8]  }
0x39: {  	_ = 	snop;
	(pc) =	sbr.ind lr, $3  }
0x3a: {  	_ = 	snop  }
0x3b: {  	_ = 	snop  }
0x3c: {  	p2 =	seq.s32 s10, $0x1;
	s10 =	sld [smem:$0x3FB7]  }
0x3d: {  	_ =	shalt  }
0x3e: {  	_ =	shalt  }
0x3f: {  	_ =	shalt  }
0x40: {  	_ =	shalt  }
0x41: {  	_ =	shalt  }
0x42: {  	_ =	shalt  }
0x43: {  	_ =	shalt  }
0x44: {  	_ =	shalt  }
0x45: {  	_ =	shalt  }
0x46: {  	_ =	shalt  }
0x47: {  	_ =	shalt  }
0x48: {  	_ =	shalt  }
0x49: {  	_ =	shalt  }
0x4a: {  	_ =	shalt  }
0x4b: {  	_ =	shalt  }
0x4c: {  	_ =	shalt  }
0x4d: {  	_ =	shalt  }
0x4e: {  	_ =	shalt  }
0x4f: {  	_ =	shalt  }
0x50: {  	_ =	shalt  }
0x51: {  	_ =	shalt  }
0x52: {  	_ =	shalt  }
0x53: {  	_ =	shalt  }
0x54: {  	_ =	shalt  }
0x55: {  	_ =	shalt  }
0x56: {  	_ =	shalt  }
0x57: {  	_ =	shalt  }
0x58: {  	_ =	shalt  }
0x59: {  	_ =	shalt  }
0x5a: {  	_ =	shalt  }
0x5b: {  	_ =	shalt  }
0x5c: {  	_ =	shalt  }
0x5d: {  	_ =	shalt  }
0x5e: {  	_ =	shalt  }
0x5f: {  	_ =	shalt  }
0x60: {  	_ =	shalt  }
0x61: {  	_ =	shalt  }
0x62: {  	_ =	shalt  }
0x63: {  	_ =	shalt  }
0x64: {  	_ =	shalt  }
0x65: {  	_ =	shalt  }
0x66: {  	_ =	shalt  }
0x67: {  	_ =	shalt  }
0x68: {  	_ =	shalt  }
0x69: {  	_ =	shalt  }
0x6a: {  	_ =	shalt  }
0x6b: {  	_ =	shalt  }
0x6c: {  	_ =	shalt  }
0x6d: {  	_ =	shalt  }
0x6e: {  	_ =	shalt  }
0x6f: {  	_ =	shalt  }
0x70: {  	_ =	shalt  }
0x71: {  	_ =	shalt  }
0x72: {  	_ =	shalt  }
0x73: {  	_ =	shalt  }
0x74: {  	_ =	shalt  }
0x75: {  	_ =	shalt  }
0x76: {  	_ =	shalt  }
0x77: {  	_ =	shalt  }
0x78: {  	_ =	shalt  }
0x79: {  	_ =	shalt  }
0x7a: {  	_ =	shalt  }
0x7b: {  	_ =	shalt  }
0x7c: {  	_ =	shalt  }
0x7d: {  	_ =	shalt  }
0x7e: {  	_ =	shalt  }
0x7f: {  	_ =	shalt  }
0x80: {  	_ =	shalt  }
0x81: {  	_ =	shalt  }
0x82: {  	_ =	shalt  }
0x83: {  	_ =	shalt  }
0x84: {  	_ =	shalt  }
0x85: {  	_ =	shalt  }
0x86: {  	_ =	shalt  }
0x87: {  	_ =	shalt  }
.Lfunc_end0:
.L_simem_size_0:
called_computation.1_lowered:
.L_overlay_start_0:
0x88: {  	s2 =	sld [smem:$0x3FD9]  }
0x89: {  	s3 =	sld [smem:$0x3FFE];
	_ =	sdelay $0x1  }
0x8a: {  	s1 =	srdreg.scid  }
0x8b: {  	s0 =	sand.u32 $0x1, s1  }
0x8c: {  	s16 =	sshll.u32 s0, $0xA;
	s2 =	sadd.s32 s3, s2  }
0x8d: {  	s2 =	sadd.s32 s2, s16  }
0x8e: {  	[smem:$0x3FC3] =	sst s2  }
0x8f: {  	_ = 	snop  }
0x90: {  	(tm) =	ssettm $0x1  }
0x91: {  	s17 =	sld [smem:$0x3FFB];
	_ =	sdelay $0x3  }
0x92: {  	_ =	strace s17  }
0x93: {  	s2 =	sld [smem:$0x3FFC];
	_ =	sdelay $0x3  }
0x94: {  	_ =	strace s2  }
0x95: {  	s2 =	sld [smem:$0x3FFD];
	_ =	sdelay $0x3  }
0x96: {  	_ =	strace s2  }
0x97: {  	_ =	strace $0x8FFFFFFF  }
0x98: {  	s18 =	sld [smem:$0x3FDB];
	_ =	sdelay $0x1  }
0x99: {  	s19 =	simm.s32 $_scs_section_size  }
0x9a: {  	s4 =	simm.s32 $_size__tile_overlayer_lowered;
	s5 =	simm.s32 $_tile_overlayer_lowered  }
0x9b: {  	s22 =	simm.s32 $0x1BFF;
	s21 =	sshll.u32 s5, $0x1;
	s2 =	sadd.s32 s19, s18  }
0x9c: {  	s6 =	simm.s32 $0x0;
	s20 =	sshll.u32 s4, $0x1;
	s4 =	sadd.s32 s21, s2  }
0x9d: {  	[timem:s6], [sflag:s22] =	dma.local [hbm:s4], s20  }
0x9e: {  	_ =	swait.ge [sflag:s22], s20  }
0x9f: {  	s3 =	ssub.s32 $0x0, s20;
	[sflag:s22] =	ssyncset.done $0x0  }
0xa0: {  	[sflag:s22] =	ssyncadd.s32 s3;
	_ =	sdelay $0x1  }
0xa1: {  	s23 =	simm.s32 $0x1B8B  }
0xa2: {  	_ =	swait.ge [sflag:s23], $0x1  }
0xa3: {  	[sflag:s23] =	ssyncset.done $0x0  }
0xa4: {  	s25 =	simm.s32 $0x1B8E;
	s24 =	sld [smem:$0x3FFE];
	[sflag:s23] =	ssyncadd.s32 $0xFFFFFFFF  }
0xa5: {  	s26 =	simm.s32 $execute0_lowered;
	[smem:$0x3FD2] =	sst s25  }
0xa6: {  	s4 =	sshll.u32 s26, $0x1;
	_ =	strace $0x80000046;
	[dreg:$0x1] =	wrdreg $0xFFFFFFFF  }
0xa7: {  	s28 =	simm.s32 $_size_execute0_lowered;
	s2 =	sadd.s32 s2, s4;
	[dreg:$0x0] =	wrdreg $0x0  }
0xa8: {  	s4 =	sshll.u32 s28, $0x1;
	[dreg:$0x2] =	wrdreg s2  }
0xa9: {  	[dreg:$0x3] =	wrdreg s4  }
0xaa: {  	[dreg:$0x4] =	wrdreg $0xC0  }
0xab: {  	_ =	task [dreg:s6], $0x5FFFF  }
0xac: {  	[dreg:$0x1] =	wrdreg $0xFFFFFFFF  }
0xad: {  	[dreg:$0x0] =	wrdreg $0x60  }
0xae: {  	[dreg:$0x2] =	wrdreg s24  }
0xaf: {  	[dreg:$0x3] =	wrdreg $0xA  }
0xb0: {  	_ =	task.clear_ibuf [dreg:s6], $0x4FFFF;
	_ =	strace $0x90000046  }
0xb1: {  	s29 =	simm.s32 $0xA;
	_ =	strace $0x80000048  }
0xb2: {  	_ =	swait.ge [sflag:s29], $0x1  }
0xb3: {  	[sflag:s29] =	ssyncadd.s32 $0xFFFFFFFF  }
0xb4: {  	_ =	strace $0x90000048  }
0xb5: {  	_ =	sfence  }
0xb6: {  	s30 =	sld [smem:$0x0];
	_ =	sdelay $0x2  }
0xb7: {  	s31 =	sshll.u32 s1, $0xD;
	s1 =	sshrl.u32 s1, $0x2  }
0xb8: {  	s3 =	sand.u32 $0x4000, s31;
	s1 =	sadd.s32 s1, s30  }
0xb9: {  	s0 =	sor.u32 s3, s0;
	s1 =	sshll.u32 s1, $0x11  }
0xba: {  	s0 =	sor.u32 s1, s0  }
0xbb: {  	s0 =	sadd.s32 $0x8F2B, s0  }
0xbc: {  	[sflag:s0] =	ssyncadd.remote.s32 $0x1  }
0xbd: {  	_ =	sfence.sel $0xFFFF  }
0xbe: {  	[dreg:$0x0] =	wrdreg $0xFFFFFFFF;
	(pc) =	sbr.abs _section_cstart, $3  }
0xbf: {  	[dreg:$0x1] =	wrdreg $0xFFFFFFFF  }
0xc0: {  	_ =	task.clear_ibuf [dreg:s6], $0x2FFFF;
	_ =	strace $0x9FFFFFFF  }
0xc1: {  	(tm) =	ssettm $0x7FFFFFFF  }
tec
execute0_lowered:
.L_overlay_start_1:
0x0: {  	(tag) =	ssettag $0x1  }
0x1: {  	s0 =	srdreg.scid;
	s2 =	stileid.u32  }
0x2: {  	s4 =	rddreg [dreg:$0x0];
	s21 =	simm.s32 $0x7580;
	s22 =	simm.s32 $0x1  }
0x3: {  	s31 =	simm.s32 $0xB400;
	s23 =	simm.s32 $0xCB70;
	s0 =	sand.u32 $0x1, s0  }
0x4: {  	s24 =	simm.s32 $0xD340;
	s25 =	simm.s32 $0xDB10;
	s1 =	sshll.u32 s0, $0x4  }
0x5: {  	s26 =	simm.s32 $0xE2E0;
	s28 =	simm.s32 $0x0;
	s1 =	sor.u32 s2, s1  }
0x6: {  	s7 =	sadd.s32 $0x3DE00, s4;
	s0 =	ssub.s32 $0x2, s0;
	s3 =	smul.u32 $0xEA6, s1  }
0x7: {  	s2 =	simm.s32 $0x0;
	s30 =	sshrl.u32 s0, $0x1;
	s6 =	smul.u32 $0x7D0, s1  }
0x8: {  	[smem:$0x7FF] =	sst s2;
	s1 =	smul.u32 $0xFA, s1;
	s0 =	ssub.s32 s0, s30  }
0x9: {  	_ =	strace $0x80000047;
	s20 =	smax.u32 s0, $0x1;
	s0 =	simm.s32 $0xC3A0  }
0xa: {  	s5 =	sadd.s32 s3, s4;
	s3 =	sadd.s32 $0x3CE00, s4;
	s6 =	sshrl.u32 s6, $0x3  }
0xb: {  	s4 =	sadd.s32 $0x1F800, s5;
	s19 =	sadd.s32 s7, s6;
	s5 =	sadd.s32 s7, s1  }
0xc: {  	s1 =	simm.s32 $0xBBD0;
	s6 =	sadd.s32 $0x1F40, s19;
	s7 =	sadd.s32 $0x3E80, s19  }
0xd: {  	s8 =	sadd.s32 $0x5DC0, s19;
	s9 =	sadd.s32 $0x7D00, s19;
	s10 =	sadd.s32 $0x9C40, s19  }
0xe: {  	s11 =	sadd.s32 $0xBB80, s19;
	s12 =	sadd.s32 $0xDAC0, s19;
	s13 =	sadd.s32 $0xFA00, s19  }
0xf: {  	s14 =	sadd.s32 $0x11940, s19;
	s15 =	sadd.s32 $0x13880, s19;
	s16 =	sadd.s32 $0x157C0, s19  }
0x10: {  	v0 =	vimm.f32 $1.000000000e+00;
	s17 =	sadd.s32 $0x17700, s19;
	s18 =	sadd.s32 $0x19640, s19;
	s19 =	sadd.s32 $0x1B580, s19  }
.LBB2_1:
0x11: {  	[tilespmem:s21], [sflag:$0x1] =	stream.linear.gather [hbm4b:s3+s2], $0x7580, $0x38;
	[tilespmem:$0xEB00] =	vst v63  }
0x12: {  	_ =	swait.ge [sflag:s22], $0x7580  }
0x13: {  	[sflag:s22] =	ssyncset.done $0x0  }
0x14: {  	[sflag:s22] =	ssyncadd.s32 $0xFFFF8A80  }
0x15: {  	[tilespmem:s2], [sflag:$0x1] =	stream.linear.gather [hbm4b:s4+s2], $0x7530, $0x38;
	[tilespmem:$0xEB00] =	vst v63  }
0x16: {  	_ =	swait.ge [sflag:s22], $0x7530  }
0x17: {  	[sflag:s22] =	ssyncset.done $0x0  }
0x18: {  	s30 =	simm.s32 $0x0;
	s29 =	simm.s32 $0x40;
	[sflag:s22] =	ssyncadd.s32 $0xFFFF8AD0  }
.LBB2_2:
0x19: {  	p0 =	sne.s32 s29, $0x1D480;
	v1 =	vld [tilespmem:s30+$0x0];
	_ =	sdelay $0x3  }
.Ltmp0:
0x1a: {  	(pc) =	sbr.rel @p0 .LBB2_2-.Ltmp0, $2  }
0x1b: {  	_ =	sdelay $0x2  }
0x1c: {  	s30 =	sshra.s32 s29, $0x2;
	s29 =	sadd.s32 $0x40, s29;
	[tilespmem:v1+s21+$0x0] =	vst.idx.add.f32.msk $0xffff, v0  }
0x1d: {  	v1 =	vld [tilespmem:s30+$0x0];
	_ =	sdelay $0x7  }
0x1e: {  	[tilespmem:v1+s21+$0x0] =	vst.idx.add.f32.msk $0xffff, v0  }
0x1f: {  	[hbm4b:s5+s2] =	stream.linear.scatter [tilespmem:s21], [sflag:$0x1], $0x7D0, $0x38;
	[tilespmem:$0xEB00] =	vst v63  }
0x20: {  	_ =	swait.ge [sflag:s22], $0x7D0  }
0x21: {  	[sflag:s22] =	ssyncset.done $0x0  }
0x22: {  	s29 =	simm.s32 $0x7D50;
	[sflag:s22] =	ssyncadd.s32 $0xFFFFF830  }
0x23: {  	[hbm4b:s6+s2] =	stream.linear.scatter [tilespmem:s29], [sflag:$0x1], $0x7D0, $0x38;
	[tilespmem:$0xEB00] =	vst v63  }
0x24: {  	_ =	swait.ge [sflag:s22], $0x7D0  }
0x25: {  	[sflag:s22] =	ssyncset.done $0x0  }
0x26: {  	s30 =	simm.s32 $0x8520;
	[sflag:s22] =	ssyncadd.s32 $0xFFFFF830  }
0x27: {  	[hbm4b:s7+s2] =	stream.linear.scatter [tilespmem:s30], [sflag:$0x1], $0x7D0, $0x38;
	[tilespmem:$0xEB00] =	vst v63  }
0x28: {  	_ =	swait.ge [sflag:s22], $0x7D0  }
0x29: {  	[sflag:s22] =	ssyncset.done $0x0  }
0x2a: {  	s30 =	simm.s32 $0x8CF0;
	[sflag:s22] =	ssyncadd.s32 $0xFFFFF830  }
0x2b: {  	[hbm4b:s8+s2] =	stream.linear.scatter [tilespmem:s30], [sflag:$0x1], $0x7D0, $0x38;
	[tilespmem:$0xEB00] =	vst v63  }
0x2c: {  	_ =	swait.ge [sflag:s22], $0x7D0  }
0x2d: {  	[sflag:s22] =	ssyncset.done $0x0  }
0x2e: {  	s30 =	simm.s32 $0x94C0;
	[sflag:s22] =	ssyncadd.s32 $0xFFFFF830  }
0x2f: {  	[hbm4b:s9+s2] =	stream.linear.scatter [tilespmem:s30], [sflag:$0x1], $0x7D0, $0x38;
	[tilespmem:$0xEB00] =	vst v63  }
0x30: {  	_ =	swait.ge [sflag:s22], $0x7D0  }
0x31: {  	[sflag:s22] =	ssyncset.done $0x0  }
0x32: {  	s30 =	simm.s32 $0x9C90;
	[sflag:s22] =	ssyncadd.s32 $0xFFFFF830  }
0x33: {  	[hbm4b:s10+s2] =	stream.linear.scatter [tilespmem:s30], [sflag:$0x1], $0x7D0, $0x38;
	[tilespmem:$0xEB00] =	vst v63  }
0x34: {  	_ =	swait.ge [sflag:s22], $0x7D0  }
0x35: {  	[sflag:s22] =	ssyncset.done $0x0  }
0x36: {  	s30 =	simm.s32 $0xA460;
	[sflag:s22] =	ssyncadd.s32 $0xFFFFF830  }
0x37: {  	[hbm4b:s11+s2] =	stream.linear.scatter [tilespmem:s30], [sflag:$0x1], $0x7D0, $0x38;
	[tilespmem:$0xEB00] =	vst v63  }
0x38: {  	_ =	swait.ge [sflag:s22], $0x7D0  }
0x39: {  	[sflag:s22] =	ssyncset.done $0x0  }
0x3a: {  	s30 =	simm.s32 $0xAC30;
	[sflag:s22] =	ssyncadd.s32 $0xFFFFF830  }
0x3b: {  	[hbm4b:s12+s2] =	stream.linear.scatter [tilespmem:s30], [sflag:$0x1], $0x7D0, $0x38;
	[tilespmem:$0xEB00] =	vst v63  }
0x3c: {  	_ =	swait.ge [sflag:s22], $0x7D0  }
0x3d: {  	[sflag:s22] =	ssyncset.done $0x0  }
0x3e: {  	[sflag:s22] =	ssyncadd.s32 $0xFFFFF830  }
0x3f: {  	[hbm4b:s13+s2] =	stream.linear.scatter [tilespmem:s31], [sflag:$0x1], $0x7D0, $0x38;
	[tilespmem:$0xEB00] =	vst v63  }
0x40: {  	_ =	swait.ge [sflag:s22], $0x7D0  }
0x41: {  	[sflag:s22] =	ssyncset.done $0x0  }
0x42: {  	[sflag:s22] =	ssyncadd.s32 $0xFFFFF830  }
0x43: {  	[hbm4b:s14+s2] =	stream.linear.scatter [tilespmem:s1], [sflag:$0x1], $0x7D0, $0x38;
	[tilespmem:$0xEB00] =	vst v63  }
0x44: {  	_ =	swait.ge [sflag:s22], $0x7D0  }
0x45: {  	[sflag:s22] =	ssyncset.done $0x0  }
0x46: {  	[sflag:s22] =	ssyncadd.s32 $0xFFFFF830  }
0x47: {  	[hbm4b:s15+s2] =	stream.linear.scatter [tilespmem:s0], [sflag:$0x1], $0x7D0, $0x38;
	[tilespmem:$0xEB00] =	vst v63  }
0x48: {  	_ =	swait.ge [sflag:s22], $0x7D0  }
0x49: {  	[sflag:s22] =	ssyncset.done $0x0  }
0x4a: {  	[sflag:s22] =	ssyncadd.s32 $0xFFFFF830  }
0x4b: {  	[hbm4b:s16+s2] =	stream.linear.scatter [tilespmem:s23], [sflag:$0x1], $0x7D0, $0x38;
	[tilespmem:$0xEB00] =	vst v63  }
0x4c: {  	_ =	swait.ge [sflag:s22], $0x7D0  }
0x4d: {  	[sflag:s22] =	ssyncset.done $0x0  }
0x4e: {  	[sflag:s22] =	ssyncadd.s32 $0xFFFFF830  }
0x4f: {  	[hbm4b:s17+s2] =	stream.linear.scatter [tilespmem:s24], [sflag:$0x1], $0x7D0, $0x38;
	[tilespmem:$0xEB00] =	vst v63  }
0x50: {  	_ =	swait.ge [sflag:s22], $0x7D0  }
0x51: {  	[sflag:s22] =	ssyncset.done $0x0  }
0x52: {  	[sflag:s22] =	ssyncadd.s32 $0xFFFFF830  }
0x53: {  	[hbm4b:s18+s2] =	stream.linear.scatter [tilespmem:s25], [sflag:$0x1], $0x7D0, $0x38;
	[tilespmem:$0xEB00] =	vst v63  }
0x54: {  	s28 =	sadd.s32 $0x1, s28;
	_ =	swait.ge [sflag:s22], $0x7D0  }
0x55: {  	p0 =	sne.s32 s28, s20;
	[sflag:s22] =	ssyncset.done $0x0  }
.Ltmp1:
0x56: {  	[sflag:s22] =	ssyncadd.s32 $0xFFFFF830;
	(pc) =	sbr.rel @p0 .LBB2_1-.Ltmp1, $4  }
0x57: {  	[hbm4b:s19+s2] =	stream.linear.scatter [tilespmem:s26], [sflag:$0x1], $0x7D0, $0x38;
	[tilespmem:$0xEB00] =	vst v63  }
0x58: {  	_ =	swait.ge [sflag:s22], $0x7D0  }
0x59: {  	[sflag:s22] =	ssyncset.done $0x0  }
0x5a: {  	[sflag:s22] =	ssyncadd.s32 $0xFFFFF830  }
0x5b: {  	_ =	sfence.sel $0x180000  }
0x5c: {  	[bflag:$0x0] =	sbarrier.arrive $0xFFFF  }
0x5d: {  	_ =	strace $0x90000047  }
0x5e: {  	s0 =	stileid.u32;
	[bflag:$0x2] =	sbarrier.arrive $0xFFFF  }
0x5f: {  	p0 =	sne.s32 s0, $0x0;
	s0 =	rddreg [dreg:$0x1]  }
0x60: {  	s0 =	sadd.s32 @!p0 $0x100000, s0  }
0x61: {  	[sflag:s0] =	ssyncadd.tile.s32 @!p0 $0x1;
	_ =	shalt  }
.Lfunc_end2:
_tile_overlayer_lowered:
.L_overlay_start_2:
0x62: {  	(tag) =	ssettag $0x2  }
0x63: {  	s0 =	rddreg [dreg:$0x0];
	s2 =	stileid.u32  }
0x64: {  	s1 =	rddreg [dreg:$0x1];
	p0 =	sne.s32 s2, $0x0  }
0x65: {  	s3 =	rddreg [dreg:$0x2];
	[bflag:$0x3] =	sbarrier.arrive $0xFFFF;
	s2 =	simm.s32 @!p0 $0x1C01  }
0x66: {  	[timem:s3], [sflag:s2] =	dma.local @!p0 [hbm:s0], s1  }
0x67: {  	s0 =	simm.s32 @!p0 $0x1  }
0x68: {  	_ =	swait.ge @!p0 [sflag:s0], s1  }
0x69: {  	s1 =	ssub.s32 @!p0 $0x0, s1;
	[sflag:s0] =	ssyncset.done @!p0 $0x0  }
0x6a: {  	[sflag:s0] =	ssyncadd.s32 @!p0 s1  }
0x6b: {  	[bflag:$0x3] =	sbarrier.arrive $0xFFFF  }
0x6c: {  	_ =	shalt  }

// kernel: kernel.9.cloned.1.call-start
scs
__scs_entry_jumppad:
0x0: {  	(pc) =	sbr.rel $0x88, $3  }
0x1: {  	(tag) =	ssettag $0x0;
	lr =	simm.s32 $0x1  }
0x2: {  	[smem:$0x3F9C] =	sst lr;
	_ =	strace $0xD0000000  }
0x3: {  	_ = 	snop  }
0x4: {  	_ = 	snop  }
0x5: {  	_ = 	snop  }
0x6: {  	_ = 	snop  }
0x7: {  	_ = 	snop  }
__scs_overlays_trampoline_lowered:
0x8: {  	[smem:$0x3FAB] =	sst s0  }
0x9: {  	[smem:$0x3FAC] =	sst s1  }
0xa: {  	[smem:$0x3FAD] =	sst s2  }
0xb: {  	[smem:$0x3FAE] =	sst s3  }
0xc: {  	[smem:$0x3FAF] =	sst s4  }
0xd: {  	[smem:$0x3FB0] =	sst s5  }
0xe: {  	[smem:$0x3FB1] =	sst s6  }
0xf: {  	[smem:$0x3FB2] =	sst s7  }
0x10: {  	[smem:$0x3FB3] =	sst s8  }
0x11: {  	[smem:$0x3FB4] =	sst s9;
	s0 =	simm.s32 @!p0 $0x0  }
0x12: {  	s1 =	sld [smem:$0x3F9A];
	s0 =	simm.s32 @p0 $0x1  }
0x13: {  	[smem:$0x3FB5] =	sst s0;
	s0 =	simm.s32 @!p1 $0x0  }
0x14: {  	s2 =	sld [smem:$0x3F99];
	s0 =	simm.s32 @p1 $0x1  }
0x15: {  	[smem:$0x3FB6] =	sst s0;
	s0 =	simm.s32 @!p2 $0x0  }
0x16: {  	s3 =	sld [smem:$0x3FDB];
	s0 =	simm.s32 @p2 $0x1  }
0x17: {  	s4 =	simm.s32 $0x1BF5;
	[smem:$0x3FB8] =	sst s0  }
0x18: {  	s0 =	sld [smem:$0x3F9B];
	_ =	swait.ge [sflag:s4], $0x0  }
0x19: {  	s7 =	sld [smem:$0x3F9C]  }
0x1a: {  	s8 =	sadd.s32 $0xFFFFE003, lr  }
0x1b: {  	s9 =	sadd.s32 $0xFFFFFEF7, lr;
	s5 =	simm.s32 $0xFFFFFFFF;
	p2 =	slt.u32 s8, $0xFFFFF086  }
0x1c: {  	p1 =	slt.u32 s9, $0xF7A;
	s5 =	simm.s32 @!p2 $0x0  }
0x1d: {  	s5 =	simm.s32 @p1 $0x1;
	p0 =	seq.s32 s7, s2  }
0x1e: {  	s7 =	smul.u32 @!p0 $0xF7A, s2;
	p2 =	seq.s32 @!p0 s5, $0x0  }
0x1f: {  	s9 =	smul.u32 $0xF7A, s1;
	s8 =	simm.s32 @!p0 $0x1BF5;
	p2 =	por !p2, p0  }
0x20: {  	[sflag:s8] =	ssyncset.s32 @!p0 $0xFFFFF086;
	s6 =	sadd.s32 @!p0 s3, s7;
	s7 =	simm.s32 @!p0 $0x108  }
0x21: {  	s3 =	sadd.s32 s3, s9;
	s6 =	sadd.s32 @!p0 $0x88, s6;
	s7 =	simm.s32 @p2 $0x1082  }
0x22: {  	[simem:s7], [sflag:s8] =	dma.local @!p0 [hbm:s6], $0xF7A  }
0x23: {  	s9 =	sor.u32 $0xD0000000, s2;
	s6 =	simm.s32 $0x108;
	_ =	swait.ge @!p0 [sflag:s8], $0x0  }
0x24: {  	s3 =	sadd.s32 $0x88, s3;
	s6 =	simm.s32 @!p1 $0x1082;
	[sflag:s4] =	ssyncset.s32 $0xFFFFF086  }
0x25: {  	[simem:s6], [sflag:s4] =	dma.local [hbm:s3], $0xF7A  }
0x26: {  	[smem:$0x3F9C] =	sst s1;
	(tag) =	ssettag s2;
	_ =	strace s9  }
0x27: {  	s1 =	sld [smem:$0x3FAC]  }
0x28: {  	s2 =	sld [smem:$0x3FAD]  }
0x29: {  	s4 =	sld [smem:$0x3FAF]  }
0x2a: {  	p0 =	seq.s32 s5, $0x0;
	s5 =	sld [smem:$0x3FB0]  }
0x2b: {  	s6 =	sld [smem:$0x3FB1]  }
0x2c: {  	s7 =	sld [smem:$0x3FB2]  }
0x2d: {  	s3 =	simm.s32 $0x108;
	s8 =	sld [smem:$0x3FB3]  }
0x2e: {  	s3 =	simm.s32 @!p0 $0x1082;
	s9 =	sld [smem:$0x3FB4]  }
0x2f: {  	lr =	sadd.s32 s0, s3;
	s0 =	sld [smem:$0x3FAB]  }
0x30: {  	s3 =	sld [smem:$0x3FAE]  }
0x31: {  	[smem:$0x3FB7] =	sst s10  }
0x32: {  	s10 =	sld [smem:$0x3FB5];
	_ =	sdelay $0x3  }
0x33: {  	p0 =	seq.s32 s10, $0x1;
	s10 =	sld [smem:$0x3FB7];
	_ =	sdelay $0x3  }
0x34: {  	[smem:$0x3FB7] =	sst s10  }
0x35: {  	s10 =	sld [smem:$0x3FB6];
	_ =	sdelay $0x3  }
0x36: {  	p1 =	seq.s32 s10, $0x1;
	s10 =	sld [smem:$0x3FB7];
	_ =	sdelay $0x3  }
0x37: {  	[smem:$0x3FB7] =	sst s10  }
0x38: {  	s10 =	sld [smem:$0x3FB8]  }
0x39: {  	_ = 	snop;
	(pc) =	sbr.ind lr, $3  }
0x3a: {  	_ = 	snop  }
0x3b: {  	_ = 	snop  }
0x3c: {  	p2 =	seq.s32 s10, $0x1;
	s10 =	sld [smem:$0x3FB7]  }
0x3d: {  	_ =	shalt  }
0x3e: {  	_ =	shalt  }
0x3f: {  	_ =	shalt  }
0x40: {  	_ =	shalt  }
0x41: {  	_ =	shalt  }
0x42: {  	_ =	shalt  }
0x43: {  	_ =	shalt  }
0x44: {  	_ =	shalt  }
0x45: {  	_ =	shalt  }
0x46: {  	_ =	shalt  }
0x47: {  	_ =	shalt  }
0x48: {  	_ =	shalt  }
0x49: {  	_ =	shalt  }
0x4a: {  	_ =	shalt  }
0x4b: {  	_ =	shalt  }
0x4c: {  	_ =	shalt  }
0x4d: {  	_ =	shalt  }
0x4e: {  	_ =	shalt  }
0x4f: {  	_ =	shalt  }
0x50: {  	_ =	shalt  }
0x51: {  	_ =	shalt  }
0x52: {  	_ =	shalt  }
0x53: {  	_ =	shalt  }
0x54: {  	_ =	shalt  }
0x55: {  	_ =	shalt  }
0x56: {  	_ =	shalt  }
0x57: {  	_ =	shalt  }
0x58: {  	_ =	shalt  }
0x59: {  	_ =	shalt  }
0x5a: {  	_ =	shalt  }
0x5b: {  	_ =	shalt  }
0x5c: {  	_ =	shalt  }
0x5d: {  	_ =	shalt  }
0x5e: {  	_ =	shalt  }
0x5f: {  	_ =	shalt  }
0x60: {  	_ =	shalt  }
0x61: {  	_ =	shalt  }
0x62: {  	_ =	shalt  }
0x63: {  	_ =	shalt  }
0x64: {  	_ =	shalt  }
0x65: {  	_ =	shalt  }
0x66: {  	_ =	shalt  }
0x67: {  	_ =	shalt  }
0x68: {  	_ =	shalt  }
0x69: {  	_ =	shalt  }
0x6a: {  	_ =	shalt  }
0x6b: {  	_ =	shalt  }
0x6c: {  	_ =	shalt  }
0x6d: {  	_ =	shalt  }
0x6e: {  	_ =	shalt  }
0x6f: {  	_ =	shalt  }
0x70: {  	_ =	shalt  }
0x71: {  	_ =	shalt  }
0x72: {  	_ =	shalt  }
0x73: {  	_ =	shalt  }
0x74: {  	_ =	shalt  }
0x75: {  	_ =	shalt  }
0x76: {  	_ =	shalt  }
0x77: {  	_ =	shalt  }
0x78: {  	_ =	shalt  }
0x79: {  	_ =	shalt  }
0x7a: {  	_ =	shalt  }
0x7b: {  	_ =	shalt  }
0x7c: {  	_ =	shalt  }
0x7d: {  	_ =	shalt  }
0x7e: {  	_ =	shalt  }
0x7f: {  	_ =	shalt  }
0x80: {  	_ =	shalt  }
0x81: {  	_ =	shalt  }
0x82: {  	_ =	shalt  }
0x83: {  	_ =	shalt  }
0x84: {  	_ =	shalt  }
0x85: {  	_ =	shalt  }
0x86: {  	_ =	shalt  }
0x87: {  	_ =	shalt  }
.Lfunc_end0:
.L_simem_size_0:
called_computation.2_lowered:
.L_overlay_start_0:
0x88: {  	s2 =	sld [smem:$0x3FD9]  }
0x89: {  	s3 =	sld [smem:$0x3FFE];
	_ =	sdelay $0x1  }
0x8a: {  	s1 =	srdreg.scid  }
0x8b: {  	s0 =	sand.u32 $0x1, s1  }
0x8c: {  	s14 =	sshll.u32 s0, $0xA;
	s2 =	sadd.s32 s3, s2  }
0x8d: {  	s2 =	sadd.s32 s2, s14  }
0x8e: {  	[smem:$0x3FC3] =	sst s2  }
0x8f: {  	_ = 	snop  }
0x90: {  	s2 =	sld [smem:$0x3FD0];
	_ =	sdelay $0x2  }
0x91: {  	s15 =	simm.s32 $0xB;
	s4 =	simm.s32 $0x10  }
0x92: {  	[smem:s4], [sflag:s15] =	dma.local [hbm:s2], $0x1  }
0x93: {  	_ =	swait.eq [sflag:s15], $0x1  }
0x94: {  	[sflag:s15] =	ssyncset.done $0x0  }
0x95: {  	s16 =	sld [smem:$0x10];
	[sflag:s15] =	ssyncadd.s32 $0xFFFFFFFF  }
0x96: {  	s17 =	sld [smem:$0x11];
	(tm) =	ssettm $0x1  }
0x97: {  	s18 =	sld [smem:$0x3FFB];
	_ =	sdelay $0x3  }
0x98: {  	_ =	strace s18  }
0x99: {  	s4 =	sld [smem:$0x3FFC];
	_ =	sdelay $0x3  }
0x9a: {  	_ =	strace s4  }
0x9b: {  	s4 =	sld [smem:$0x3FFD];
	_ =	sdelay $0x3  }
0x9c: {  	_ =	strace s4  }
0x9d: {  	_ =	strace $0x8FFFFFFF  }
0x9e: {  	s19 =	sld [smem:$0x3FDB];
	_ =	sdelay $0x1  }
0x9f: {  	s5 =	simm.s32 $_scs_section_size  }
0xa0: {  	s6 =	simm.s32 $_size__tile_overlayer_lowered;
	s7 =	simm.s32 $_tile_overlayer_lowered  }
0xa1: {  	s22 =	simm.s32 $0x1BFF;
	s21 =	sshll.u32 s7, $0x1;
	s4 =	sadd.s32 s5, s19  }
0xa2: {  	s8 =	simm.s32 $0x0;
	s20 =	sshll.u32 s6, $0x1;
	s6 =	sadd.s32 s21, s4  }
0xa3: {  	[timem:s8], [sflag:s22] =	dma.local [hbm:s6], s20  }
0xa4: {  	_ =	swait.ge [sflag:s22], s20  }
0xa5: {  	s5 =	ssub.s32 $0x0, s20;
	[sflag:s22] =	ssyncset.done $0x0  }
0xa6: {  	[sflag:s22] =	ssyncadd.s32 s5;
	_ =	sdelay $0x1  }
0xa7: {  	s23 =	simm.s32 $0x1B8B  }
0xa8: {  	_ =	swait.ge [sflag:s23], $0x1  }
0xa9: {  	[sflag:s23] =	ssyncset.done $0x0  }
0xaa: {  	s25 =	simm.s32 $0x1B8E;
	s24 =	sld [smem:$0x3FFE];
	[sflag:s23] =	ssyncadd.s32 $0xFFFFFFFF  }
0xab: {  	s26 =	simm.s32 $execute0_lowered;
	[smem:$0x3FD2] =	sst s25  }
0xac: {  	s6 =	sshll.u32 s26, $0x1;
	_ =	strace $0x8000004C;
	[dreg:$0x1] =	wrdreg $0xFFFFFFFF  }
0xad: {  	s28 =	simm.s32 $_size_execute0_lowered;
	s4 =	sadd.s32 s4, s6;
	[dreg:$0x0] =	wrdreg $0x0  }
0xae: {  	s6 =	sshll.u32 s28, $0x1;
	[dreg:$0x2] =	wrdreg s4  }
0xaf: {  	[dreg:$0x3] =	wrdreg s6  }
0xb0: {  	[dreg:$0x4] =	wrdreg $0xC0  }
0xb1: {  	_ =	task [dreg:s8], $0x5FFFF  }
0xb2: {  	[dreg:$0x1] =	wrdreg $0xFFFFFFFF  }
0xb3: {  	[dreg:$0x0] =	wrdreg $0x60  }
0xb4: {  	[dreg:$0x2] =	wrdreg s24  }
0xb5: {  	[dreg:$0x3] =	wrdreg s16  }
0xb6: {  	[dreg:$0x4] =	wrdreg s17  }
0xb7: {  	[dreg:$0x5] =	wrdreg $0x52000  }
0xb8: {  	[dreg:$0x6] =	wrdreg $0x9  }
0xb9: {  	_ =	task.clear_ibuf [dreg:s8], $0x7FFFF;
	_ =	strace $0x9000004C  }
0xba: {  	s29 =	simm.s32 $0x9;
	_ =	strace $0x8000004E  }
0xbb: {  	_ =	swait.ge [sflag:s29], $0x1  }
0xbc: {  	[sflag:s29] =	ssyncadd.s32 $0xFFFFFFFF  }
0xbd: {  	_ =	strace $0x9000004E  }
0xbe: {  	_ =	sfence  }
0xbf: {  	s30 =	sld [smem:$0x0];
	_ =	sdelay $0x2  }
0xc0: {  	s31 =	sshll.u32 s1, $0xD;
	s1 =	sshrl.u32 s1, $0x2  }
0xc1: {  	s3 =	sand.u32 $0x4000, s31;
	s1 =	sadd.s32 s1, s30  }
0xc2: {  	s0 =	sor.u32 s3, s0;
	s1 =	sshll.u32 s1, $0x11  }
0xc3: {  	s0 =	sor.u32 s1, s0  }
0xc4: {  	s0 =	sadd.s32 $0x8F2B, s0  }
0xc5: {  	[sflag:s0] =	ssyncadd.remote.s32 $0x1  }
0xc6: {  	_ =	sfence.sel $0xFFFF  }
0xc7: {  	[dreg:$0x0] =	wrdreg $0xFFFFFFFF;
	(pc) =	sbr.abs _section_cstart, $3  }
0xc8: {  	[dreg:$0x1] =	wrdreg $0xFFFFFFFF  }
0xc9: {  	_ =	task.clear_ibuf [dreg:s8], $0x2FFFF;
	_ =	strace $0x9FFFFFFF  }
0xca: {  	(tm) =	ssettm $0x7FFFFFFF  }
0xcb: {  	_ =	shalt  }
tec
execute0_lowered:
.L_overlay_start_1:
0x0: {  	(tag) =	ssettag $0x1  }
0x1: {  	s0 =	rddreg [dreg:$0x0]  }
0x2: {  	s1 =	rddreg [dreg:$0x1]  }
0x3: {  	s30 =	rddreg [dreg:$0x2]  }
0x4: {  	s4 =	rddreg [dreg:$0x3];
	s17 =	stileid.u32  }
0x5: {  	s2 =	srdreg.scid;
	s3 =	smul.u32 $0x3E8, s17  }
0x6: {  	s5 =	simm.s32 $0x0;
	s29 =	simm.s32 $0x0;
	s8 =	smul.u32 $0x7D000, s17  }
0x7: {  	s2 =	sand.u32 $0x1, s2;
	[smem:$0x7FF] =	sst s5;
	s11 =	smul.u32 $0x2710, s17  }
0x8: {  	s6 =	smul.u32 $0x7530, s2;
	_ =	strace $0x8000004D;
	s7 =	sshll.u32 s2, $0x4  }
0x9: {  	s13 =	ssub.s32 $0x2, s2;
	s2 =	smul.u32 $0x27100, s2;
	s7 =	sor.u32 s17, s7  }
0xa: {  	s10 =	sshrl.u32 s13, $0x1;
	s8 =	sshrl.u32 s8, $0x2;
	s3 =	sadd.s32 s3, s6  }
0xb: {  	s6 =	sadd.s32 $0x1F800, s0;
	s9 =	smul.u32 $0x2710, s7;
	s3 =	sshll.u32 s3, $0x4  }
0xc: {  	s7 =	sadd.s32 $0x2200, s0;
	s8 =	sadd.s32 s8, s4;
	s0 =	sadd.s32 s3, s0  }
0xd: {  	s12 =	sadd.s32 s11, s2;
	[dreg:$0x5] =	wrdreg s8;
	s18 =	sadd.s32 $0x94C00, s0  }
0xe: {  	s9 =	sshrl.u32 s9, $0x3;
	s23 =	sadd.s32 $0xBBD00, s0;
	[dreg:$0x8] =	wrdreg s18  }
0xf: {  	s3 =	ssub.s32 s13, s10;
	s0 =	sadd.s32 $0xE2E00, s0;
	[dreg:$0xd] =	wrdreg s23  }
0x10: {  	s14 =	sadd.s32 $0xA, s9;
	s11 =	smax.u32 s3, $0x1;
	[dreg:$0x12] =	wrdreg s0  }
0x11: {  	p0 =	sgt.u32 s17, $0x9;
	s15 =	sadd.s32 s1, s14;
	[dreg:$0x13] =	wrdreg s11  }
0x12: {  	s16 =	sadd.s32 $0x9C40, s9;
	s8 =	sadd.s32 s7, s14;
	[dreg:$0x6] =	wrdreg s15  }
0x13: {  	s20 =	sadd.s32 $0x9C4A, s9;
	s19 =	sadd.s32 s1, s16;
	[dreg:$0x7] =	wrdreg s8  }
0x14: {  	s17 =	simm.s32 $0x80;
	s21 =	sadd.s32 s1, s20;
	[dreg:$0x9] =	wrdreg s19  }
0x15: {  	s24 =	sadd.s32 $0x13880, s9;
	s22 =	sadd.s32 s7, s20;
	[dreg:$0xb] =	wrdreg s21  }
0x16: {  	s26 =	sadd.s32 $0x1388A, s9;
	s25 =	sadd.s32 s1, s24;
	[dreg:$0xc] =	wrdreg s22  }
0x17: {  	s10 =	sadd.s32 $0x4D8, s9;
	s28 =	sadd.s32 s1, s26;
	[dreg:$0xe] =	wrdreg s25  }
0x18: {  	s31 =	sadd.s32 s7, s26;
	s13 =	sadd.s32 s1, s10;
	[dreg:$0x10] =	wrdreg s28  }
0x19: {  	s0 =	sadd.s32 s7, s10;
	s14 =	sadd.s32 s1, s9;
	[dreg:$0x11] =	wrdreg s31  }
0x1a: {  	s18 =	sadd.s32 $0x13D58, s9;
	s20 =	sadd.s32 $0xF0, s12;
	[dreg:$0x14] =	wrdreg s13  }
0x1b: {  	s23 =	sadd.s32 $0x4E2A0, s12;
	s8 =	sadd.s32 s7, s16;
	[dreg:$0x15] =	wrdreg s0  }
0x1c: {  	[dreg:$0x16] =	wrdreg s14;
	s15 =	sadd.s32 s7, s9;
	s16 =	sadd.s32 $0xA118, s9  }
0x1d: {  	s3 =	sshrl.u32 s20, $0x3;
	s21 =	sadd.s32 s1, s18;
	s22 =	sadd.s32 s7, s18  }
0x1e: {  	s25 =	sadd.s32 $0x4E2F0, s12;
	s28 =	sadd.s32 $0x9C4A0, s12;
	s13 =	sadd.s32 $0xA0, s12  }
0x1f: {  	s12 =	sadd.s32 $0x9C4F0, s12;
	s18 =	simm.s32 $0x3;
	[dreg:$0xa] =	wrdreg s8  }
0x20: {  	s20 =	simm.s32 $0x200;
	s8 =	sadd.s32 s7, s24;
	[dreg:$0x17] =	wrdreg s15  }
0x21: {  	s19 =	sadd.s32 s1, s16;
	s0 =	sadd.s32 s7, s16;
	[dreg:$0x1a] =	wrdreg s21  }
0x22: {  	[dreg:$0x1b] =	wrdreg s22;
	s2 =	sadd.s32 s3, s1;
	s24 =	sshrl.u32 s23, $0x3  }
0x23: {  	s26 =	sshrl.u32 s25, $0x3;
	[dreg:$0x1c] =	wrdreg s13;
	s31 =	sshrl.u32 s12, $0x3  }
0x24: {  	s21 =	simm.s32 $0x100;
	s22 =	simm.s32 $0x180;
	[dreg:$0xf] =	wrdreg s8  }
0x25: {  	s25 =	simm.s32 $0x4;
	s23 =	simm.s32 $0x5;
	[dreg:$0x18] =	wrdreg s19  }
0x26: {  	[dreg:$0x19] =	wrdreg s0;
	s0 =	sadd.s32 s3, s7;
	s8 =	sadd.s32 s24, s7  }
0x27: {  	s9 =	sadd.s32 s24, s1;
	s10 =	sadd.s32 s26, s7;
	s11 =	sadd.s32 s26, s1  }
0x28: {  	s3 =	sshrl.u32 s28, $0x3;
	s15 =	sadd.s32 s31, s7;
	s16 =	sadd.s32 s31, s1  }
0x29: {  	s19 =	simm.s32 $0x50;
	s26 =	simm.s32 $0x2A00;
	s24 =	simm.s32 $0x2  }
0x2a: {  	s13 =	sadd.s32 s3, s7;
	s14 =	sadd.s32 s3, s1;
	s3 =	simm.s32 $0x1  }
.LBB2_1:
0x2b: {  	s12 =	stileid.u32  }
0x2c: {  	[dreg:$0x1d] =	wrdreg s29;
	s12 =	sshll.u32 @!p0 s12, $0x6  }
0x2d: {  	s28 =	sor.u32 @!p0 $0x1C05, s12;
	s12 =	rddreg [dreg:$0x5]  }
0x2e: {  	s12 =	sshrl.u32 @!p0 s12, $0x3;
	[dreg:$0x1e] =	wrdreg s28  }
0x2f: {  	[dreg:$0x1f] =	wrdreg s12  }
0x30: {  	[spmem:s12], [sflag:s28] =	dma.local @!p0 [hbm:s30], $0x3E80  }
0x31: {  	s12 =	simm.s32 @!p0 $0x5  }
0x32: {  	_ =	swait.ge @!p0 [sflag:s12], $0x3E80  }
0x33: {  	[sflag:s12] =	ssyncset.done @!p0 $0x0  }
0x34: {  	s29 =	rddreg [dreg:$0x16];
	[sflag:s12] =	ssyncadd.s32 @!p0 $0xFFFFC180  }
0x35: {  	[tilespmem:s5], [sflag:$0x3] =	stream.linear.gather [hbm4b:s29+s5], $0x50, $0x38;
	[tilespmem:$0x18A80] =	vst v63  }
0x36: {  	s30 =	rddreg [dreg:$0x17]  }
0x37: {  	[tilespmem:s17], [sflag:$0x3] =	stream.linear.gather [hbm4b:s30+s5], $0x50, $0x38;
	[tilespmem:$0x18A80] =	vst v63  }
0x38: {  	[bflag:$0x0] =	sbarrier.arrive $0xFFFF  }
0x39: {  	_ =	swait.ge [sflag:s18], $0x50  }
0x3a: {  	[sflag:s18] =	ssyncset.done $0x0  }
0x3b: {  	[sflag:s18] =	ssyncadd.s32 $0xFFFFFFB0  }
0x3c: {  	_ =	swait.ge [sflag:s18], $0x50  }
0x3d: {  	[sflag:s18] =	ssyncset.done $0x0  }
0x3e: {  	[sflag:s18] =	ssyncadd.s32 $0xFFFFFFB0  }
0x3f: {  	[tilespmem:s20], [sflag:$0x1] =	stream.indirect.gather [hbm4b:s6+s19], $0x80, s5, s19, $0xb8;
	[tilespmem:$0x18A80] =	vst v63  }
0x40: {  	s28 =	rddreg [dreg:$0x6]  }
0x41: {  	[tilespmem:s21], [sflag:$0x4] =	stream.linear.gather [hbm4b:s28+s5], $0x50, $0x38;
	[tilespmem:$0x18A80] =	vst v63  }
0x42: {  	s29 =	rddreg [dreg:$0x7]  }
0x43: {  	[tilespmem:s22], [sflag:$0x4] =	stream.linear.gather [hbm4b:s29+s5], $0x50, $0x38;
	[tilespmem:$0x18A80] =	vst v63  }
0x44: {  	_ =	swait.ge [sflag:s25], $0x50  }
0x45: {  	[sflag:s25] =	ssyncset.done $0x0  }
0x46: {  	[sflag:s25] =	ssyncadd.s32 $0xFFFFFFB0  }
0x47: {  	_ =	swait.ge [sflag:s25], $0x50  }
0x48: {  	[sflag:s25] =	ssyncset.done $0x0  }
0x49: {  	[sflag:s25] =	ssyncadd.s32 $0xFFFFFFB0  }
0x4a: {  	[tilespmem:s26], [sflag:$0x2] =	stream.indirect.gather [hbm4b:s6+s19], $0x80, s21, s19, $0xb8;
	[tilespmem:$0x18A80] =	vst v63  }
0x4b: {  	_ =	swait.ge [sflag:s3], $0x2800  }
0x4c: {  	[sflag:s3] =	ssyncset.done $0x0  }
0x4d: {  	[sflag:s3] =	ssyncadd.s32 $0xFFFFD800  }
0x4e: {  	[spmem:s4] =	stream.indirect.scatter.add.f32 [tilespmem:s20], [sflag:$0x5], $0x80, s17, s19, $0xb8;
	[tilespmem:$0x18A80] =	vst v63  }
0x4f: {  	_ =	swait.ge [sflag:s23], $0x2800  }
0x50: {  	s28 =	rddreg [dreg:$0x1c]  }
0x51: {  	[sflag:s23] =	ssyncset.done $0x0;
	s30 =	sshrl.u32 s28, $0x3  }
0x52: {  	[sflag:s23] =	ssyncadd.s32 $0xFFFFD800;
	s31 =	sadd.s32 s1, s30  }
0x53: {  	[tilespmem:s5], [sflag:$0x3] =	stream.linear.gather [hbm4b:s31+s5], $0x50, $0x38;
	[tilespmem:$0x18A80] =	vst v63  }
0x54: {  	s12 =	sadd.s32 s7, s30  }
0x55: {  	[tilespmem:s17], [sflag:$0x3] =	stream.linear.gather [hbm4b:s12+s5], $0x50, $0x38;
	[tilespmem:$0x18A80] =	vst v63  }
0x56: {  	_ =	swait.ge [sflag:s18], $0x50  }
0x57: {  	[sflag:s18] =	ssyncset.done $0x0  }
0x58: {  	[sflag:s18] =	ssyncadd.s32 $0xFFFFFFB0  }
0x59: {  	_ =	swait.ge [sflag:s18], $0x50  }
0x5a: {  	[sflag:s18] =	ssyncset.done $0x0  }
0x5b: {  	[sflag:s18] =	ssyncadd.s32 $0xFFFFFFB0  }
0x5c: {  	[tilespmem:s20], [sflag:$0x1] =	stream.indirect.gather [hbm4b:s6+s19], $0x80, s5, s19, $0xb8;
	[tilespmem:$0x18A80] =	vst v63  }
0x5d: {  	_ =	swait.ge [sflag:s24], $0x2800  }
0x5e: {  	[sflag:s24] =	ssyncset.done $0x0  }
0x5f: {  	[sflag:s24] =	ssyncadd.s32 $0xFFFFD800  }
0x60: {  	[spmem:s4] =	stream.indirect.scatter.add.f32 [tilespmem:s26], [sflag:$0x5], $0x80, s22, s19, $0xb8;
	[tilespmem:$0x18A80] =	vst v63  }
0x61: {  	_ =	swait.ge [sflag:s23], $0x2800  }
0x62: {  	[sflag:s23] =	ssyncset.done $0x0  }
0x63: {  	s29 =	sadd.s32 $0x0, s2;
	[sflag:s23] =	ssyncadd.s32 $0xFFFFD800  }
0x64: {  	[tilespmem:s21], [sflag:$0x4] =	stream.linear.gather [hbm4b:s29+s5], $0x50, $0x38;
	[tilespmem:$0x18A80] =	vst v63  }
0x65: {  	s30 =	sadd.s32 $0x0, s0  }
0x66: {  	[tilespmem:s22], [sflag:$0x4] =	stream.linear.gather [hbm4b:s30+s5], $0x50, $0x38;
	[tilespmem:$0x18A80] =	vst v63  }
0x67: {  	_ =	swait.ge [sflag:s25], $0x50  }
0x68: {  	[sflag:s25] =	ssyncset.done $0x0  }
0x69: {  	[sflag:s25] =	ssyncadd.s32 $0xFFFFFFB0  }
0x6a: {  	_ =	swait.ge [sflag:s25], $0x50  }
0x6b: {  	s31 =	simm.s32 $0x14;
	s12 =	smov.u32 s28;
	[sflag:s25] =	ssyncset.done $0x0  }
.LBB2_2:
0x6c: {  	p1 =	sne.s32 s31, $0x4B0;
	[sflag:s25] =	ssyncadd.s32 $0xFFFFFFB0;
	s12 =	sadd.s32 $0xA0, s12  }
0x6d: {  	[tilespmem:s26], [sflag:$0x2] =	stream.indirect.gather [hbm4b:s6+s19], $0x80, s21, s19, $0xb8;
	[tilespmem:$0x18A80] =	vst v63  }
0x6e: {  	s28 =	smov.u32 s31;
	s31 =	sadd.s32 $0x14, s31;
	_ =	swait.ge [sflag:s3], $0x2800  }
0x6f: {  	[sflag:s3] =	ssyncset.done $0x0  }
0x70: {  	[sflag:s3] =	ssyncadd.s32 $0xFFFFD800  }
0x71: {  	[spmem:s4] =	stream.indirect.scatter.add.f32 [tilespmem:s20], [sflag:$0x5], $0x80, s17, s19, $0xb8;
	[tilespmem:$0x18A80] =	vst v63  }
0x72: {  	_ =	swait.ge [sflag:s23], $0x2800  }
0x73: {  	s29 =	sshrl.u32 s12, $0x3;
	[sflag:s23] =	ssyncset.done $0x0  }
0x74: {  	s30 =	sadd.s32 s1, s29;
	[sflag:s23] =	ssyncadd.s32 $0xFFFFD800  }
0x75: {  	[tilespmem:s5], [sflag:$0x3] =	stream.linear.gather [hbm4b:s30+s5], $0x50, $0x38;
	[tilespmem:$0x18A80] =	vst v63  }
0x76: {  	s29 =	sadd.s32 s7, s29  }
0x77: {  	[tilespmem:s17], [sflag:$0x3] =	stream.linear.gather [hbm4b:s29+s5], $0x50, $0x38;
	[tilespmem:$0x18A80] =	vst v63  }
0x78: {  	_ =	swait.ge [sflag:s18], $0x50  }
0x79: {  	[sflag:s18] =	ssyncset.done $0x0  }
0x7a: {  	[sflag:s18] =	ssyncadd.s32 $0xFFFFFFB0  }
0x7b: {  	_ =	swait.ge [sflag:s18], $0x50  }
0x7c: {  	[sflag:s18] =	ssyncset.done $0x0  }
0x7d: {  	[sflag:s18] =	ssyncadd.s32 $0xFFFFFFB0  }
0x7e: {  	[tilespmem:s20], [sflag:$0x1] =	stream.indirect.gather [hbm4b:s6+s19], $0x80, s5, s19, $0xb8;
	[tilespmem:$0x18A80] =	vst v63  }
0x7f: {  	_ =	swait.ge [sflag:s24], $0x2800  }
0x80: {  	[sflag:s24] =	ssyncset.done $0x0  }
0x81: {  	[sflag:s24] =	ssyncadd.s32 $0xFFFFD800  }
0x82: {  	[spmem:s4] =	stream.indirect.scatter.add.f32 [tilespmem:s26], [sflag:$0x5], $0x80, s22, s19, $0xb8;
	[tilespmem:$0x18A80] =	vst v63  }
0x83: {  	_ =	swait.ge [sflag:s23], $0x2800  }
0x84: {  	[sflag:s23] =	ssyncset.done $0x0  }
0x85: {  	s29 =	sadd.s32 s28, s2;
	[sflag:s23] =	ssyncadd.s32 $0xFFFFD800  }
0x86: {  	[tilespmem:s21], [sflag:$0x4] =	stream.linear.gather [hbm4b:s29+s5], $0x50, $0x38;
	[tilespmem:$0x18A80] =	vst v63  }
0x87: {  	s28 =	sadd.s32 s28, s0  }
0x88: {  	[tilespmem:s22], [sflag:$0x4] =	stream.linear.gather [hbm4b:s28+s5], $0x50, $0x38;
	[tilespmem:$0x18A80] =	vst v63  }
.Ltmp0:
0x89: {  	_ =	swait.ge [sflag:s25], $0x50;
	(pc) =	sbr.rel @p1 .LBB2_2-.Ltmp0, $4  }
0x8a: {  	[sflag:s25] =	ssyncset.done $0x0  }
0x8b: {  	[sflag:s25] =	ssyncadd.s32 $0xFFFFFFB0  }
0x8c: {  	_ =	swait.ge [sflag:s25], $0x50  }
0x8d: {  	[sflag:s25] =	ssyncset.done $0x0  }
0x8e: {  	[sflag:s25] =	ssyncadd.s32 $0xFFFFFFB0  }
0x8f: {  	[tilespmem:s26], [sflag:$0x2] =	stream.indirect.gather [hbm4b:s6+s19], $0x80, s21, s19, $0xb8;
	[tilespmem:$0x18A80] =	vst v63  }
0x90: {  	_ =	swait.ge [sflag:s3], $0x2800  }
0x91: {  	[sflag:s3] =	ssyncset.done $0x0  }
0x92: {  	[sflag:s3] =	ssyncadd.s32 $0xFFFFD800  }
0x93: {  	[spmem:s4] =	stream.indirect.scatter.add.f32 [tilespmem:s20], [sflag:$0x5], $0x80, s17, s19, $0xb8;
	[tilespmem:$0x18A80] =	vst v63  }
0x94: {  	_ =	swait.ge [sflag:s23], $0x2800  }
0x95: {  	[sflag:s23] =	ssyncset.done $0x0  }
0x96: {  	s12 =	rddreg [dreg:$0x14];
	[sflag:s23] =	ssyncadd.s32 $0xFFFFD800  }
0x97: {  	[tilespmem:s5], [sflag:$0x3] =	stream.linear.gather [hbm4b:s12+s5], $0x50, $0x38;
	[tilespmem:$0x18A80] =	vst v63  }
0x98: {  	s28 =	rddreg [dreg:$0x15]  }
0x99: {  	[tilespmem:s17], [sflag:$0x3] =	stream.linear.gather [hbm4b:s28+s5], $0x50, $0x38;
	[tilespmem:$0x18A80] =	vst v63  }
0x9a: {  	_ =	swait.ge [sflag:s18], $0x50  }
0x9b: {  	[sflag:s18] =	ssyncset.done $0x0  }
0x9c: {  	[sflag:s18] =	ssyncadd.s32 $0xFFFFFFB0  }
0x9d: {  	_ =	swait.ge [sflag:s18], $0x50  }
0x9e: {  	[sflag:s18] =	ssyncset.done $0x0  }
0x9f: {  	[sflag:s18] =	ssyncadd.s32 $0xFFFFFFB0  }
0xa0: {  	[tilespmem:s20], [sflag:$0x1] =	stream.indirect.gather [hbm4b:s6+s19], $0x80, s5, s19, $0xb8;
	[tilespmem:$0x18A80] =	vst v63  }
0xa1: {  	_ =	swait.ge [sflag:s24], $0x2800  }
0xa2: {  	[sflag:s24] =	ssyncset.done $0x0  }
0xa3: {  	[sflag:s24] =	ssyncadd.s32 $0xFFFFD800  }
0xa4: {  	[spmem:s4] =	stream.indirect.scatter.add.f32 [tilespmem:s26], [sflag:$0x5], $0x80, s22, s19, $0xb8;
	[tilespmem:$0x18A80] =	vst v63  }
0xa5: {  	_ =	swait.ge [sflag:s23], $0x2800  }
0xa6: {  	[sflag:s23] =	ssyncset.done $0x0  }
0xa7: {  	[sflag:s23] =	ssyncadd.s32 $0xFFFFD800  }
0xa8: {  	[tilespmem:s21], [sflag:$0x4] =	stream.linear.gather [hbm4b:s12+s5], $0x50, $0x38;
	[tilespmem:$0x18A80] =	vst v63  }
0xa9: {  	_ = 	snop  }
0xaa: {  	[tilespmem:s22], [sflag:$0x4] =	stream.linear.gather [hbm4b:s28+s5], $0x50, $0x38;
	[tilespmem:$0x18A80] =	vst v63  }
0xab: {  	_ =	swait.ge [sflag:s25], $0x50  }
0xac: {  	[sflag:s25] =	ssyncset.done $0x0  }
0xad: {  	[sflag:s25] =	ssyncadd.s32 $0xFFFFFFB0  }
0xae: {  	_ =	swait.ge [sflag:s25], $0x50  }
0xaf: {  	[sflag:s25] =	ssyncset.done $0x0  }
0xb0: {  	[sflag:s25] =	ssyncadd.s32 $0xFFFFFFB0  }
0xb1: {  	_ =	swait.ge [sflag:s3], $0x2800  }
0xb2: {  	[sflag:s3] =	ssyncset.done $0x0  }
0xb3: {  	[sflag:s3] =	ssyncadd.s32 $0xFFFFD800  }
0xb4: {  	[spmem:s4] =	stream.indirect.scatter.add.f32 [tilespmem:s20], [sflag:$0x5], $0x80, s17, s19, $0xb8;
	[tilespmem:$0x18A80] =	vst v63  }
0xb5: {  	_ =	swait.ge [sflag:s23], $0x2800  }
0xb6: {  	[sflag:s23] =	ssyncset.done $0x0  }
0xb7: {  	[sflag:s23] =	ssyncadd.s32 $0xFFFFD800  }
0xb8: {  	[bflag:$0x0] =	sbarrier.arrive $0xFFFF  }
0xb9: {  	s12 =	rddreg [dreg:$0x8]  }
0xba: {  	s31 =	rddreg [dreg:$0x1e]  }
0xbb: {  	s28 =	rddreg [dreg:$0x1f]  }
0xbc: {  	[hbm:s12], [sflag:s31] =	dma.local @!p0 [spmem:s28], $0x3E80  }
0xbd: {  	s12 =	simm.s32 @!p0 $0x5  }
0xbe: {  	_ =	swait.ge @!p0 [sflag:s12], $0x3E80  }
0xbf: {  	[sflag:s12] =	ssyncset.done @!p0 $0x0  }
0xc0: {  	[sflag:s12] =	ssyncadd.s32 @!p0 $0xFFFFC180  }
0xc1: {  	s30 =	rddreg [dreg:$0x2]  }
0xc2: {  	[spmem:s28], [sflag:s31] =	dma.local @!p0 [hbm:s30], $0x3E80  }
0xc3: {  	_ =	swait.ge @!p0 [sflag:s12], $0x3E80  }
0xc4: {  	[sflag:s12] =	ssyncset.done @!p0 $0x0  }
0xc5: {  	s29 =	rddreg [dreg:$0x9];
	[sflag:s12] =	ssyncadd.s32 @!p0 $0xFFFFC180;
	s12 =	simm.s32 $0x0  }
0xc6: {  	[tilespmem:s12], [sflag:$0x3] =	stream.linear.gather [hbm4b:s29+s12], $0x50, $0x38;
	[tilespmem:$0x18A80] =	vst v63  }
0xc7: {  	s29 =	rddreg [dreg:$0xa]  }
0xc8: {  	[tilespmem:s17], [sflag:$0x3] =	stream.linear.gather [hbm4b:s29+s12], $0x50, $0x38;
	[tilespmem:$0x18A80] =	vst v63  }
0xc9: {  	[bflag:$0x0] =	sbarrier.arrive $0xFFFF  }
0xca: {  	_ =	swait.ge [sflag:s18], $0x50  }
0xcb: {  	[sflag:s18] =	ssyncset.done $0x0  }
0xcc: {  	[sflag:s18] =	ssyncadd.s32 $0xFFFFFFB0  }
0xcd: {  	_ =	swait.ge [sflag:s18], $0x50  }
0xce: {  	[sflag:s18] =	ssyncset.done $0x0  }
0xcf: {  	[sflag:s18] =	ssyncadd.s32 $0xFFFFFFB0  }
0xd0: {  	[tilespmem:s20], [sflag:$0x1] =	stream.indirect.gather [hbm4b:s6+s19], $0x80, s12, s19, $0xb8;
	[tilespmem:$0x18A80] =	vst v63  }
0xd1: {  	s29 =	rddreg [dreg:$0xb]  }
0xd2: {  	[tilespmem:s21], [sflag:$0x4] =	stream.linear.gather [hbm4b:s29+s12], $0x50, $0x38;
	[tilespmem:$0x18A80] =	vst v63  }
0xd3: {  	s29 =	rddreg [dreg:$0xc]  }
0xd4: {  	[tilespmem:s22], [sflag:$0x4] =	stream.linear.gather [hbm4b:s29+s12], $0x50, $0x38;
	[tilespmem:$0x18A80] =	vst v63  }
0xd5: {  	_ =	swait.ge [sflag:s25], $0x50  }
0xd6: {  	[sflag:s25] =	ssyncset.done $0x0  }
0xd7: {  	[sflag:s25] =	ssyncadd.s32 $0xFFFFFFB0  }
0xd8: {  	_ =	swait.ge [sflag:s25], $0x50  }
0xd9: {  	[sflag:s25] =	ssyncset.done $0x0  }
0xda: {  	[sflag:s25] =	ssyncadd.s32 $0xFFFFFFB0  }
0xdb: {  	[tilespmem:s26], [sflag:$0x2] =	stream.indirect.gather [hbm4b:s6+s19], $0x80, s21, s19, $0xb8;
	[tilespmem:$0x18A80] =	vst v63  }
0xdc: {  	_ =	swait.ge [sflag:s3], $0x2800  }
0xdd: {  	[sflag:s3] =	ssyncset.done $0x0  }
0xde: {  	[sflag:s3] =	ssyncadd.s32 $0xFFFFD800  }
0xdf: {  	[spmem:s4] =	stream.indirect.scatter.add.f32 [tilespmem:s20], [sflag:$0x5], $0x80, s17, s19, $0xb8;
	[tilespmem:$0x18A80] =	vst v63  }
0xe0: {  	_ =	swait.ge [sflag:s23], $0x2800  }
0xe1: {  	[sflag:s23] =	ssyncset.done $0x0  }
0xe2: {  	s28 =	sadd.s32 $0x0, s9;
	[sflag:s23] =	ssyncadd.s32 $0xFFFFD800  }
0xe3: {  	[tilespmem:s5], [sflag:$0x3] =	stream.linear.gather [hbm4b:s28+s5], $0x50, $0x38;
	[tilespmem:$0x18A80] =	vst v63  }
0xe4: {  	s29 =	sadd.s32 $0x0, s8  }
0xe5: {  	[tilespmem:s17], [sflag:$0x3] =	stream.linear.gather [hbm4b:s29+s5], $0x50, $0x38;
	[tilespmem:$0x18A80] =	vst v63  }
0xe6: {  	_ =	swait.ge [sflag:s18], $0x50  }
0xe7: {  	[sflag:s18] =	ssyncset.done $0x0  }
0xe8: {  	[sflag:s18] =	ssyncadd.s32 $0xFFFFFFB0  }
0xe9: {  	_ =	swait.ge [sflag:s18], $0x50  }
0xea: {  	[sflag:s18] =	ssyncset.done $0x0  }
0xeb: {  	[sflag:s18] =	ssyncadd.s32 $0xFFFFFFB0  }
0xec: {  	[tilespmem:s20], [sflag:$0x1] =	stream.indirect.gather [hbm4b:s6+s19], $0x80, s5, s19, $0xb8;
	[tilespmem:$0x18A80] =	vst v63  }
0xed: {  	_ =	swait.ge [sflag:s24], $0x2800  }
0xee: {  	[sflag:s24] =	ssyncset.done $0x0  }
0xef: {  	[sflag:s24] =	ssyncadd.s32 $0xFFFFD800  }
0xf0: {  	[spmem:s4] =	stream.indirect.scatter.add.f32 [tilespmem:s26], [sflag:$0x5], $0x80, s22, s19, $0xb8;
	[tilespmem:$0x18A80] =	vst v63  }
0xf1: {  	_ =	swait.ge [sflag:s23], $0x2800  }
0xf2: {  	[sflag:s23] =	ssyncset.done $0x0  }
0xf3: {  	s28 =	sadd.s32 $0x0, s11;
	[sflag:s23] =	ssyncadd.s32 $0xFFFFD800  }
0xf4: {  	[tilespmem:s21], [sflag:$0x4] =	stream.linear.gather [hbm4b:s28+s5], $0x50, $0x38;
	[tilespmem:$0x18A80] =	vst v63  }
0xf5: {  	s29 =	sadd.s32 $0x0, s10  }
0xf6: {  	[tilespmem:s22], [sflag:$0x4] =	stream.linear.gather [hbm4b:s29+s5], $0x50, $0x38;
	[tilespmem:$0x18A80] =	vst v63  }
0xf7: {  	_ =	swait.ge [sflag:s25], $0x50  }
0xf8: {  	[sflag:s25] =	ssyncset.done $0x0  }
0xf9: {  	[sflag:s25] =	ssyncadd.s32 $0xFFFFFFB0  }
0xfa: {  	_ =	swait.ge [sflag:s25], $0x50  }
0xfb: {  	s12 =	simm.s32 $0x14;
	[sflag:s25] =	ssyncset.done $0x0  }
.LBB2_4:
0xfc: {  	p1 =	sne.s32 s12, $0x4B0  }
0xfd: {  	[sflag:s25] =	ssyncadd.s32 $0xFFFFFFB0;
	s28 =	smov.u32 s12;
	s12 =	sadd.s32 $0x14, s12  }
0xfe: {  	[tilespmem:s26], [sflag:$0x2] =	stream.indirect.gather [hbm4b:s6+s19], $0x80, s21, s19, $0xb8;
	[tilespmem:$0x18A80] =	vst v63  }
0xff: {  	_ =	swait.ge [sflag:s3], $0x2800  }
0x100: {  	[sflag:s3] =	ssyncset.done $0x0  }
0x101: {  	[sflag:s3] =	ssyncadd.s32 $0xFFFFD800  }
0x102: {  	[spmem:s4] =	stream.indirect.scatter.add.f32 [tilespmem:s20], [sflag:$0x5], $0x80, s17, s19, $0xb8;
	[tilespmem:$0x18A80] =	vst v63  }
0x103: {  	_ =	swait.ge [sflag:s23], $0x2800  }
0x104: {  	[sflag:s23] =	ssyncset.done $0x0  }
0x105: {  	s29 =	sadd.s32 s28, s9;
	[sflag:s23] =	ssyncadd.s32 $0xFFFFD800  }
0x106: {  	[tilespmem:s5], [sflag:$0x3] =	stream.linear.gather [hbm4b:s29+s5], $0x50, $0x38;
	[tilespmem:$0x18A80] =	vst v63  }
0x107: {  	s29 =	sadd.s32 s28, s8  }
0x108: {  	[tilespmem:s17], [sflag:$0x3] =	stream.linear.gather [hbm4b:s29+s5], $0x50, $0x38;
	[tilespmem:$0x18A80] =	vst v63  }
0x109: {  	_ =	swait.ge [sflag:s18], $0x50  }
0x10a: {  	[sflag:s18] =	ssyncset.done $0x0  }
0x10b: {  	[sflag:s18] =	ssyncadd.s32 $0xFFFFFFB0  }
0x10c: {  	_ =	swait.ge [sflag:s18], $0x50  }
0x10d: {  	[sflag:s18] =	ssyncset.done $0x0  }
0x10e: {  	[sflag:s18] =	ssyncadd.s32 $0xFFFFFFB0  }
0x10f: {  	[tilespmem:s20], [sflag:$0x1] =	stream.indirect.gather [hbm4b:s6+s19], $0x80, s5, s19, $0xb8;
	[tilespmem:$0x18A80] =	vst v63  }
0x110: {  	_ =	swait.ge [sflag:s24], $0x2800  }
0x111: {  	[sflag:s24] =	ssyncset.done $0x0  }
0x112: {  	[sflag:s24] =	ssyncadd.s32 $0xFFFFD800  }
0x113: {  	[spmem:s4] =	stream.indirect.scatter.add.f32 [tilespmem:s26], [sflag:$0x5], $0x80, s22, s19, $0xb8;
	[tilespmem:$0x18A80] =	vst v63  }
0x114: {  	_ =	swait.ge [sflag:s23], $0x2800  }
0x115: {  	[sflag:s23] =	ssyncset.done $0x0  }
0x116: {  	s29 =	sadd.s32 s28, s11;
	[sflag:s23] =	ssyncadd.s32 $0xFFFFD800  }
0x117: {  	[tilespmem:s21], [sflag:$0x4] =	stream.linear.gather [hbm4b:s29+s5], $0x50, $0x38;
	[tilespmem:$0x18A80] =	vst v63  }
0x118: {  	s28 =	sadd.s32 s28, s10  }
0x119: {  	[tilespmem:s22], [sflag:$0x4] =	stream.linear.gather [hbm4b:s28+s5], $0x50, $0x38;
	[tilespmem:$0x18A80] =	vst v63  }
.Ltmp1:
0x11a: {  	_ =	swait.ge [sflag:s25], $0x50;
	(pc) =	sbr.rel @p1 .LBB2_4-.Ltmp1, $4  }
0x11b: {  	[sflag:s25] =	ssyncset.done $0x0  }
0x11c: {  	[sflag:s25] =	ssyncadd.s32 $0xFFFFFFB0  }
0x11d: {  	_ =	swait.ge [sflag:s25], $0x50  }
0x11e: {  	[sflag:s25] =	ssyncset.done $0x0  }
0x11f: {  	[sflag:s25] =	ssyncadd.s32 $0xFFFFFFB0  }
0x120: {  	[tilespmem:s26], [sflag:$0x2] =	stream.indirect.gather [hbm4b:s6+s19], $0x80, s21, s19, $0xb8;
	[tilespmem:$0x18A80] =	vst v63  }
0x121: {  	_ =	swait.ge [sflag:s3], $0x2800  }
0x122: {  	[sflag:s3] =	ssyncset.done $0x0  }
0x123: {  	[sflag:s3] =	ssyncadd.s32 $0xFFFFD800  }
0x124: {  	[spmem:s4] =	stream.indirect.scatter.add.f32 [tilespmem:s20], [sflag:$0x5], $0x80, s17, s19, $0xb8;
	[tilespmem:$0x18A80] =	vst v63  }
0x125: {  	_ =	swait.ge [sflag:s23], $0x2800  }
0x126: {  	[sflag:s23] =	ssyncset.done $0x0  }
0x127: {  	s12 =	rddreg [dreg:$0x18];
	[sflag:s23] =	ssyncadd.s32 $0xFFFFD800  }
0x128: {  	[tilespmem:s5], [sflag:$0x3] =	stream.linear.gather [hbm4b:s12+s5], $0x50, $0x38;
	[tilespmem:$0x18A80] =	vst v63  }
0x129: {  	s28 =	rddreg [dreg:$0x19]  }
0x12a: {  	[tilespmem:s17], [sflag:$0x3] =	stream.linear.gather [hbm4b:s28+s5], $0x50, $0x38;
	[tilespmem:$0x18A80] =	vst v63  }
0x12b: {  	_ =	swait.ge [sflag:s18], $0x50  }
0x12c: {  	[sflag:s18] =	ssyncset.done $0x0  }
0x12d: {  	[sflag:s18] =	ssyncadd.s32 $0xFFFFFFB0  }
0x12e: {  	_ =	swait.ge [sflag:s18], $0x50  }
0x12f: {  	[sflag:s18] =	ssyncset.done $0x0  }
0x130: {  	[sflag:s18] =	ssyncadd.s32 $0xFFFFFFB0  }
0x131: {  	[tilespmem:s20], [sflag:$0x1] =	stream.indirect.gather [hbm4b:s6+s19], $0x80, s5, s19, $0xb8;
	[tilespmem:$0x18A80] =	vst v63  }
0x132: {  	_ =	swait.ge [sflag:s24], $0x2800  }
0x133: {  	[sflag:s24] =	ssyncset.done $0x0  }
0x134: {  	[sflag:s24] =	ssyncadd.s32 $0xFFFFD800  }
0x135: {  	[spmem:s4] =	stream.indirect.scatter.add.f32 [tilespmem:s26], [sflag:$0x5], $0x80, s22, s19, $0xb8;
	[tilespmem:$0x18A80] =	vst v63  }
0x136: {  	_ =	swait.ge [sflag:s23], $0x2800  }
0x137: {  	[sflag:s23] =	ssyncset.done $0x0  }
0x138: {  	[sflag:s23] =	ssyncadd.s32 $0xFFFFD800  }
0x139: {  	[tilespmem:s21], [sflag:$0x4] =	stream.linear.gather [hbm4b:s12+s5], $0x50, $0x38;
	[tilespmem:$0x18A80] =	vst v63  }
0x13a: {  	_ = 	snop  }
0x13b: {  	[tilespmem:s22], [sflag:$0x4] =	stream.linear.gather [hbm4b:s28+s5], $0x50, $0x38;
	[tilespmem:$0x18A80] =	vst v63  }
0x13c: {  	_ =	swait.ge [sflag:s25], $0x50  }
0x13d: {  	[sflag:s25] =	ssyncset.done $0x0  }
0x13e: {  	[sflag:s25] =	ssyncadd.s32 $0xFFFFFFB0  }
0x13f: {  	_ =	swait.ge [sflag:s25], $0x50  }
0x140: {  	[sflag:s25] =	ssyncset.done $0x0  }
0x141: {  	[sflag:s25] =	ssyncadd.s32 $0xFFFFFFB0  }
0x142: {  	_ =	swait.ge [sflag:s3], $0x2800  }
0x143: {  	[sflag:s3] =	ssyncset.done $0x0  }
0x144: {  	[sflag:s3] =	ssyncadd.s32 $0xFFFFD800  }
0x145: {  	[spmem:s4] =	stream.indirect.scatter.add.f32 [tilespmem:s20], [sflag:$0x5], $0x80, s17, s19, $0xb8;
	[tilespmem:$0x18A80] =	vst v63  }
0x146: {  	_ =	swait.ge [sflag:s23], $0x2800  }
0x147: {  	[sflag:s23] =	ssyncset.done $0x0  }
0x148: {  	[sflag:s23] =	ssyncadd.s32 $0xFFFFD800  }
0x149: {  	[bflag:$0x0] =	sbarrier.arrive $0xFFFF  }
0x14a: {  	s12 =	rddreg [dreg:$0xd]  }
0x14b: {  	s28 =	rddreg [dreg:$0x1f]  }
0x14c: {  	[hbm:s12], [sflag:s31] =	dma.local @!p0 [spmem:s28], $0x3E80  }
0x14d: {  	s12 =	simm.s32 @!p0 $0x5  }
0x14e: {  	_ =	swait.ge @!p0 [sflag:s12], $0x3E80  }
0x14f: {  	[sflag:s12] =	ssyncset.done @!p0 $0x0  }
0x150: {  	[sflag:s12] =	ssyncadd.s32 @!p0 $0xFFFFC180  }
0x151: {  	[spmem:s28], [sflag:s31] =	dma.local @!p0 [hbm:s30], $0x3E80  }
0x152: {  	_ =	swait.ge @!p0 [sflag:s12], $0x3E80  }
0x153: {  	[sflag:s12] =	ssyncset.done @!p0 $0x0  }
0x154: {  	s29 =	rddreg [dreg:$0xe];
	[sflag:s12] =	ssyncadd.s32 @!p0 $0xFFFFC180;
	s12 =	simm.s32 $0x0  }
0x155: {  	[tilespmem:s12], [sflag:$0x3] =	stream.linear.gather [hbm4b:s29+s12], $0x50, $0x38;
	[tilespmem:$0x18A80] =	vst v63  }
0x156: {  	s29 =	rddreg [dreg:$0xf]  }
0x157: {  	[tilespmem:s17], [sflag:$0x3] =	stream.linear.gather [hbm4b:s29+s12], $0x50, $0x38;
	[tilespmem:$0x18A80] =	vst v63  }
0x158: {  	[bflag:$0x0] =	sbarrier.arrive $0xFFFF  }
0x159: {  	_ =	swait.ge [sflag:s18], $0x50  }
0x15a: {  	[sflag:s18] =	ssyncset.done $0x0  }
0x15b: {  	[sflag:s18] =	ssyncadd.s32 $0xFFFFFFB0  }
0x15c: {  	_ =	swait.ge [sflag:s18], $0x50  }
0x15d: {  	[sflag:s18] =	ssyncset.done $0x0  }
0x15e: {  	[sflag:s18] =	ssyncadd.s32 $0xFFFFFFB0  }
0x15f: {  	[tilespmem:s20], [sflag:$0x1] =	stream.indirect.gather [hbm4b:s6+s19], $0x80, s12, s19, $0xb8;
	[tilespmem:$0x18A80] =	vst v63  }
0x160: {  	s29 =	rddreg [dreg:$0x10]  }
0x161: {  	[tilespmem:s21], [sflag:$0x4] =	stream.linear.gather [hbm4b:s29+s12], $0x50, $0x38;
	[tilespmem:$0x18A80] =	vst v63  }
0x162: {  	s29 =	rddreg [dreg:$0x11]  }
0x163: {  	[tilespmem:s22], [sflag:$0x4] =	stream.linear.gather [hbm4b:s29+s12], $0x50, $0x38;
	[tilespmem:$0x18A80] =	vst v63  }
0x164: {  	_ =	swait.ge [sflag:s25], $0x50  }
0x165: {  	[sflag:s25] =	ssyncset.done $0x0  }
0x166: {  	[sflag:s25] =	ssyncadd.s32 $0xFFFFFFB0  }
0x167: {  	_ =	swait.ge [sflag:s25], $0x50  }
0x168: {  	[sflag:s25] =	ssyncset.done $0x0  }
0x169: {  	[sflag:s25] =	ssyncadd.s32 $0xFFFFFFB0  }
0x16a: {  	[tilespmem:s26], [sflag:$0x2] =	stream.indirect.gather [hbm4b:s6+s19], $0x80, s21, s19, $0xb8;
	[tilespmem:$0x18A80] =	vst v63  }
0x16b: {  	_ =	swait.ge [sflag:s3], $0x2800  }
0x16c: {  	[sflag:s3] =	ssyncset.done $0x0  }
0x16d: {  	[sflag:s3] =	ssyncadd.s32 $0xFFFFD800  }
0x16e: {  	[spmem:s4] =	stream.indirect.scatter.add.f32 [tilespmem:s20], [sflag:$0x5], $0x80, s17, s19, $0xb8;
	[tilespmem:$0x18A80] =	vst v63  }
0x16f: {  	_ =	swait.ge [sflag:s23], $0x2800  }
0x170: {  	[sflag:s23] =	ssyncset.done $0x0  }
0x171: {  	s28 =	sadd.s32 $0x0, s14;
	[sflag:s23] =	ssyncadd.s32 $0xFFFFD800  }
0x172: {  	[tilespmem:s5], [sflag:$0x3] =	stream.linear.gather [hbm4b:s28+s5], $0x50, $0x38;
	[tilespmem:$0x18A80] =	vst v63  }
0x173: {  	s29 =	sadd.s32 $0x0, s13  }
0x174: {  	[tilespmem:s17], [sflag:$0x3] =	stream.linear.gather [hbm4b:s29+s5], $0x50, $0x38;
	[tilespmem:$0x18A80] =	vst v63  }
0x175: {  	_ =	swait.ge [sflag:s18], $0x50  }
0x176: {  	[sflag:s18] =	ssyncset.done $0x0  }
0x177: {  	[sflag:s18] =	ssyncadd.s32 $0xFFFFFFB0  }
0x178: {  	_ =	swait.ge [sflag:s18], $0x50  }
0x179: {  	[sflag:s18] =	ssyncset.done $0x0  }
0x17a: {  	[sflag:s18] =	ssyncadd.s32 $0xFFFFFFB0  }
0x17b: {  	[tilespmem:s20], [sflag:$0x1] =	stream.indirect.gather [hbm4b:s6+s19], $0x80, s5, s19, $0xb8;
	[tilespmem:$0x18A80] =	vst v63  }
0x17c: {  	_ =	swait.ge [sflag:s24], $0x2800  }
0x17d: {  	[sflag:s24] =	ssyncset.done $0x0  }
0x17e: {  	[sflag:s24] =	ssyncadd.s32 $0xFFFFD800  }
0x17f: {  	[spmem:s4] =	stream.indirect.scatter.add.f32 [tilespmem:s26], [sflag:$0x5], $0x80, s22, s19, $0xb8;
	[tilespmem:$0x18A80] =	vst v63  }
0x180: {  	_ =	swait.ge [sflag:s23], $0x2800  }
0x181: {  	[sflag:s23] =	ssyncset.done $0x0  }
0x182: {  	s28 =	sadd.s32 $0x0, s16;
	[sflag:s23] =	ssyncadd.s32 $0xFFFFD800  }
0x183: {  	[tilespmem:s21], [sflag:$0x4] =	stream.linear.gather [hbm4b:s28+s5], $0x50, $0x38;
	[tilespmem:$0x18A80] =	vst v63  }
0x184: {  	s29 =	sadd.s32 $0x0, s15  }
0x185: {  	[tilespmem:s22], [sflag:$0x4] =	stream.linear.gather [hbm4b:s29+s5], $0x50, $0x38;
	[tilespmem:$0x18A80] =	vst v63  }
0x186: {  	_ =	swait.ge [sflag:s25], $0x50  }
0x187: {  	[sflag:s25] =	ssyncset.done $0x0  }
0x188: {  	[sflag:s25] =	ssyncadd.s32 $0xFFFFFFB0  }
0x189: {  	_ =	swait.ge [sflag:s25], $0x50  }
0x18a: {  	s12 =	simm.s32 $0x14;
	[sflag:s25] =	ssyncset.done $0x0  }
.LBB2_6:
0x18b: {  	p1 =	sne.s32 s12, $0x4B0  }
0x18c: {  	[sflag:s25] =	ssyncadd.s32 $0xFFFFFFB0;
	s28 =	smov.u32 s12;
	s12 =	sadd.s32 $0x14, s12  }
0x18d: {  	[tilespmem:s26], [sflag:$0x2] =	stream.indirect.gather [hbm4b:s6+s19], $0x80, s21, s19, $0xb8;
	[tilespmem:$0x18A80] =	vst v63  }
0x18e: {  	_ =	swait.ge [sflag:s3], $0x2800  }
0x18f: {  	[sflag:s3] =	ssyncset.done $0x0  }
0x190: {  	[sflag:s3] =	ssyncadd.s32 $0xFFFFD800  }
0x191: {  	[spmem:s4] =	stream.indirect.scatter.add.f32 [tilespmem:s20], [sflag:$0x5], $0x80, s17, s19, $0xb8;
	[tilespmem:$0x18A80] =	vst v63  }
0x192: {  	_ =	swait.ge [sflag:s23], $0x2800  }
0x193: {  	[sflag:s23] =	ssyncset.done $0x0  }
0x194: {  	s29 =	sadd.s32 s28, s14;
	[sflag:s23] =	ssyncadd.s32 $0xFFFFD800  }
0x195: {  	[tilespmem:s5], [sflag:$0x3] =	stream.linear.gather [hbm4b:s29+s5], $0x50, $0x38;
	[tilespmem:$0x18A80] =	vst v63  }
0x196: {  	s29 =	sadd.s32 s28, s13  }
0x197: {  	[tilespmem:s17], [sflag:$0x3] =	stream.linear.gather [hbm4b:s29+s5], $0x50, $0x38;
	[tilespmem:$0x18A80] =	vst v63  }
0x198: {  	_ =	swait.ge [sflag:s18], $0x50  }
0x199: {  	[sflag:s18] =	ssyncset.done $0x0  }
0x19a: {  	[sflag:s18] =	ssyncadd.s32 $0xFFFFFFB0  }
0x19b: {  	_ =	swait.ge [sflag:s18], $0x50  }
0x19c: {  	[sflag:s18] =	ssyncset.done $0x0  }
0x19d: {  	[sflag:s18] =	ssyncadd.s32 $0xFFFFFFB0  }
0x19e: {  	[tilespmem:s20], [sflag:$0x1] =	stream.indirect.gather [hbm4b:s6+s19], $0x80, s5, s19, $0xb8;
	[tilespmem:$0x18A80] =	vst v63  }
0x19f: {  	_ =	swait.ge [sflag:s24], $0x2800  }
0x1a0: {  	[sflag:s24] =	ssyncset.done $0x0  }
0x1a1: {  	[sflag:s24] =	ssyncadd.s32 $0xFFFFD800  }
0x1a2: {  	[spmem:s4] =	stream.indirect.scatter.add.f32 [tilespmem:s26], [sflag:$0x5], $0x80, s22, s19, $0xb8;
	[tilespmem:$0x18A80] =	vst v63  }
0x1a3: {  	_ =	swait.ge [sflag:s23], $0x2800  }
0x1a4: {  	[sflag:s23] =	ssyncset.done $0x0  }
0x1a5: {  	s29 =	sadd.s32 s28, s16;
	[sflag:s23] =	ssyncadd.s32 $0xFFFFD800  }
0x1a6: {  	[tilespmem:s21], [sflag:$0x4] =	stream.linear.gather [hbm4b:s29+s5], $0x50, $0x38;
	[tilespmem:$0x18A80] =	vst v63  }
0x1a7: {  	s28 =	sadd.s32 s28, s15  }
0x1a8: {  	[tilespmem:s22], [sflag:$0x4] =	stream.linear.gather [hbm4b:s28+s5], $0x50, $0x38;
	[tilespmem:$0x18A80] =	vst v63  }
.Ltmp2:
0x1a9: {  	_ =	swait.ge [sflag:s25], $0x50;
	(pc) =	sbr.rel @p1 .LBB2_6-.Ltmp2, $4  }
0x1aa: {  	[sflag:s25] =	ssyncset.done $0x0  }
0x1ab: {  	[sflag:s25] =	ssyncadd.s32 $0xFFFFFFB0  }
0x1ac: {  	_ =	swait.ge [sflag:s25], $0x50  }
0x1ad: {  	[sflag:s25] =	ssyncset.done $0x0  }
0x1ae: {  	[sflag:s25] =	ssyncadd.s32 $0xFFFFFFB0  }
0x1af: {  	[tilespmem:s26], [sflag:$0x2] =	stream.indirect.gather [hbm4b:s6+s19], $0x80, s21, s19, $0xb8;
	[tilespmem:$0x18A80] =	vst v63  }
0x1b0: {  	_ =	swait.ge [sflag:s3], $0x2800  }
0x1b1: {  	[sflag:s3] =	ssyncset.done $0x0  }
0x1b2: {  	[sflag:s3] =	ssyncadd.s32 $0xFFFFD800  }
0x1b3: {  	[spmem:s4] =	stream.indirect.scatter.add.f32 [tilespmem:s20], [sflag:$0x5], $0x80, s17, s19, $0xb8;
	[tilespmem:$0x18A80] =	vst v63  }
0x1b4: {  	_ =	swait.ge [sflag:s23], $0x2800  }
0x1b5: {  	[sflag:s23] =	ssyncset.done $0x0  }
0x1b6: {  	s12 =	rddreg [dreg:$0x1a];
	[sflag:s23] =	ssyncadd.s32 $0xFFFFD800  }
0x1b7: {  	[tilespmem:s5], [sflag:$0x3] =	stream.linear.gather [hbm4b:s12+s5], $0x50, $0x38;
	[tilespmem:$0x18A80] =	vst v63  }
0x1b8: {  	s28 =	rddreg [dreg:$0x1b]  }
0x1b9: {  	[tilespmem:s17], [sflag:$0x3] =	stream.linear.gather [hbm4b:s28+s5], $0x50, $0x38;
	[tilespmem:$0x18A80] =	vst v63  }
0x1ba: {  	_ =	swait.ge [sflag:s18], $0x50  }
0x1bb: {  	[sflag:s18] =	ssyncset.done $0x0  }
0x1bc: {  	[sflag:s18] =	ssyncadd.s32 $0xFFFFFFB0  }
0x1bd: {  	_ =	swait.ge [sflag:s18], $0x50  }
0x1be: {  	[sflag:s18] =	ssyncset.done $0x0  }
0x1bf: {  	[sflag:s18] =	ssyncadd.s32 $0xFFFFFFB0  }
0x1c0: {  	[tilespmem:s20], [sflag:$0x1] =	stream.indirect.gather [hbm4b:s6+s19], $0x80, s5, s19, $0xb8;
	[tilespmem:$0x18A80] =	vst v63  }
0x1c1: {  	_ =	swait.ge [sflag:s24], $0x2800  }
0x1c2: {  	[sflag:s24] =	ssyncset.done $0x0  }
0x1c3: {  	[sflag:s24] =	ssyncadd.s32 $0xFFFFD800  }
0x1c4: {  	[spmem:s4] =	stream.indirect.scatter.add.f32 [tilespmem:s26], [sflag:$0x5], $0x80, s22, s19, $0xb8;
	[tilespmem:$0x18A80] =	vst v63  }
0x1c5: {  	_ =	swait.ge [sflag:s23], $0x2800  }
0x1c6: {  	[sflag:s23] =	ssyncset.done $0x0  }
0x1c7: {  	[sflag:s23] =	ssyncadd.s32 $0xFFFFD800  }
0x1c8: {  	[tilespmem:s21], [sflag:$0x4] =	stream.linear.gather [hbm4b:s12+s5], $0x50, $0x38;
	[tilespmem:$0x18A80] =	vst v63  }
0x1c9: {  	_ = 	snop  }
0x1ca: {  	[tilespmem:s22], [sflag:$0x4] =	stream.linear.gather [hbm4b:s28+s5], $0x50, $0x38;
	[tilespmem:$0x18A80] =	vst v63  }
0x1cb: {  	_ =	swait.ge [sflag:s25], $0x50  }
0x1cc: {  	[sflag:s25] =	ssyncset.done $0x0  }
0x1cd: {  	[sflag:s25] =	ssyncadd.s32 $0xFFFFFFB0  }
0x1ce: {  	_ =	swait.ge [sflag:s25], $0x50  }
0x1cf: {  	[sflag:s25] =	ssyncset.done $0x0  }
0x1d0: {  	[sflag:s25] =	ssyncadd.s32 $0xFFFFFFB0  }
0x1d1: {  	_ =	swait.ge [sflag:s3], $0x2800  }
0x1d2: {  	[sflag:s3] =	ssyncset.done $0x0  }
0x1d3: {  	[sflag:s3] =	ssyncadd.s32 $0xFFFFD800  }
0x1d4: {  	[spmem:s4] =	stream.indirect.scatter.add.f32 [tilespmem:s20], [sflag:$0x5], $0x80, s17, s19, $0xb8;
	[tilespmem:$0x18A80] =	vst v63  }
0x1d5: {  	_ =	swait.ge [sflag:s23], $0x2800  }
0x1d6: {  	[sflag:s23] =	ssyncset.done $0x0  }
0x1d7: {  	[sflag:s23] =	ssyncadd.s32 $0xFFFFD800  }
0x1d8: {  	[bflag:$0x0] =	sbarrier.arrive $0xFFFF  }
0x1d9: {  	s12 =	rddreg [dreg:$0x12]  }
0x1da: {  	s28 =	rddreg [dreg:$0x1f]  }
0x1db: {  	[hbm:s12], [sflag:s31] =	dma.local @!p0 [spmem:s28], $0x3E80  }
0x1dc: {  	s12 =	simm.s32 @!p0 $0x5  }
0x1dd: {  	_ =	swait.ge @!p0 [sflag:s12], $0x3E80  }
0x1de: {  	s29 =	rddreg [dreg:$0x1d]  }
0x1df: {  	s31 =	rddreg [dreg:$0x13];
	s29 =	sadd.s32 $0x1, s29  }
0x1e0: {  	p1 =	sne.s32 s29, s31  }
.Ltmp3:
0x1e1: {  	_ = 	snop;
	(pc) =	sbr.rel @p1 .LBB2_1-.Ltmp3, $3  }
0x1e2: {  	_ =	sdelay $0x1  }
0x1e3: {  	[sflag:s12] =	ssyncset.done @!p0 $0x0  }
0x1e4: {  	[sflag:s12] =	ssyncadd.s32 @!p0 $0xFFFFC180  }
0x1e5: {  	_ =	sfence.sel $0x180000  }
0x1e6: {  	[bflag:$0x0] =	sbarrier.arrive $0xFFFF  }
0x1e7: {  	_ =	strace $0x9000004D  }
0x1e8: {  	s0 =	stileid.u32;
	[bflag:$0x2] =	sbarrier.arrive $0xFFFF  }
0x1e9: {  	p0 =	sne.s32 s0, $0x0;
	s0 =	rddreg [dreg:$0x4]  }
0x1ea: {  	s0 =	sadd.s32 @!p0 $0x100000, s0  }
0x1eb: {  	[sflag:s0] =	ssyncadd.tile.s32 @!p0 $0x1;
	_ =	shalt  }
.Lfunc_end2:
_tile_overlayer_lowered:
.L_overlay_start_2:
0x1ec: {  	(tag) =	ssettag $0x2  }
0x1ed: {  	s0 =	rddreg [dreg:$0x0];
	s2 =	stileid.u32  }
0x1ee: {  	s1 =	rddreg [dreg:$0x1];
	p0 =	sne.s32 s2, $0x0  }
0x1ef: {  	s3 =	rddreg [dreg:$0x2];
	[bflag:$0x3] =	sbarrier.arrive $0xFFFF;
	s2 =	simm.s32 @!p0 $0x1C05  }
0x1f0: {  	[timem:s3], [sflag:s2] =	dma.local @!p0 [hbm:s0], s1  }
0x1f1: {  	s0 =	simm.s32 @!p0 $0x5  }
0x1f2: {  	_ =	swait.ge @!p0 [sflag:s0], s1  }
0x1f3: {  	s1 =	ssub.s32 @!p0 $0x0, s1;
	[sflag:s0] =	ssyncset.done @!p0 $0x0  }
0x1f4: {  	[sflag:s0] =	ssyncadd.s32 @!p0 s1  }
0x1f5: {  	[bflag:$0x3] =	sbarrier.arrive $0xFFFF  }
0x1f6: {  	_ =	shalt  }

</sc_bundles>
